<compile_context>
chip_gen: v7x
topology: tpu7x:2x2x1
jax: 0.10.2.dev20260603
libtpu: 0.0.44.dev20260713+nightly
codegen_flags: <defaults>
</compile_context>

<pallas_src>
import functools

import jax
import jax.numpy as jnp
from jax import lax
from jax.experimental import pallas as pl
from jax.experimental.pallas import tpu as pltpu
from jax.experimental.pallas import tpu_sc as plsc

H = 128
K = 16
NUM_RBF = 20
CUTOFF = 10.0
NGRAPH = 32
N_PROT = 6000
N_LIG = 600
N_NODES = N_PROT + N_LIG
BN = 128
NPAD = 6656
NBLK = NPAD // BN
EPAD = NPAD * K
OUT_DIM = 2

_RBF_STEP = CUTOFF / (NUM_RBF - 1)
_RBF_COEFF = -0.5 / _RBF_STEP ** 2

_pcall = pl.pallas_call


def _mm_kernel(x_ref, w_ref, o_ref):
    o_ref[...] = jnp.dot(x_ref[...], w_ref[...],
                         preferred_element_type=jnp.float32)


def _proj(x, w):
    return _pcall(
        _mm_kernel,
        grid=(NBLK,),
        in_specs=[pl.BlockSpec((BN, x.shape[1]), lambda i: (i, 0)),
                  pl.BlockSpec(w.shape, lambda i: (0, 0))],
        out_specs=pl.BlockSpec((BN, H), lambda i: (i, 0)),
        out_shape=jax.ShapeDtypeStruct((NPAD, H), jnp.float32),
    )(x, w)


def _two_mm_kernel(x_ref, wa_ref, wb_ref, oa_ref, ob_ref):
    x = x_ref[...]
    oa_ref[...] = jnp.dot(x, wa_ref[...], preferred_element_type=jnp.float32)
    ob_ref[...] = jnp.dot(x, wb_ref[...], preferred_element_type=jnp.float32)


def _two_mm(h, wa, wb):
    return _pcall(
        _two_mm_kernel,
        grid=(NBLK,),
        in_specs=[pl.BlockSpec((BN, H), lambda i: (i, 0)),
                  pl.BlockSpec((H, H), lambda i: (0, 0)),
                  pl.BlockSpec((H, H), lambda i: (0, 0))],
        out_specs=[pl.BlockSpec((BN, H), lambda i: (i, 0)),
                   pl.BlockSpec((BN, H), lambda i: (i, 0))],
        out_shape=[jax.ShapeDtypeStruct((NPAD, H), jnp.float32),
                   jax.ShapeDtypeStruct((NPAD, H), jnp.float32)],
    )(h, wa, wb)


def _knn_kernel(pd_ref, psT_ref, bd_ref, bs_ref, idx_ref, d_ref):
    i = pl.program_id(0)
    pd = pd_ref[...]
    psT = psT_ref[...]
    d2 = (jnp.sum(pd * pd, axis=1, keepdims=True)
          + jnp.sum(psT * psT, axis=0, keepdims=True)
          - 2.0 * jnp.dot(pd, psT, preferred_element_type=jnp.float32))
    src_iota = lax.broadcasted_iota(jnp.int32, (BN, NPAD), 1)
    dst_ids = i * BN + lax.broadcasted_iota(jnp.int32, (BN, NPAD), 0)
    bad = (bd_ref[...] != bs_ref[...]) | (dst_ids == src_iota)
    d2 = jnp.where(bad, jnp.inf, d2)
    for t in range(K):
        mn = jnp.min(d2, axis=1, keepdims=True)
        cand = jnp.where(d2 == mn, src_iota, NPAD + 1)
        sel = jnp.min(cand, axis=1, keepdims=True)
        idx_ref[:, t:t + 1] = sel
        d_ref[:, t:t + 1] = jnp.sqrt(jnp.maximum(mn, 0.0) + 1e-12)
        d2 = jnp.where(src_iota == sel, jnp.inf, d2)


def _knn(pos, psT, bcol, brow):
    return _pcall(
        _knn_kernel,
        grid=(NBLK,),
        in_specs=[pl.BlockSpec((BN, 3), lambda i: (i, 0)),
                  pl.BlockSpec((3, NPAD), lambda i: (0, 0)),
                  pl.BlockSpec((BN, 1), lambda i: (i, 0)),
                  pl.BlockSpec((1, NPAD), lambda i: (0, 0))],
        out_specs=[pl.BlockSpec((BN, K), lambda i: (i, 0)),
                   pl.BlockSpec((BN, K), lambda i: (i, 0))],
        out_shape=[jax.ShapeDtypeStruct((NPAD, K), jnp.int32),
                   jax.ShapeDtypeStruct((NPAD, K), jnp.float32)],
    )(pos, psT, bcol, brow)


_SC_NC = 2
_SC_NW = 32
_SC_CH = 128
_PER_W = EPAD // _SC_NW
_SC_NCH = _PER_W // _SC_CH


@functools.cache
def _build_sc_gather():
    @functools.partial(
        pl.kernel,
        mesh=plsc.VectorSubcoreMesh(core_axis_name="c", subcore_axis_name="s"),
        out_type=jax.ShapeDtypeStruct((EPAD, H), jnp.float32),
        scratch_types=[
            pltpu.VMEM((2, _SC_CH), jnp.int32),
            pltpu.VMEM((2, _SC_CH, H), jnp.float32),
            pltpu.SemaphoreType.DMA((2,)),
        ],
    )
    def _sc_gather(table_hbm, idx_hbm, out_hbm, idx_v, rows_v, sem):
        wid = lax.axis_index("s") * _SC_NC + lax.axis_index("c")
        base = wid * _PER_W

        pltpu.sync_copy(idx_hbm.at[pl.ds(base, _SC_CH)], idx_v.at[0])
        pltpu.make_async_copy(
            table_hbm.at[idx_v.at[0]], rows_v.at[0], sem.at[0]).start()

        def body(i, carry):
            b = lax.rem(i, 2)
            nb = lax.rem(i + 1, 2)

            @pl.when(i + 1 < _SC_NCH)
            def _():
                noff = base + (i + 1) * _SC_CH
                pltpu.sync_copy(idx_hbm.at[pl.ds(noff, _SC_CH)],
                                idx_v.at[nb])
                pltpu.make_async_copy(
                    table_hbm.at[idx_v.at[nb]], rows_v.at[nb],
                    sem.at[nb]).start()

            pltpu.make_async_copy(
                table_hbm.at[idx_v.at[b]], rows_v.at[b], sem.at[b]).wait()
            pltpu.sync_copy(rows_v.at[b],
                            out_hbm.at[pl.ds(base + i * _SC_CH, _SC_CH)])
            return carry

        lax.fori_loop(0, _SC_NCH, body, 0)

    return _sc_gather


def _GATHER(table, idx):
    return _build_sc_gather()(table, idx)


def _edge_kernel(h_ref, hA_ref, g_ref, d_ref,
                 c_ref, be1_ref, w2_ref, be2_ref,
                 wn1h_ref, wn1a_ref, bn1_ref, wn2_ref, bn2_ref,
                 lng_ref, lnb_ref, o_ref):
    d = d_ref[...]
    off = lax.broadcasted_iota(jnp.int32, (1, NUM_RBF), 1).astype(
        jnp.float32) * _RBF_STEP
    rbf = jnp.exp(_RBF_COEFF * (d - off) ** 2)
    cut = (d <= CUTOFF).astype(jnp.float32)
    hA = hA_ref[...]
    hA_e = jnp.reshape(jnp.broadcast_to(hA[:, None, :], (BN, K, H)),
                       (BN * K, H))
    m1 = jnp.maximum(
        hA_e + g_ref[...]
        + jnp.dot(rbf, c_ref[...], preferred_element_type=jnp.float32)
        + be1_ref[...], 0.0)
    m = jnp.maximum(
        jnp.dot(m1, w2_ref[...], preferred_element_type=jnp.float32)
        + be2_ref[...], 0.0) * cut
    agg = jnp.sum(jnp.reshape(m, (BN, K, H)), axis=1)
    h = h_ref[...]
    u1 = jnp.maximum(
        jnp.dot(h, wn1h_ref[...], preferred_element_type=jnp.float32)
        + jnp.dot(agg, wn1a_ref[...], preferred_element_type=jnp.float32)
        + bn1_ref[...], 0.0)
    u = jnp.dot(u1, wn2_ref[...], preferred_element_type=jnp.float32) \
        + bn2_ref[...]
    r = h + u
    mu = jnp.mean(r, axis=1, keepdims=True)
    var = jnp.mean((r - mu) ** 2, axis=1, keepdims=True)
    o_ref[...] = (r - mu) * lax.rsqrt(var + 1e-5) * lng_ref[...] \
        + lnb_ref[...]


def _edge_node(h, hA, g, dcol, c, be1, w2, be2,
               wn1h, wn1a, bn1, wn2, bn2, lng, lnb):
    full = lambda a: pl.BlockSpec(a.shape, lambda i: (0, 0))
    return _pcall(
        _edge_kernel,
        grid=(NBLK,),
        in_specs=[pl.BlockSpec((BN, H), lambda i: (i, 0)),
                  pl.BlockSpec((BN, H), lambda i: (i, 0)),
                  pl.BlockSpec((BN * K, H), lambda i: (i, 0)),
                  pl.BlockSpec((BN * K, 1), lambda i: (i, 0)),
                  full(c), full(be1), full(w2), full(be2),
                  full(wn1h), full(wn1a), full(bn1), full(wn2), full(bn2),
                  full(lng), full(lnb)],
        out_specs=pl.BlockSpec((BN, H), lambda i: (i, 0)),
        out_shape=jax.ShapeDtypeStruct((NPAD, H), jnp.float32),
    )(h, hA, g, dcol, c, be1, w2, be2, wn1h, wn1a, bn1, wn2, bn2, lng, lnb)


def _final_kernel(h_ref, enc_ref, brow_ref, w1h_ref, w1e_ref, b1_ref,
                  w2_ref, b2_ref, wo1h_ref, wo1g_ref, bo1_ref,
                  wo2_ref, bo2_ref, encg_ref, kind_ref, o_ref, acc_ref):
    i = pl.program_id(0)
    x1 = jnp.maximum(
        jnp.dot(h_ref[...], w1h_ref[...], preferred_element_type=jnp.float32)
        + jnp.dot(enc_ref[...], w1e_ref[...],
                  preferred_element_type=jnp.float32)
        + b1_ref[...], 0.0)
    x2 = jnp.dot(x1, w2_ref[...], preferred_element_type=jnp.float32) \
        + b2_ref[...]
    s_iota = lax.broadcasted_iota(jnp.int32, (NGRAPH, BN), 0)
    oh = (brow_ref[...] == s_iota).astype(jnp.float32)
    part = jnp.dot(oh, x2, preferred_element_type=jnp.float32)

    @pl.when(i == 0)
    def _():
        acc_ref[...] = jnp.zeros_like(acc_ref)

    acc_ref[...] += part

    @pl.when(i == pl.num_programs(0) - 1)
    def _():
        pre = acc_ref[...]
        z = (jnp.dot(pre, wo1h_ref[...], preferred_element_type=jnp.float32)
             + jnp.dot(encg_ref[...], wo1g_ref[...],
                       preferred_element_type=jnp.float32)
             + bo1_ref[...])
        sp = jnp.maximum(z, 0.0) + jnp.log1p(jnp.exp(-jnp.abs(z))) \
            - jnp.log(2.0).astype(jnp.float32)
        o2 = jnp.dot(sp, wo2_ref[...], preferred_element_type=jnp.float32) \
            + bo2_ref[...]
        k_oh = (kind_ref[...] - 1
                == lax.broadcasted_iota(jnp.int32, (NGRAPH, OUT_DIM), 1)
                ).astype(jnp.float32)
        o_ref[...] = jnp.sum(o2 * k_oh, axis=1, keepdims=True)


def _final(h, enc_pad, brow, w1h, w1e, b1, w2, b2,
           wo1h, wo1g, bo1, wo2, bo2, encg, kind):
    full = lambda a: pl.BlockSpec(a.shape, lambda i: (0, 0))
    return _pcall(
        _final_kernel,
        grid=(NBLK,),
        in_specs=[pl.BlockSpec((BN, H), lambda i: (i, 0)),
                  pl.BlockSpec((BN, enc_pad.shape[1]), lambda i: (i, 0)),
                  pl.BlockSpec((1, BN), lambda i: (0, i)),
                  full(w1h), full(w1e), full(b1), full(w2), full(b2),
                  full(wo1h), full(wo1g), full(bo1), full(wo2), full(bo2),
                  full(encg), full(kind)],
        out_specs=pl.BlockSpec((NGRAPH, 1), lambda i: (0, 0)),
        out_shape=jax.ShapeDtypeStruct((NGRAPH, 1), jnp.float32),
        scratch_shapes=[pltpu.VMEM((NGRAPH, H), jnp.float32)],
    )(h, enc_pad, brow, w1h, w1e, b1, w2, b2,
      wo1h, wo1g, bo1, wo2, bo2, encg, kind)


def kernel(protein_pos, protein_atom_feature, ligand_pos, ligand_atom_feature,
           batch_protein, batch_ligand, output_kind,
           enc_ligand_feature, enc_node_feature, enc_graph_feature, params):
    f32 = jnp.float32
    lig_feat = jnp.concatenate(
        [ligand_atom_feature, enc_ligand_feature], axis=1)
    pfd = protein_atom_feature.shape[1]
    lfd = lig_feat.shape[1]
    xa_d = 64
    xa = jnp.zeros((NPAD, xa_d), f32)
    xa = xa.at[:N_PROT, :pfd].set(protein_atom_feature)
    xa = xa.at[N_PROT:N_NODES, pfd:pfd + lfd].set(lig_feat)
    xa = xa.at[:N_PROT, pfd + lfd].set(1.0)
    xa = xa.at[N_PROT:N_NODES, pfd + lfd + 1].set(1.0)
    wa = jnp.zeros((xa_d, H), f32)
    wa = wa.at[:pfd].set(params['Wp'])
    wa = wa.at[pfd:pfd + lfd].set(params['Wl'])
    wa = wa.at[pfd + lfd].set(params['bp'])
    wa = wa.at[pfd + lfd + 1].set(params['bl'])

    pos = jnp.concatenate(
        [protein_pos, ligand_pos,
         jnp.zeros((NPAD - N_NODES, 3), f32)], axis=0)
    batch_all = jnp.concatenate(
        [batch_protein, batch_ligand]).astype(jnp.int32)
    batch_pad = jnp.concatenate(
        [batch_all, jnp.full((NPAD - N_NODES,), -1, jnp.int32)])
    brow = batch_pad.reshape(1, NPAD)
    bcol = batch_pad.reshape(NPAD, 1)
    psT = pos.T

    order = jnp.argsort(batch_all)
    inv = jnp.argsort(order)
    enc_aligned = enc_node_feature[inv]
    enc_pad = jnp.concatenate(
        [enc_aligned,
         jnp.zeros((NPAD - N_NODES, enc_aligned.shape[1]), f32)], axis=0)

    h = _proj(xa, wa)
    idx, dsel = _knn(pos, psT, bcol, brow)
    idx_flat = idx.reshape(EPAD)
    dcol = dsel.reshape(EPAD, 1)

    for lp in params['enc_layers']:
        a_w = lp['We1'][:H]
        b_w = lp['We1'][H:2 * H]
        c_w = lp['We1'][2 * H:]
        hA, hB = _two_mm(h, a_w, b_w)
        g = _GATHER(hB, idx_flat)
        h = _edge_node(h, hA, g, dcol, c_w,
                       lp['be1'].reshape(1, H), lp['We2'],
                       lp['be2'].reshape(1, H),
                       lp['Wn1'][:H], lp['Wn1'][H:],
                       lp['bn1'].reshape(1, H), lp['Wn2'],
                       lp['bn2'].reshape(1, H),
                       lp['ln_g'].reshape(1, H), lp['ln_b'].reshape(1, H))

    out = _final(
        h, enc_pad, brow,
        params['Wenc1'][:H], params['Wenc1'][H:],
        params['benc1'].reshape(1, H),
        params['Wenc2'], params['benc2'].reshape(1, H),
        params['Wo1'][:H], params['Wo1'][H:],
        params['bo1'].reshape(1, H),
        params['Wo2'], params['bo2'].reshape(1, OUT_DIM),
        enc_graph_feature.astype(f32),
        output_kind.reshape(NGRAPH, 1).astype(jnp.int32))
    return out

# --- scband reference (transcript-rebuilt; emitter-appended) ---
"""Pipeline reference for scband-prop-pred-net-enc-31765578121844 (READ-ONLY COPY).

The authoritative reference and input builder live on the scoring server;
editing this copy changes nothing except your own understanding.
"""

import jax, jax.numpy as jnp
import numpy as np

H = 128
NUM_RBF = 20
K = 16
CUTOFF = 10.0
NUM_LAYERS = 3
OUT_DIM = 2
B = 32
NP_ = 6000
NL_ = 600
PF = 27
LF = 13
ENC_L = 8
ENC_N = 16
ENC_G = 4


def _linear(x, W, b):
    return x @ W + b


def shifted_softplus(x):
    return jax.nn.softplus(x) - jnp.log(2.0)


def layer_norm(x, g, b, eps=1e-5):
    m = jnp.mean(x, axis=-1, keepdims=True)
    v = jnp.var(x, axis=-1, keepdims=True)
    return (x - m) / jnp.sqrt(v + eps) * g + b


def rbf_expand(d):
    offset = jnp.linspace(0.0, CUTOFF, NUM_RBF)
    coeff = -0.5 / (offset[1] - offset[0]) ** 2
    return jnp.exp(coeff * (d[:, None] - offset[None, :]) ** 2)


def knn_graph(pos, batch, k):
    pos = jax.lax.stop_gradient(pos)
    n = pos.shape[0]
    x2 = jnp.sum(pos * pos, axis=1)
    d2 = x2[:, None] + x2[None, :] - 2.0 * (pos @ pos.T)
    bad = (batch[:, None] != batch[None, :]) | jnp.eye(n, dtype=bool)
    d2 = jnp.where(bad, jnp.inf, d2)
    _, idx = jax.lax.top_k(-d2, k)
    dst = jnp.repeat(jnp.arange(n), k)
    src = idx.reshape(-1)
    return src, dst


def egnn_encoder(h, pos, batch, layers):
    src, dst = knn_graph(pos, batch, K)
    rel = pos[dst] - pos[src]
    d = jnp.sqrt(jnp.sum(rel * rel, axis=-1) + 1e-12)
    edge_feat = rbf_expand(d)
    cut_mask = (d <= CUTOFF).astype(h.dtype)[:, None]
    n = h.shape[0]
    for lp in layers:
        m = jnp.concatenate([h[dst], h[src], edge_feat], axis=-1)
        m = jax.nn.relu(_linear(m, lp['We1'], lp['be1']))
        m = jax.nn.relu(_linear(m, lp['We2'], lp['be2']))
        m = m * cut_mask
        agg = jnp.zeros((n, H), h.dtype).at[dst].add(m)
        u = jnp.concatenate([h, agg], axis=-1)
        u = jax.nn.relu(_linear(u, lp['Wn1'], lp['bn1']))
        u = _linear(u, lp['Wn2'], lp['bn2'])
        h = layer_norm(h + u, lp['ln_g'], lp['ln_b'])
    return h


def compose_context(h_p, h_l, pos_p, pos_l, b_p, b_l):
    batch_all = jnp.concatenate([b_p, b_l])
    order = jnp.argsort(batch_all)
    h = jnp.concatenate([h_p, h_l], axis=0)[order]
    pos = jnp.concatenate([pos_p, pos_l], axis=0)[order]
    return h, pos, batch_all[order]


def _init_params(key):
    def glorot(k, shape):
        return (jax.random.normal(k, shape) / np.sqrt(shape[0])).astype(jnp.float32)
    keys = jax.random.split(key, 64)
    it = iter(range(64))
    p = {
        'Wp': glorot(keys[next(it)], (PF, H)), 'bp': jnp.zeros((H,), jnp.float32),
        'Wl': glorot(keys[next(it)], (LF + ENC_L, H)), 'bl': jnp.zeros((H,), jnp.float32),
        'Wenc1': glorot(keys[next(it)], (H + ENC_N, H)), 'benc1': jnp.zeros((H,), jnp.float32),
        'Wenc2': glorot(keys[next(it)], (H, H)), 'benc2': jnp.zeros((H,), jnp.float32),
        'Wo1': glorot(keys[next(it)], (H + ENC_G, H)), 'bo1': jnp.zeros((H,), jnp.float32),
        'Wo2': glorot(keys[next(it)], (H, OUT_DIM)), 'bo2': jnp.zeros((OUT_DIM,), jnp.float32),
        'enc_layers': [],
    }
    for _ in range(NUM_LAYERS):
        p['enc_layers'].append({
            'We1': glorot(keys[next(it)], (2 * H + NUM_RBF, H)), 'be1': jnp.zeros((H,), jnp.float32),
            'We2': glorot(keys[next(it)], (H, H)), 'be2': jnp.zeros((H,), jnp.float32),
            'Wn1': glorot(keys[next(it)], (2 * H, H)), 'bn1': jnp.zeros((H,), jnp.float32),
            'Wn2': glorot(keys[next(it)], (H, H)), 'bn2': jnp.zeros((H,), jnp.float32),
            'ln_g': jnp.ones((H,), jnp.float32), 'ln_b': jnp.zeros((H,), jnp.float32),
        })
    return p


def setup_inputs(seed: int = 0):
    key = jax.random.key(seed)
    ks = jax.random.split(key, 16)
    return {
        'protein_pos': jax.random.normal(ks[0], (NP_, 3)) * 5.0,
        'protein_atom_feature': jax.random.normal(ks[1], (NP_, PF)),
        'ligand_pos': jax.random.normal(ks[2], (NL_, 3)) * 5.0,
        'ligand_atom_feature': jax.random.normal(ks[3], (NL_, LF)),
        'batch_protein': jnp.sort(jax.random.randint(ks[4], (NP_,), 0, B)),
        'batch_ligand': jnp.sort(jax.random.randint(ks[5], (NL_,), 0, B)),
        'output_kind': jnp.ones((B,), dtype=jnp.int32),
        'enc_ligand_feature': jax.random.normal(ks[6], (NL_, ENC_L)),
        'enc_node_feature': jax.random.normal(ks[7], (NP_ + NL_, ENC_N)),
        'enc_graph_feature': jax.random.normal(ks[8], (B, ENC_G)),
        'params': _init_params(ks[9]),
    }


def reference(protein_pos, protein_atom_feature, ligand_pos, ligand_atom_feature,
              batch_protein, batch_ligand, output_kind,
              enc_ligand_feature, enc_node_feature, enc_graph_feature, params):
    h_p = _linear(protein_atom_feature, params['Wp'], params['bp'])
    lig_feat = jnp.concatenate([ligand_atom_feature, enc_ligand_feature], axis=-1)
    h_l = _linear(lig_feat, params['Wl'], params['bl'])
    h, pos, batch_ctx = compose_context(h_p, h_l, protein_pos, ligand_pos, batch_protein, batch_ligand)
    h = egnn_encoder(h, pos, batch_ctx, params['enc_layers'])
    h = jnp.concatenate([h, enc_node_feature], axis=-1)
    h = jax.nn.relu(_linear(h, params['Wenc1'], params['benc1']))
    h = _linear(h, params['Wenc2'], params['benc2'])
    pre = jax.ops.segment_sum(h, batch_ctx, num_segments=B)
    pre = jnp.concatenate([pre, enc_graph_feature], axis=-1)
    out = shifted_softplus(_linear(pre, params['Wo1'], params['bo1']))
    out = _linear(out, params['Wo2'], params['bo2'])
    mask = jax.nn.one_hot(output_kind - 1, OUT_DIM, dtype=out.dtype)
    out = jnp.sum(out * mask, axis=-1, keepdims=True)
    return out

if __name__ == "__main__":
    import jax
    _d = setup_inputs()
    print(jax.jit(kernel)(*tuple(_d.values())))

</pallas_src>

<mosaic_0001>
#map = affine_map<(d0, d1) -> (0, 0)>
#map1 = affine_map<(d0, d1) -> (0)>
module attributes {stable_mosaic.version = 14 : i64} {
  func.func @_sc_gather(%arg0: i32, %arg1: i32, %arg2: memref<6656x128xf32, #tpu.memory_space<hbm>>, %arg3: memref<106496xi32, #tpu.memory_space<hbm>>, %arg4: memref<106496x128xf32, #tpu.memory_space<hbm>>, %arg5: memref<2x128xi32, #tpu.memory_space<vmem>>, %arg6: memref<2x128x128xf32, #tpu.memory_space<vmem>>, %arg7: memref<2x!tpu.dma_semaphore, #tpu.memory_space<semaphore_mem>>) attributes {dimension_semantics = [#tpu.dimension_semantics<core_parallel>, #tpu.dimension_semantics<subcore_parallel>], iteration_bounds = array<i64: 2, 16>, scalar_prefetch = 0 : i64, scratch_operands = 3 : i64, tpu.core_type = #tpu.core_type<sc_vector_subcore>, window_params = [{transform_indices = #map}, {transform_indices = #map1}, {transform_indices = #map}]} {
    %mul3A = arith.constant 2 : i32
    %mul3A_0 = arith.muli %arg1, %mul3A : i32
    %add3A = arith.addi %mul3A_0, %arg0 : i32
    %mul3A_1 = arith.constant 3328 : i32
    %mul3A_2 = arith.muli %add3A, %mul3A_1 : i32
    %run_scoped3A = arith.constant 0 : i32
    "tpu.region"() ({
      %run_scoped3A_22 = tpu.sem_alloc : memref<!tpu.dma_semaphore, #tpu.memory_space<semaphore_mem>>
      %dma_start3A_23 = arith.constant 0 : i32
      %dma_start3A_24 = tpu.memref_slice %arg5[%run_scoped3A, %dma_start3A_23] : memref<2x128xi32, #tpu.memory_space<vmem>> -> memref<1x128xi32, #tpu.memory_space<vmem>>
      %dma_start3A_25 = tpu.memref_squeeze %dma_start3A_24 : memref<1x128xi32, #tpu.memory_space<vmem>> -> memref<128xi32, #tpu.memory_space<vmem>>
      %dma_start3A_26 = tpu.memref_slice %arg3[%mul3A_2] : memref<106496xi32, #tpu.memory_space<hbm>> -> memref<128xi32, #tpu.memory_space<hbm>>
      %dma_start3A_27 = arith.constant 0 : i32
      %dma_start3A_28 = tpu.memref_slice %arg5[%run_scoped3A, %dma_start3A_27] : memref<2x128xi32, #tpu.memory_space<vmem>> -> memref<1x128xi32, #tpu.memory_space<vmem>>
      %dma_start3A_29 = tpu.memref_squeeze %dma_start3A_28 : memref<1x128xi32, #tpu.memory_space<vmem>> -> memref<128xi32, #tpu.memory_space<vmem>>
      %dma_start3A_30 = tpu.memref_slice %arg3[%mul3A_2] : memref<106496xi32, #tpu.memory_space<hbm>> -> memref<128xi32, #tpu.memory_space<hbm>>
      tpu.enqueue_dma source(%dma_start3A_30 : memref<128xi32, #tpu.memory_space<hbm>>) target(%dma_start3A_29 : memref<128xi32, #tpu.memory_space<vmem>>) target_semaphore(%run_scoped3A_22 : memref<!tpu.dma_semaphore, #tpu.memory_space<semaphore_mem>>)
      %dma_wait3A = arith.constant 0 : i32
      %dma_wait3A_31 = tpu.memref_slice %arg5[%run_scoped3A, %dma_wait3A] : memref<2x128xi32, #tpu.memory_space<vmem>> -> memref<1x128xi32, #tpu.memory_space<vmem>>
      %dma_wait3A_32 = tpu.memref_squeeze %dma_wait3A_31 : memref<1x128xi32, #tpu.memory_space<vmem>> -> memref<128xi32, #tpu.memory_space<vmem>>
      %dma_wait3A_33 = tpu.memref_slice %arg3[%mul3A_2] : memref<106496xi32, #tpu.memory_space<hbm>> -> memref<128xi32, #tpu.memory_space<hbm>>
      %dma_wait3A_34 = arith.constant 0 : i32
      %dma_wait3A_35 = tpu.memref_slice %arg5[%run_scoped3A, %dma_wait3A_34] : memref<2x128xi32, #tpu.memory_space<vmem>> -> memref<1x128xi32, #tpu.memory_space<vmem>>
      %dma_wait3A_36 = tpu.memref_squeeze %dma_wait3A_35 : memref<1x128xi32, #tpu.memory_space<vmem>> -> memref<128xi32, #tpu.memory_space<vmem>>
      %dma_wait3A_37 = tpu.memref_slice %arg3[%mul3A_2] : memref<106496xi32, #tpu.memory_space<hbm>> -> memref<128xi32, #tpu.memory_space<hbm>>
      tpu.wait_dma2 semaphore(%run_scoped3A_22 : memref<!tpu.dma_semaphore, #tpu.memory_space<semaphore_mem>>) src(%dma_wait3A_37 : memref<128xi32, #tpu.memory_space<hbm>>) dst(%dma_wait3A_36 : memref<128xi32, #tpu.memory_space<vmem>>)
      tpu.yield
    }) : () -> ()
    %dma_start3A = arith.constant 0 : i32
    %dma_start3A_3 = arith.constant 0 : i32
    %dma_start3A_4 = arith.constant 0 : i32
    %dma_start3A_5 = arith.constant 0 : i32
    %dma_start3A_6 = arith.constant 0 : i32
    %dma_start3A_7 = tpu.memref_slice %arg6[%dma_start3A_3, %dma_start3A_5, %dma_start3A_6] : memref<2x128x128xf32, #tpu.memory_space<vmem>> -> memref<1x128x128xf32, #tpu.memory_space<vmem>>
    %dma_start3A_8 = tpu.memref_squeeze %dma_start3A_7 : memref<1x128x128xf32, #tpu.memory_space<vmem>> -> memref<128x128xf32, #tpu.memory_space<vmem>>
    %dma_start3A_9 = arith.constant 0 : i32
    %dma_start3A_10 = tpu.memref_slice %arg5[%dma_start3A, %dma_start3A_9] : memref<2x128xi32, #tpu.memory_space<vmem>> -> memref<1x128xi32, #tpu.memory_space<vmem>>
    %dma_start3A_11 = tpu.memref_squeeze %dma_start3A_10 : memref<1x128xi32, #tpu.memory_space<vmem>> -> memref<128xi32, #tpu.memory_space<vmem>>
    %dma_start3A_12 = arith.constant 0 : i32
    %dma_start3A_13 = arith.constant 0 : i32
    %dma_start3A_14 = tpu.memref_slice %arg2[%dma_start3A_12, %dma_start3A_13] : memref<6656x128xf32, #tpu.memory_space<hbm>> -> memref<6656x128xf32, #tpu.memory_space<hbm>>
    %dma_start3A_15 = tpu.memref_slice %arg7[%dma_start3A_4] : memref<2x!tpu.dma_semaphore, #tpu.memory_space<semaphore_mem>> -> memref<1x!tpu.dma_semaphore, #tpu.memory_space<semaphore_mem>>
    %dma_start3A_16 = tpu.memref_squeeze %dma_start3A_15 : memref<1x!tpu.dma_semaphore, #tpu.memory_space<semaphore_mem>> -> memref<!tpu.dma_semaphore, #tpu.memory_space<semaphore_mem>>
    tpu.enqueue_indirect_dma source(%dma_start3A_14 : memref<6656x128xf32, #tpu.memory_space<hbm>>) target(%dma_start3A_8 : memref<128x128xf32, #tpu.memory_space<vmem>>) offsets(%dma_start3A_11 : memref<128xi32, #tpu.memory_space<vmem>>) semaphore(%dma_start3A_16 : memref<!tpu.dma_semaphore, #tpu.memory_space<semaphore_mem>>)
    %scan3A = arith.constant 0 : i32
    %scan3A_17 = arith.constant 0 : i32
    %scan3A_18 = arith.constant 26 : i32
    %scan3A_19 = arith.addi %scan3A_17, %scan3A_18 : i32
    %scan3A_20 = arith.constant 1 : i32
    scf.for %scan3A_22 = %scan3A_17 to %scan3A_19 step %scan3A_20  : i32 {
      %rem3A = arith.constant 2 : i32
      %rem3A_23 = arith.remsi %scan3A_22, %rem3A : i32
      %add3A_24 = arith.constant 1 : i32
      %add3A_25 = arith.addi %scan3A_22, %add3A_24 : i32
      %rem3A_26 = arith.constant 2 : i32
      %rem3A_27 = arith.remsi %add3A_25, %rem3A_26 : i32
      %add3A_28 = arith.constant 1 : i32
      %add3A_29 = arith.addi %scan3A_22, %add3A_28 : i32
      %lt3A = arith.constant 26 : i32
      %lt3A_30 = arith.cmpi slt, %add3A_29, %lt3A : i32
      %convert_element_type3A = arith.extui %lt3A_30 : i1 to i32
      %cond3A = arith.constant 0 : i32
      %cond3A_31 = arith.cmpi ne, %convert_element_type3A, %cond3A : i32
      scf.if %cond3A_31 {
        %add3A_46 = arith.constant 1 : i32
        %add3A_47 = arith.addi %scan3A_22, %add3A_46 : i32
        %mul3A_48 = arith.constant 128 : i32
        %mul3A_49 = arith.muli %add3A_47, %mul3A_48 : i32
        %add3A_50 = arith.addi %mul3A_2, %mul3A_49 : i32
        "tpu.region"() ({
          %run_scoped3A_63 = tpu.sem_alloc : memref<!tpu.dma_semaphore, #tpu.memory_space<semaphore_mem>>
          %dma_start3A_64 = arith.constant 0 : i32
          %dma_start3A_65 = tpu.memref_slice %arg5[%rem3A_27, %dma_start3A_64] : memref<2x128xi32, #tpu.memory_space<vmem>> -> memref<1x128xi32, #tpu.memory_space<vmem>>
          %dma_start3A_66 = tpu.memref_squeeze %dma_start3A_65 : memref<1x128xi32, #tpu.memory_space<vmem>> -> memref<128xi32, #tpu.memory_space<vmem>>
          %dma_start3A_67 = tpu.memref_slice %arg3[%add3A_50] : memref<106496xi32, #tpu.memory_space<hbm>> -> memref<128xi32, #tpu.memory_space<hbm>>
          %dma_start3A_68 = arith.constant 0 : i32
          %dma_start3A_69 = tpu.memref_slice %arg5[%rem3A_27, %dma_start3A_68] : memref<2x128xi32, #tpu.memory_space<vmem>> -> memref<1x128xi32, #tpu.memory_space<vmem>>
          %dma_start3A_70 = tpu.memref_squeeze %dma_start3A_69 : memref<1x128xi32, #tpu.memory_space<vmem>> -> memref<128xi32, #tpu.memory_space<vmem>>
          %dma_start3A_71 = tpu.memref_slice %arg3[%add3A_50] : memref<106496xi32, #tpu.memory_space<hbm>> -> memref<128xi32, #tpu.memory_space<hbm>>
          tpu.enqueue_dma source(%dma_start3A_71 : memref<128xi32, #tpu.memory_space<hbm>>) target(%dma_start3A_70 : memref<128xi32, #tpu.memory_space<vmem>>) target_semaphore(%run_scoped3A_63 : memref<!tpu.dma_semaphore, #tpu.memory_space<semaphore_mem>>)
          %dma_wait3A_72 = arith.constant 0 : i32
          %dma_wait3A_73 = tpu.memref_slice %arg5[%rem3A_27, %dma_wait3A_72] : memref<2x128xi32, #tpu.memory_space<vmem>> -> memref<1x128xi32, #tpu.memory_space<vmem>>
          %dma_wait3A_74 = tpu.memref_squeeze %dma_wait3A_73 : memref<1x128xi32, #tpu.memory_space<vmem>> -> memref<128xi32, #tpu.memory_space<vmem>>
          %dma_wait3A_75 = tpu.memref_slice %arg3[%add3A_50] : memref<106496xi32, #tpu.memory_space<hbm>> -> memref<128xi32, #tpu.memory_space<hbm>>
          %dma_wait3A_76 = arith.constant 0 : i32
          %dma_wait3A_77 = tpu.memref_slice %arg5[%rem3A_27, %dma_wait3A_76] : memref<2x128xi32, #tpu.memory_space<vmem>> -> memref<1x128xi32, #tpu.memory_space<vmem>>
          %dma_wait3A_78 = tpu.memref_squeeze %dma_wait3A_77 : memref<1x128xi32, #tpu.memory_space<vmem>> -> memref<128xi32, #tpu.memory_space<vmem>>
          %dma_wait3A_79 = tpu.memref_slice %arg3[%add3A_50] : memref<106496xi32, #tpu.memory_space<hbm>> -> memref<128xi32, #tpu.memory_space<hbm>>
          tpu.wait_dma2 semaphore(%run_scoped3A_63 : memref<!tpu.dma_semaphore, #tpu.memory_space<semaphore_mem>>) src(%dma_wait3A_79 : memref<128xi32, #tpu.memory_space<hbm>>) dst(%dma_wait3A_78 : memref<128xi32, #tpu.memory_space<vmem>>)
          tpu.yield
        }) : () -> ()
        %dma_start3A_51 = arith.constant 0 : i32
        %dma_start3A_52 = arith.constant 0 : i32
        %dma_start3A_53 = tpu.memref_slice %arg6[%rem3A_27, %dma_start3A_51, %dma_start3A_52] : memref<2x128x128xf32, #tpu.memory_space<vmem>> -> memref<1x128x128xf32, #tpu.memory_space<vmem>>
        %dma_start3A_54 = tpu.memref_squeeze %dma_start3A_53 : memref<1x128x128xf32, #tpu.memory_space<vmem>> -> memref<128x128xf32, #tpu.memory_space<vmem>>
        %dma_start3A_55 = arith.constant 0 : i32
        %dma_start3A_56 = tpu.memref_slice %arg5[%rem3A_27, %dma_start3A_55] : memref<2x128xi32, #tpu.memory_space<vmem>> -> memref<1x128xi32, #tpu.memory_space<vmem>>
        %dma_start3A_57 = tpu.memref_squeeze %dma_start3A_56 : memref<1x128xi32, #tpu.memory_space<vmem>> -> memref<128xi32, #tpu.memory_space<vmem>>
        %dma_start3A_58 = arith.constant 0 : i32
        %dma_start3A_59 = arith.constant 0 : i32
        %dma_start3A_60 = tpu.memref_slice %arg2[%dma_start3A_58, %dma_start3A_59] : memref<6656x128xf32, #tpu.memory_space<hbm>> -> memref<6656x128xf32, #tpu.memory_space<hbm>>
        %dma_start3A_61 = tpu.memref_slice %arg7[%rem3A_27] : memref<2x!tpu.dma_semaphore, #tpu.memory_space<semaphore_mem>> -> memref<1x!tpu.dma_semaphore, #tpu.memory_space<semaphore_mem>>
        %dma_start3A_62 = tpu.memref_squeeze %dma_start3A_61 : memref<1x!tpu.dma_semaphore, #tpu.memory_space<semaphore_mem>> -> memref<!tpu.dma_semaphore, #tpu.memory_space<semaphore_mem>>
        tpu.enqueue_indirect_dma source(%dma_start3A_60 : memref<6656x128xf32, #tpu.memory_space<hbm>>) target(%dma_start3A_54 : memref<128x128xf32, #tpu.memory_space<vmem>>) offsets(%dma_start3A_57 : memref<128xi32, #tpu.memory_space<vmem>>) semaphore(%dma_start3A_62 : memref<!tpu.dma_semaphore, #tpu.memory_space<semaphore_mem>>)
      } else {
      }
      %dma_wait3A = arith.constant 0 : i32
      %dma_wait3A_32 = arith.constant 0 : i32
      %dma_wait3A_33 = tpu.memref_slice %arg6[%rem3A_23, %dma_wait3A, %dma_wait3A_32] : memref<2x128x128xf32, #tpu.memory_space<vmem>> -> memref<1x128x128xf32, #tpu.memory_space<vmem>>
      %dma_wait3A_34 = tpu.memref_squeeze %dma_wait3A_33 : memref<1x128x128xf32, #tpu.memory_space<vmem>> -> memref<128x128xf32, #tpu.memory_space<vmem>>
      %dma_wait3A_35 = arith.constant 0 : i32
      %dma_wait3A_36 = tpu.memref_slice %arg5[%rem3A_23, %dma_wait3A_35] : memref<2x128xi32, #tpu.memory_space<vmem>> -> memref<1x128xi32, #tpu.memory_space<vmem>>
      %dma_wait3A_37 = tpu.memref_squeeze %dma_wait3A_36 : memref<1x128xi32, #tpu.memory_space<vmem>> -> memref<128xi32, #tpu.memory_space<vmem>>
      %dma_wait3A_38 = arith.constant 0 : i32
      %dma_wait3A_39 = arith.constant 0 : i32
      %dma_wait3A_40 = tpu.memref_slice %arg2[%dma_wait3A_38, %dma_wait3A_39] : memref<6656x128xf32, #tpu.memory_space<hbm>> -> memref<6656x128xf32, #tpu.memory_space<hbm>>
      %dma_wait3A_41 = tpu.memref_slice %arg7[%rem3A_23] : memref<2x!tpu.dma_semaphore, #tpu.memory_space<semaphore_mem>> -> memref<1x!tpu.dma_semaphore, #tpu.memory_space<semaphore_mem>>
      %dma_wait3A_42 = tpu.memref_squeeze %dma_wait3A_41 : memref<1x!tpu.dma_semaphore, #tpu.memory_space<semaphore_mem>> -> memref<!tpu.dma_semaphore, #tpu.memory_space<semaphore_mem>>
      tpu.wait_indirect_dma semaphore(%dma_wait3A_42 : memref<!tpu.dma_semaphore, #tpu.memory_space<semaphore_mem>>) src(%dma_wait3A_40 : memref<6656x128xf32, #tpu.memory_space<hbm>>) dst(%dma_wait3A_34 : memref<128x128xf32, #tpu.memory_space<vmem>>)
      %mul3A_43 = arith.constant 128 : i32
      %mul3A_44 = arith.muli %scan3A_22, %mul3A_43 : i32
      %add3A_45 = arith.addi %mul3A_2, %mul3A_44 : i32
      "tpu.region"() ({
        %run_scoped3A_46 = tpu.sem_alloc : memref<!tpu.dma_semaphore, #tpu.memory_space<semaphore_mem>>
        %dma_start3A_47 = arith.constant 0 : i32
        %dma_start3A_48 = arith.constant 0 : i32
        %dma_start3A_49 = tpu.memref_slice %arg6[%rem3A_23, %dma_start3A_47, %dma_start3A_48] : memref<2x128x128xf32, #tpu.memory_space<vmem>> -> memref<1x128x128xf32, #tpu.memory_space<vmem>>
        %dma_start3A_50 = tpu.memref_squeeze %dma_start3A_49 : memref<1x128x128xf32, #tpu.memory_space<vmem>> -> memref<128x128xf32, #tpu.memory_space<vmem>>
        %dma_start3A_51 = arith.constant 0 : i32
        %dma_start3A_52 = tpu.memref_slice %arg4[%add3A_45, %dma_start3A_51] : memref<106496x128xf32, #tpu.memory_space<hbm>> -> memref<128x128xf32, #tpu.memory_space<hbm>>
        %dma_start3A_53 = arith.constant 0 : i32
        %dma_start3A_54 = tpu.memref_slice %arg4[%add3A_45, %dma_start3A_53] : memref<106496x128xf32, #tpu.memory_space<hbm>> -> memref<128x128xf32, #tpu.memory_space<hbm>>
        %dma_start3A_55 = arith.constant 0 : i32
        %dma_start3A_56 = arith.constant 0 : i32
        %dma_start3A_57 = tpu.memref_slice %arg6[%rem3A_23, %dma_start3A_55, %dma_start3A_56] : memref<2x128x128xf32, #tpu.memory_space<vmem>> -> memref<1x128x128xf32, #tpu.memory_space<vmem>>
        %dma_start3A_58 = tpu.memref_squeeze %dma_start3A_57 : memref<1x128x128xf32, #tpu.memory_space<vmem>> -> memref<128x128xf32, #tpu.memory_space<vmem>>
        tpu.enqueue_dma source(%dma_start3A_58 : memref<128x128xf32, #tpu.memory_space<vmem>>) target(%dma_start3A_54 : memref<128x128xf32, #tpu.memory_space<hbm>>) target_semaphore(%run_scoped3A_46 : memref<!tpu.dma_semaphore, #tpu.memory_space<semaphore_mem>>)
        %dma_wait3A_59 = arith.constant 0 : i32
        %dma_wait3A_60 = arith.constant 0 : i32
        %dma_wait3A_61 = tpu.memref_slice %arg6[%rem3A_23, %dma_wait3A_59, %dma_wait3A_60] : memref<2x128x128xf32, #tpu.memory_space<vmem>> -> memref<1x128x128xf32, #tpu.memory_space<vmem>>
        %dma_wait3A_62 = tpu.memref_squeeze %dma_wait3A_61 : memref<1x128x128xf32, #tpu.memory_space<vmem>> -> memref<128x128xf32, #tpu.memory_space<vmem>>
        %dma_wait3A_63 = arith.constant 0 : i32
        %dma_wait3A_64 = tpu.memref_slice %arg4[%add3A_45, %dma_wait3A_63] : memref<106496x128xf32, #tpu.memory_space<hbm>> -> memref<128x128xf32, #tpu.memory_space<hbm>>
        %dma_wait3A_65 = arith.constant 0 : i32
        %dma_wait3A_66 = tpu.memref_slice %arg4[%add3A_45, %dma_wait3A_65] : memref<106496x128xf32, #tpu.memory_space<hbm>> -> memref<128x128xf32, #tpu.memory_space<hbm>>
        %dma_wait3A_67 = arith.constant 0 : i32
        %dma_wait3A_68 = arith.constant 0 : i32
        %dma_wait3A_69 = tpu.memref_slice %arg6[%rem3A_23, %dma_wait3A_67, %dma_wait3A_68] : memref<2x128x128xf32, #tpu.memory_space<vmem>> -> memref<1x128x128xf32, #tpu.memory_space<vmem>>
        %dma_wait3A_70 = tpu.memref_squeeze %dma_wait3A_69 : memref<1x128x128xf32, #tpu.memory_space<vmem>> -> memref<128x128xf32, #tpu.memory_space<vmem>>
        tpu.wait_dma2 semaphore(%run_scoped3A_46 : memref<!tpu.dma_semaphore, #tpu.memory_space<semaphore_mem>>) src(%dma_wait3A_70 : memref<128x128xf32, #tpu.memory_space<vmem>>) dst(%dma_wait3A_66 : memref<128x128xf32, #tpu.memory_space<hbm>>)
        tpu.yield
      }) : () -> ()
    }
    %scan3A_21 = arith.constant 26 : i32
    return
  }
}

#map = affine_map<(d0, d1) -> (0, 0)>
#map1 = affine_map<(d0, d1) -> (0)>
module attributes {stable_mosaic.version = 14 : i64} {
  func.func @_sc_gather(%arg0: i32, %arg1: i32, %arg2: memref<6656x128xf32, #tpu.memory_space<hbm>>, %arg3: memref<106496xi32, #tpu.memory_space<hbm>>, %arg4: memref<106496x128xf32, #tpu.memory_space<hbm>>, %arg5: memref<2x128xi32, #tpu.memory_space<vmem>>, %arg6: memref<2x128x128xf32, #tpu.memory_space<vmem>>, %arg7: memref<2x!tpu.dma_semaphore, #tpu.memory_space<semaphore_mem>>) attributes {dimension_semantics = [#tpu.dimension_semantics<core_parallel>, #tpu.dimension_semantics<subcore_parallel>], iteration_bounds = array<i64: 2, 16>, scalar_prefetch = 0 : i64, scratch_operands = 3 : i64, tpu.core_type = #tpu.core_type<sc_vector_subcore>, window_params = [{transform_indices = #map}, {transform_indices = #map1}, {transform_indices = #map}]} {
    %mul3A = arith.constant 2 : i32
    %mul3A_0 = arith.muli %arg1, %mul3A : i32
    %add3A = arith.addi %mul3A_0, %arg0 : i32
    %mul3A_1 = arith.constant 3328 : i32
    %mul3A_2 = arith.muli %add3A, %mul3A_1 : i32
    %run_scoped3A = arith.constant 0 : i32
    "tpu.region"() ({
      %run_scoped3A_22 = tpu.sem_alloc : memref<!tpu.dma_semaphore, #tpu.memory_space<semaphore_mem>>
      %dma_start3A_23 = arith.constant 0 : i32
      %dma_start3A_24 = tpu.memref_slice %arg5[%run_scoped3A, %dma_start3A_23] : memref<2x128xi32, #tpu.memory_space<vmem>> -> memref<1x128xi32, #tpu.memory_space<vmem>>
      %dma_start3A_25 = tpu.memref_squeeze %dma_start3A_24 : memref<1x128xi32, #tpu.memory_space<vmem>> -> memref<128xi32, #tpu.memory_space<vmem>>
      %dma_start3A_26 = tpu.memref_slice %arg3[%mul3A_2] : memref<106496xi32, #tpu.memory_space<hbm>> -> memref<128xi32, #tpu.memory_space<hbm>>
      %dma_start3A_27 = arith.constant 0 : i32
      %dma_start3A_28 = tpu.memref_slice %arg5[%run_scoped3A, %dma_start3A_27] : memref<2x128xi32, #tpu.memory_space<vmem>> -> memref<1x128xi32, #tpu.memory_space<vmem>>
      %dma_start3A_29 = tpu.memref_squeeze %dma_start3A_28 : memref<1x128xi32, #tpu.memory_space<vmem>> -> memref<128xi32, #tpu.memory_space<vmem>>
      %dma_start3A_30 = tpu.memref_slice %arg3[%mul3A_2] : memref<106496xi32, #tpu.memory_space<hbm>> -> memref<128xi32, #tpu.memory_space<hbm>>
      tpu.enqueue_dma source(%dma_start3A_30 : memref<128xi32, #tpu.memory_space<hbm>>) target(%dma_start3A_29 : memref<128xi32, #tpu.memory_space<vmem>>) target_semaphore(%run_scoped3A_22 : memref<!tpu.dma_semaphore, #tpu.memory_space<semaphore_mem>>)
      %dma_wait3A = arith.constant 0 : i32
      %dma_wait3A_31 = tpu.memref_slice %arg5[%run_scoped3A, %dma_wait3A] : memref<2x128xi32, #tpu.memory_space<vmem>> -> memref<1x128xi32, #tpu.memory_space<vmem>>
      %dma_wait3A_32 = tpu.memref_squeeze %dma_wait3A_31 : memref<1x128xi32, #tpu.memory_space<vmem>> -> memref<128xi32, #tpu.memory_space<vmem>>
      %dma_wait3A_33 = tpu.memref_slice %arg3[%mul3A_2] : memref<106496xi32, #tpu.memory_space<hbm>> -> memref<128xi32, #tpu.memory_space<hbm>>
      %dma_wait3A_34 = arith.constant 0 : i32
      %dma_wait3A_35 = tpu.memref_slice %arg5[%run_scoped3A, %dma_wait3A_34] : memref<2x128xi32, #tpu.memory_space<vmem>> -> memref<1x128xi32, #tpu.memory_space<vmem>>
      %dma_wait3A_36 = tpu.memref_squeeze %dma_wait3A_35 : memref<1x128xi32, #tpu.memory_space<vmem>> -> memref<128xi32, #tpu.memory_space<vmem>>
      %dma_wait3A_37 = tpu.memref_slice %arg3[%mul3A_2] : memref<106496xi32, #tpu.memory_space<hbm>> -> memref<128xi32, #tpu.memory_space<hbm>>
      tpu.wait_dma2 semaphore(%run_scoped3A_22 : memref<!tpu.dma_semaphore, #tpu.memory_space<semaphore_mem>>) src(%dma_wait3A_37 : memref<128xi32, #tpu.memory_space<hbm>>) dst(%dma_wait3A_36 : memref<128xi32, #tpu.memory_space<vmem>>)
      tpu.yield
    }) : () -> ()
    %dma_start3A = arith.constant 0 : i32
    %dma_start3A_3 = arith.constant 0 : i32
    %dma_start3A_4 = arith.constant 0 : i32
    %dma_start3A_5 = arith.constant 0 : i32
    %dma_start3A_6 = arith.constant 0 : i32
    %dma_start3A_7 = tpu.memref_slice %arg6[%dma_start3A_3, %dma_start3A_5, %dma_start3A_6] : memref<2x128x128xf32, #tpu.memory_space<vmem>> -> memref<1x128x128xf32, #tpu.memory_space<vmem>>
    %dma_start3A_8 = tpu.memref_squeeze %dma_start3A_7 : memref<1x128x128xf32, #tpu.memory_space<vmem>> -> memref<128x128xf32, #tpu.memory_space<vmem>>
    %dma_start3A_9 = arith.constant 0 : i32
    %dma_start3A_10 = tpu.memref_slice %arg5[%dma_start3A, %dma_start3A_9] : memref<2x128xi32, #tpu.memory_space<vmem>> -> memref<1x128xi32, #tpu.memory_space<vmem>>
    %dma_start3A_11 = tpu.memref_squeeze %dma_start3A_10 : memref<1x128xi32, #tpu.memory_space<vmem>> -> memref<128xi32, #tpu.memory_space<vmem>>
    %dma_start3A_12 = arith.constant 0 : i32
    %dma_start3A_13 = arith.constant 0 : i32
    %dma_start3A_14 = tpu.memref_slice %arg2[%dma_start3A_12, %dma_start3A_13] : memref<6656x128xf32, #tpu.memory_space<hbm>> -> memref<6656x128xf32, #tpu.memory_space<hbm>>
    %dma_start3A_15 = tpu.memref_slice %arg7[%dma_start3A_4] : memref<2x!tpu.dma_semaphore, #tpu.memory_space<semaphore_mem>> -> memref<1x!tpu.dma_semaphore, #tpu.memory_space<semaphore_mem>>
    %dma_start3A_16 = tpu.memref_squeeze %dma_start3A_15 : memref<1x!tpu.dma_semaphore, #tpu.memory_space<semaphore_mem>> -> memref<!tpu.dma_semaphore, #tpu.memory_space<semaphore_mem>>
    tpu.enqueue_indirect_dma source(%dma_start3A_14 : memref<6656x128xf32, #tpu.memory_space<hbm>>) target(%dma_start3A_8 : memref<128x128xf32, #tpu.memory_space<vmem>>) offsets(%dma_start3A_11 : memref<128xi32, #tpu.memory_space<vmem>>) semaphore(%dma_start3A_16 : memref<!tpu.dma_semaphore, #tpu.memory_space<semaphore_mem>>)
    %scan3A = arith.constant 0 : i32
    %scan3A_17 = arith.constant 0 : i32
    %scan3A_18 = arith.constant 26 : i32
    %scan3A_19 = arith.addi %scan3A_17, %scan3A_18 : i32
    %scan3A_20 = arith.constant 1 : i32
    scf.for %scan3A_22 = %scan3A_17 to %scan3A_19 step %scan3A_20  : i32 {
      %rem3A = arith.constant 2 : i32
      %rem3A_23 = arith.remsi %scan3A_22, %rem3A : i32
      %add3A_24 = arith.constant 1 : i32
      %add3A_25 = arith.addi %scan3A_22, %add3A_24 : i32
      %rem3A_26 = arith.constant 2 : i32
      %rem3A_27 = arith.remsi %add3A_25, %rem3A_26 : i32
      %add3A_28 = arith.constant 1 : i32
      %add3A_29 = arith.addi %scan3A_22, %add3A_28 : i32
      %lt3A = arith.constant 26 : i32
      %lt3A_30 = arith.cmpi slt, %add3A_29, %lt3A : i32
      %convert_element_type3A = arith.extui %lt3A_30 : i1 to i32
      %cond3A = arith.constant 0 : i32
      %cond3A_31 = arith.cmpi ne, %convert_element_type3A, %cond3A : i32
      scf.if %cond3A_31 {
        %add3A_46 = arith.constant 1 : i32
        %add3A_47 = arith.addi %scan3A_22, %add3A_46 : i32
        %mul3A_48 = arith.constant 128 : i32
        %mul3A_49 = arith.muli %add3A_47, %mul3A_48 : i32
        %add3A_50 = arith.addi %mul3A_2, %mul3A_49 : i32
        "tpu.region"() ({
          %run_scoped3A_63 = tpu.sem_alloc : memref<!tpu.dma_semaphore, #tpu.memory_space<semaphore_mem>>
          %dma_start3A_64 = arith.constant 0 : i32
          %dma_start3A_65 = tpu.memref_slice %arg5[%rem3A_27, %dma_start3A_64] : memref<2x128xi32, #tpu.memory_space<vmem>> -> memref<1x128xi32, #tpu.memory_space<vmem>>
          %dma_start3A_66 = tpu.memref_squeeze %dma_start3A_65 : memref<1x128xi32, #tpu.memory_space<vmem>> -> memref<128xi32, #tpu.memory_space<vmem>>
          %dma_start3A_67 = tpu.memref_slice %arg3[%add3A_50] : memref<106496xi32, #tpu.memory_space<hbm>> -> memref<128xi32, #tpu.memory_space<hbm>>
          %dma_start3A_68 = arith.constant 0 : i32
          %dma_start3A_69 = tpu.memref_slice %arg5[%rem3A_27, %dma_start3A_68] : memref<2x128xi32, #tpu.memory_space<vmem>> -> memref<1x128xi32, #tpu.memory_space<vmem>>
          %dma_start3A_70 = tpu.memref_squeeze %dma_start3A_69 : memref<1x128xi32, #tpu.memory_space<vmem>> -> memref<128xi32, #tpu.memory_space<vmem>>
          %dma_start3A_71 = tpu.memref_slice %arg3[%add3A_50] : memref<106496xi32, #tpu.memory_space<hbm>> -> memref<128xi32, #tpu.memory_space<hbm>>
          tpu.enqueue_dma source(%dma_start3A_71 : memref<128xi32, #tpu.memory_space<hbm>>) target(%dma_start3A_70 : memref<128xi32, #tpu.memory_space<vmem>>) target_semaphore(%run_scoped3A_63 : memref<!tpu.dma_semaphore, #tpu.memory_space<semaphore_mem>>)
          %dma_wait3A_72 = arith.constant 0 : i32
          %dma_wait3A_73 = tpu.memref_slice %arg5[%rem3A_27, %dma_wait3A_72] : memref<2x128xi32, #tpu.memory_space<vmem>> -> memref<1x128xi32, #tpu.memory_space<vmem>>
          %dma_wait3A_74 = tpu.memref_squeeze %dma_wait3A_73 : memref<1x128xi32, #tpu.memory_space<vmem>> -> memref<128xi32, #tpu.memory_space<vmem>>
          %dma_wait3A_75 = tpu.memref_slice %arg3[%add3A_50] : memref<106496xi32, #tpu.memory_space<hbm>> -> memref<128xi32, #tpu.memory_space<hbm>>
          %dma_wait3A_76 = arith.constant 0 : i32
          %dma_wait3A_77 = tpu.memref_slice %arg5[%rem3A_27, %dma_wait3A_76] : memref<2x128xi32, #tpu.memory_space<vmem>> -> memref<1x128xi32, #tpu.memory_space<vmem>>
          %dma_wait3A_78 = tpu.memref_squeeze %dma_wait3A_77 : memref<1x128xi32, #tpu.memory_space<vmem>> -> memref<128xi32, #tpu.memory_space<vmem>>
          %dma_wait3A_79 = tpu.memref_slice %arg3[%add3A_50] : memref<106496xi32, #tpu.memory_space<hbm>> -> memref<128xi32, #tpu.memory_space<hbm>>
          tpu.wait_dma2 semaphore(%run_scoped3A_63 : memref<!tpu.dma_semaphore, #tpu.memory_space<semaphore_mem>>) src(%dma_wait3A_79 : memref<128xi32, #tpu.memory_space<hbm>>) dst(%dma_wait3A_78 : memref<128xi32, #tpu.memory_space<vmem>>)
          tpu.yield
        }) : () -> ()
        %dma_start3A_51 = arith.constant 0 : i32
        %dma_start3A_52 = arith.constant 0 : i32
        %dma_start3A_53 = tpu.memref_slice %arg6[%rem3A_27, %dma_start3A_51, %dma_start3A_52] : memref<2x128x128xf32, #tpu.memory_space<vmem>> -> memref<1x128x128xf32, #tpu.memory_space<vmem>>
        %dma_start3A_54 = tpu.memref_squeeze %dma_start3A_53 : memref<1x128x128xf32, #tpu.memory_space<vmem>> -> memref<128x128xf32, #tpu.memory_space<vmem>>
        %dma_start3A_55 = arith.constant 0 : i32
        %dma_start3A_56 = tpu.memref_slice %arg5[%rem3A_27, %dma_start3A_55] : memref<2x128xi32, #tpu.memory_space<vmem>> -> memref<1x128xi32, #tpu.memory_space<vmem>>
        %dma_start3A_57 = tpu.memref_squeeze %dma_start3A_56 : memref<1x128xi32, #tpu.memory_space<vmem>> -> memref<128xi32, #tpu.memory_space<vmem>>
        %dma_start3A_58 = arith.constant 0 : i32
        %dma_start3A_59 = arith.constant 0 : i32
        %dma_start3A_60 = tpu.memref_slice %arg2[%dma_start3A_58, %dma_start3A_59] : memref<6656x128xf32, #tpu.memory_space<hbm>> -> memref<6656x128xf32, #tpu.memory_space<hbm>>
        %dma_start3A_61 = tpu.memref_slice %arg7[%rem3A_27] : memref<2x!tpu.dma_semaphore, #tpu.memory_space<semaphore_mem>> -> memref<1x!tpu.dma_semaphore, #tpu.memory_space<semaphore_mem>>
        %dma_start3A_62 = tpu.memref_squeeze %dma_start3A_61 : memref<1x!tpu.dma_semaphore, #tpu.memory_space<semaphore_mem>> -> memref<!tpu.dma_semaphore, #tpu.memory_space<semaphore_mem>>
        tpu.enqueue_indirect_dma source(%dma_start3A_60 : memref<6656x128xf32, #tpu.memory_space<hbm>>) target(%dma_start3A_54 : memref<128x128xf32, #tpu.memory_space<vmem>>) offsets(%dma_start3A_57 : memref<128xi32, #tpu.memory_space<vmem>>) semaphore(%dma_start3A_62 : memref<!tpu.dma_semaphore, #tpu.memory_space<semaphore_mem>>)
      } else {
      }
      %dma_wait3A = arith.constant 0 : i32
      %dma_wait3A_32 = arith.constant 0 : i32
      %dma_wait3A_33 = tpu.memref_slice %arg6[%rem3A_23, %dma_wait3A, %dma_wait3A_32] : memref<2x128x128xf32, #tpu.memory_space<vmem>> -> memref<1x128x128xf32, #tpu.memory_space<vmem>>
      %dma_wait3A_34 = tpu.memref_squeeze %dma_wait3A_33 : memref<1x128x128xf32, #tpu.memory_space<vmem>> -> memref<128x128xf32, #tpu.memory_space<vmem>>
      %dma_wait3A_35 = arith.constant 0 : i32
      %dma_wait3A_36 = tpu.memref_slice %arg5[%rem3A_23, %dma_wait3A_35] : memref<2x128xi32, #tpu.memory_space<vmem>> -> memref<1x128xi32, #tpu.memory_space<vmem>>
      %dma_wait3A_37 = tpu.memref_squeeze %dma_wait3A_36 : memref<1x128xi32, #tpu.memory_space<vmem>> -> memref<128xi32, #tpu.memory_space<vmem>>
      %dma_wait3A_38 = arith.constant 0 : i32
      %dma_wait3A_39 = arith.constant 0 : i32
      %dma_wait3A_40 = tpu.memref_slice %arg2[%dma_wait3A_38, %dma_wait3A_39] : memref<6656x128xf32, #tpu.memory_space<hbm>> -> memref<6656x128xf32, #tpu.memory_space<hbm>>
      %dma_wait3A_41 = tpu.memref_slice %arg7[%rem3A_23] : memref<2x!tpu.dma_semaphore, #tpu.memory_space<semaphore_mem>> -> memref<1x!tpu.dma_semaphore, #tpu.memory_space<semaphore_mem>>
      %dma_wait3A_42 = tpu.memref_squeeze %dma_wait3A_41 : memref<1x!tpu.dma_semaphore, #tpu.memory_space<semaphore_mem>> -> memref<!tpu.dma_semaphore, #tpu.memory_space<semaphore_mem>>
      tpu.wait_indirect_dma semaphore(%dma_wait3A_42 : memref<!tpu.dma_semaphore, #tpu.memory_space<semaphore_mem>>) src(%dma_wait3A_40 : memref<6656x128xf32, #tpu.memory_space<hbm>>) dst(%dma_wait3A_34 : memref<128x128xf32, #tpu.memory_space<vmem>>)
      %mul3A_43 = arith.constant 128 : i32
      %mul3A_44 = arith.muli %scan3A_22, %mul3A_43 : i32
      %add3A_45 = arith.addi %mul3A_2, %mul3A_44 : i32
      "tpu.region"() ({
        %run_scoped3A_46 = tpu.sem_alloc : memref<!tpu.dma_semaphore, #tpu.memory_space<semaphore_mem>>
        %dma_start3A_47 = arith.constant 0 : i32
        %dma_start3A_48 = arith.constant 0 : i32
        %dma_start3A_49 = tpu.memref_slice %arg6[%rem3A_23, %dma_start3A_47, %dma_start3A_48] : memref<2x128x128xf32, #tpu.memory_space<vmem>> -> memref<1x128x128xf32, #tpu.memory_space<vmem>>
        %dma_start3A_50 = tpu.memref_squeeze %dma_start3A_49 : memref<1x128x128xf32, #tpu.memory_space<vmem>> -> memref<128x128xf32, #tpu.memory_space<vmem>>
        %dma_start3A_51 = arith.constant 0 : i32
        %dma_start3A_52 = tpu.memref_slice %arg4[%add3A_45, %dma_start3A_51] : memref<106496x128xf32, #tpu.memory_space<hbm>> -> memref<128x128xf32, #tpu.memory_space<hbm>>
        %dma_start3A_53 = arith.constant 0 : i32
        %dma_start3A_54 = tpu.memref_slice %arg4[%add3A_45, %dma_start3A_53] : memref<106496x128xf32, #tpu.memory_space<hbm>> -> memref<128x128xf32, #tpu.memory_space<hbm>>
        %dma_start3A_55 = arith.constant 0 : i32
        %dma_start3A_56 = arith.constant 0 : i32
        %dma_start3A_57 = tpu.memref_slice %arg6[%rem3A_23, %dma_start3A_55, %dma_start3A_56] : memref<2x128x128xf32, #tpu.memory_space<vmem>> -> memref<1x128x128xf32, #tpu.memory_space<vmem>>
        %dma_start3A_58 = tpu.memref_squeeze %dma_start3A_57 : memref<1x128x128xf32, #tpu.memory_space<vmem>> -> memref<128x128xf32, #tpu.memory_space<vmem>>
        tpu.enqueue_dma source(%dma_start3A_58 : memref<128x128xf32, #tpu.memory_space<vmem>>) target(%dma_start3A_54 : memref<128x128xf32, #tpu.memory_space<hbm>>) target_semaphore(%run_scoped3A_46 : memref<!tpu.dma_semaphore, #tpu.memory_space<semaphore_mem>>)
        %dma_wait3A_59 = arith.constant 0 : i32
        %dma_wait3A_60 = arith.constant 0 : i32
        %dma_wait3A_61 = tpu.memref_slice %arg6[%rem3A_23, %dma_wait3A_59, %dma_wait3A_60] : memref<2x128x128xf32, #tpu.memory_space<vmem>> -> memref<1x128x128xf32, #tpu.memory_space<vmem>>
        %dma_wait3A_62 = tpu.memref_squeeze %dma_wait3A_61 : memref<1x128x128xf32, #tpu.memory_space<vmem>> -> memref<128x128xf32, #tpu.memory_space<vmem>>
        %dma_wait3A_63 = arith.constant 0 : i32
        %dma_wait3A_64 = tpu.memref_slice %arg4[%add3A_45, %dma_wait3A_63] : memref<106496x128xf32, #tpu.memory_space<hbm>> -> memref<128x128xf32, #tpu.memory_space<hbm>>
        %dma_wait3A_65 = arith.constant 0 : i32
        %dma_wait3A_66 = tpu.memref_slice %arg4[%add3A_45, %dma_wait3A_65] : memref<106496x128xf32, #tpu.memory_space<hbm>> -> memref<128x128xf32, #tpu.memory_space<hbm>>
        %dma_wait3A_67 = arith.constant 0 : i32
        %dma_wait3A_68 = arith.constant 0 : i32
        %dma_wait3A_69 = tpu.memref_slice %arg6[%rem3A_23, %dma_wait3A_67, %dma_wait3A_68] : memref<2x128x128xf32, #tpu.memory_space<vmem>> -> memref<1x128x128xf32, #tpu.memory_space<vmem>>
        %dma_wait3A_70 = tpu.memref_squeeze %dma_wait3A_69 : memref<1x128x128xf32, #tpu.memory_space<vmem>> -> memref<128x128xf32, #tpu.memory_space<vmem>>
        tpu.wait_dma2 semaphore(%run_scoped3A_46 : memref<!tpu.dma_semaphore, #tpu.memory_space<semaphore_mem>>) src(%dma_wait3A_70 : memref<128x128xf32, #tpu.memory_space<vmem>>) dst(%dma_wait3A_66 : memref<128x128xf32, #tpu.memory_space<hbm>>)
        tpu.yield
      }) : () -> ()
    }
    %scan3A_21 = arith.constant 26 : i32
    return
  }
}

#map = affine_map<(d0, d1) -> (0, 0)>
#map1 = affine_map<(d0, d1) -> (0)>
module attributes {stable_mosaic.version = 14 : i64} {
  func.func @_sc_gather(%arg0: i32, %arg1: i32, %arg2: memref<6656x128xf32, #tpu.memory_space<hbm>>, %arg3: memref<106496xi32, #tpu.memory_space<hbm>>, %arg4: memref<106496x128xf32, #tpu.memory_space<hbm>>, %arg5: memref<2x128xi32, #tpu.memory_space<vmem>>, %arg6: memref<2x128x128xf32, #tpu.memory_space<vmem>>, %arg7: memref<2x!tpu.dma_semaphore, #tpu.memory_space<semaphore_mem>>) attributes {dimension_semantics = [#tpu.dimension_semantics<core_parallel>, #tpu.dimension_semantics<subcore_parallel>], iteration_bounds = array<i64: 2, 16>, scalar_prefetch = 0 : i64, scratch_operands = 3 : i64, tpu.core_type = #tpu.core_type<sc_vector_subcore>, window_params = [{transform_indices = #map}, {transform_indices = #map1}, {transform_indices = #map}]} {
    %mul3A = arith.constant 2 : i32
    %mul3A_0 = arith.muli %arg1, %mul3A : i32
    %add3A = arith.addi %mul3A_0, %arg0 : i32
    %mul3A_1 = arith.constant 3328 : i32
    %mul3A_2 = arith.muli %add3A, %mul3A_1 : i32
    %run_scoped3A = arith.constant 0 : i32
    "tpu.region"() ({
      %run_scoped3A_22 = tpu.sem_alloc : memref<!tpu.dma_semaphore, #tpu.memory_space<semaphore_mem>>
      %dma_start3A_23 = arith.constant 0 : i32
      %dma_start3A_24 = tpu.memref_slice %arg5[%run_scoped3A, %dma_start3A_23] : memref<2x128xi32, #tpu.memory_space<vmem>> -> memref<1x128xi32, #tpu.memory_space<vmem>>
      %dma_start3A_25 = tpu.memref_squeeze %dma_start3A_24 : memref<1x128xi32, #tpu.memory_space<vmem>> -> memref<128xi32, #tpu.memory_space<vmem>>
      %dma_start3A_26 = tpu.memref_slice %arg3[%mul3A_2] : memref<106496xi32, #tpu.memory_space<hbm>> -> memref<128xi32, #tpu.memory_space<hbm>>
      %dma_start3A_27 = arith.constant 0 : i32
      %dma_start3A_28 = tpu.memref_slice %arg5[%run_scoped3A, %dma_start3A_27] : memref<2x128xi32, #tpu.memory_space<vmem>> -> memref<1x128xi32, #tpu.memory_space<vmem>>
      %dma_start3A_29 = tpu.memref_squeeze %dma_start3A_28 : memref<1x128xi32, #tpu.memory_space<vmem>> -> memref<128xi32, #tpu.memory_space<vmem>>
      %dma_start3A_30 = tpu.memref_slice %arg3[%mul3A_2] : memref<106496xi32, #tpu.memory_space<hbm>> -> memref<128xi32, #tpu.memory_space<hbm>>
      tpu.enqueue_dma source(%dma_start3A_30 : memref<128xi32, #tpu.memory_space<hbm>>) target(%dma_start3A_29 : memref<128xi32, #tpu.memory_space<vmem>>) target_semaphore(%run_scoped3A_22 : memref<!tpu.dma_semaphore, #tpu.memory_space<semaphore_mem>>)
      %dma_wait3A = arith.constant 0 : i32
      %dma_wait3A_31 = tpu.memref_slice %arg5[%run_scoped3A, %dma_wait3A] : memref<2x128xi32, #tpu.memory_space<vmem>> -> memref<1x128xi32, #tpu.memory_space<vmem>>
      %dma_wait3A_32 = tpu.memref_squeeze %dma_wait3A_31 : memref<1x128xi32, #tpu.memory_space<vmem>> -> memref<128xi32, #tpu.memory_space<vmem>>
      %dma_wait3A_33 = tpu.memref_slice %arg3[%mul3A_2] : memref<106496xi32, #tpu.memory_space<hbm>> -> memref<128xi32, #tpu.memory_space<hbm>>
      %dma_wait3A_34 = arith.constant 0 : i32
      %dma_wait3A_35 = tpu.memref_slice %arg5[%run_scoped3A, %dma_wait3A_34] : memref<2x128xi32, #tpu.memory_space<vmem>> -> memref<1x128xi32, #tpu.memory_space<vmem>>
      %dma_wait3A_36 = tpu.memref_squeeze %dma_wait3A_35 : memref<1x128xi32, #tpu.memory_space<vmem>> -> memref<128xi32, #tpu.memory_space<vmem>>
      %dma_wait3A_37 = tpu.memref_slice %arg3[%mul3A_2] : memref<106496xi32, #tpu.memory_space<hbm>> -> memref<128xi32, #tpu.memory_space<hbm>>
      tpu.wait_dma2 semaphore(%run_scoped3A_22 : memref<!tpu.dma_semaphore, #tpu.memory_space<semaphore_mem>>) src(%dma_wait3A_37 : memref<128xi32, #tpu.memory_space<hbm>>) dst(%dma_wait3A_36 : memref<128xi32, #tpu.memory_space<vmem>>)
      tpu.yield
    }) : () -> ()
    %dma_start3A = arith.constant 0 : i32
    %dma_start3A_3 = arith.constant 0 : i32
    %dma_start3A_4 = arith.constant 0 : i32
    %dma_start3A_5 = arith.constant 0 : i32
    %dma_start3A_6 = arith.constant 0 : i32
    %dma_start3A_7 = tpu.memref_slice %arg6[%dma_start3A_3, %dma_start3A_5, %dma_start3A_6] : memref<2x128x128xf32, #tpu.memory_space<vmem>> -> memref<1x128x128xf32, #tpu.memory_space<vmem>>
    %dma_start3A_8 = tpu.memref_squeeze %dma_start3A_7 : memref<1x128x128xf32, #tpu.memory_space<vmem>> -> memref<128x128xf32, #tpu.memory_space<vmem>>
    %dma_start3A_9 = arith.constant 0 : i32
    %dma_start3A_10 = tpu.memref_slice %arg5[%dma_start3A, %dma_start3A_9] : memref<2x128xi32, #tpu.memory_space<vmem>> -> memref<1x128xi32, #tpu.memory_space<vmem>>
    %dma_start3A_11 = tpu.memref_squeeze %dma_start3A_10 : memref<1x128xi32, #tpu.memory_space<vmem>> -> memref<128xi32, #tpu.memory_space<vmem>>
    %dma_start3A_12 = arith.constant 0 : i32
    %dma_start3A_13 = arith.constant 0 : i32
    %dma_start3A_14 = tpu.memref_slice %arg2[%dma_start3A_12, %dma_start3A_13] : memref<6656x128xf32, #tpu.memory_space<hbm>> -> memref<6656x128xf32, #tpu.memory_space<hbm>>
    %dma_start3A_15 = tpu.memref_slice %arg7[%dma_start3A_4] : memref<2x!tpu.dma_semaphore, #tpu.memory_space<semaphore_mem>> -> memref<1x!tpu.dma_semaphore, #tpu.memory_space<semaphore_mem>>
    %dma_start3A_16 = tpu.memref_squeeze %dma_start3A_15 : memref<1x!tpu.dma_semaphore, #tpu.memory_space<semaphore_mem>> -> memref<!tpu.dma_semaphore, #tpu.memory_space<semaphore_mem>>
    tpu.enqueue_indirect_dma source(%dma_start3A_14 : memref<6656x128xf32, #tpu.memory_space<hbm>>) target(%dma_start3A_8 : memref<128x128xf32, #tpu.memory_space<vmem>>) offsets(%dma_start3A_11 : memref<128xi32, #tpu.memory_space<vmem>>) semaphore(%dma_start3A_16 : memref<!tpu.dma_semaphore, #tpu.memory_space<semaphore_mem>>)
    %scan3A = arith.constant 0 : i32
    %scan3A_17 = arith.constant 0 : i32
    %scan3A_18 = arith.constant 26 : i32
    %scan3A_19 = arith.addi %scan3A_17, %scan3A_18 : i32
    %scan3A_20 = arith.constant 1 : i32
    scf.for %scan3A_22 = %scan3A_17 to %scan3A_19 step %scan3A_20  : i32 {
      %rem3A = arith.constant 2 : i32
      %rem3A_23 = arith.remsi %scan3A_22, %rem3A : i32
      %add3A_24 = arith.constant 1 : i32
      %add3A_25 = arith.addi %scan3A_22, %add3A_24 : i32
      %rem3A_26 = arith.constant 2 : i32
      %rem3A_27 = arith.remsi %add3A_25, %rem3A_26 : i32
      %add3A_28 = arith.constant 1 : i32
      %add3A_29 = arith.addi %scan3A_22, %add3A_28 : i32
      %lt3A = arith.constant 26 : i32
      %lt3A_30 = arith.cmpi slt, %add3A_29, %lt3A : i32
      %convert_element_type3A = arith.extui %lt3A_30 : i1 to i32
      %cond3A = arith.constant 0 : i32
      %cond3A_31 = arith.cmpi ne, %convert_element_type3A, %cond3A : i32
      scf.if %cond3A_31 {
        %add3A_46 = arith.constant 1 : i32
        %add3A_47 = arith.addi %scan3A_22, %add3A_46 : i32
        %mul3A_48 = arith.constant 128 : i32
        %mul3A_49 = arith.muli %add3A_47, %mul3A_48 : i32
        %add3A_50 = arith.addi %mul3A_2, %mul3A_49 : i32
        "tpu.region"() ({
          %run_scoped3A_63 = tpu.sem_alloc : memref<!tpu.dma_semaphore, #tpu.memory_space<semaphore_mem>>
          %dma_start3A_64 = arith.constant 0 : i32
          %dma_start3A_65 = tpu.memref_slice %arg5[%rem3A_27, %dma_start3A_64] : memref<2x128xi32, #tpu.memory_space<vmem>> -> memref<1x128xi32, #tpu.memory_space<vmem>>
          %dma_start3A_66 = tpu.memref_squeeze %dma_start3A_65 : memref<1x128xi32, #tpu.memory_space<vmem>> -> memref<128xi32, #tpu.memory_space<vmem>>
          %dma_start3A_67 = tpu.memref_slice %arg3[%add3A_50] : memref<106496xi32, #tpu.memory_space<hbm>> -> memref<128xi32, #tpu.memory_space<hbm>>
          %dma_start3A_68 = arith.constant 0 : i32
          %dma_start3A_69 = tpu.memref_slice %arg5[%rem3A_27, %dma_start3A_68] : memref<2x128xi32, #tpu.memory_space<vmem>> -> memref<1x128xi32, #tpu.memory_space<vmem>>
          %dma_start3A_70 = tpu.memref_squeeze %dma_start3A_69 : memref<1x128xi32, #tpu.memory_space<vmem>> -> memref<128xi32, #tpu.memory_space<vmem>>
          %dma_start3A_71 = tpu.memref_slice %arg3[%add3A_50] : memref<106496xi32, #tpu.memory_space<hbm>> -> memref<128xi32, #tpu.memory_space<hbm>>
          tpu.enqueue_dma source(%dma_start3A_71 : memref<128xi32, #tpu.memory_space<hbm>>) target(%dma_start3A_70 : memref<128xi32, #tpu.memory_space<vmem>>) target_semaphore(%run_scoped3A_63 : memref<!tpu.dma_semaphore, #tpu.memory_space<semaphore_mem>>)
          %dma_wait3A_72 = arith.constant 0 : i32
          %dma_wait3A_73 = tpu.memref_slice %arg5[%rem3A_27, %dma_wait3A_72] : memref<2x128xi32, #tpu.memory_space<vmem>> -> memref<1x128xi32, #tpu.memory_space<vmem>>
          %dma_wait3A_74 = tpu.memref_squeeze %dma_wait3A_73 : memref<1x128xi32, #tpu.memory_space<vmem>> -> memref<128xi32, #tpu.memory_space<vmem>>
          %dma_wait3A_75 = tpu.memref_slice %arg3[%add3A_50] : memref<106496xi32, #tpu.memory_space<hbm>> -> memref<128xi32, #tpu.memory_space<hbm>>
          %dma_wait3A_76 = arith.constant 0 : i32
          %dma_wait3A_77 = tpu.memref_slice %arg5[%rem3A_27, %dma_wait3A_76] : memref<2x128xi32, #tpu.memory_space<vmem>> -> memref<1x128xi32, #tpu.memory_space<vmem>>
          %dma_wait3A_78 = tpu.memref_squeeze %dma_wait3A_77 : memref<1x128xi32, #tpu.memory_space<vmem>> -> memref<128xi32, #tpu.memory_space<vmem>>
          %dma_wait3A_79 = tpu.memref_slice %arg3[%add3A_50] : memref<106496xi32, #tpu.memory_space<hbm>> -> memref<128xi32, #tpu.memory_space<hbm>>
          tpu.wait_dma2 semaphore(%run_scoped3A_63 : memref<!tpu.dma_semaphore, #tpu.memory_space<semaphore_mem>>) src(%dma_wait3A_79 : memref<128xi32, #tpu.memory_space<hbm>>) dst(%dma_wait3A_78 : memref<128xi32, #tpu.memory_space<vmem>>)
          tpu.yield
        }) : () -> ()
        %dma_start3A_51 = arith.constant 0 : i32
        %dma_start3A_52 = arith.constant 0 : i32
        %dma_start3A_53 = tpu.memref_slice %arg6[%rem3A_27, %dma_start3A_51, %dma_start3A_52] : memref<2x128x128xf32, #tpu.memory_space<vmem>> -> memref<1x128x128xf32, #tpu.memory_space<vmem>>
        %dma_start3A_54 = tpu.memref_squeeze %dma_start3A_53 : memref<1x128x128xf32, #tpu.memory_space<vmem>> -> memref<128x128xf32, #tpu.memory_space<vmem>>
        %dma_start3A_55 = arith.constant 0 : i32
        %dma_start3A_56 = tpu.memref_slice %arg5[%rem3A_27, %dma_start3A_55] : memref<2x128xi32, #tpu.memory_space<vmem>> -> memref<1x128xi32, #tpu.memory_space<vmem>>
        %dma_start3A_57 = tpu.memref_squeeze %dma_start3A_56 : memref<1x128xi32, #tpu.memory_space<vmem>> -> memref<128xi32, #tpu.memory_space<vmem>>
        %dma_start3A_58 = arith.constant 0 : i32
        %dma_start3A_59 = arith.constant 0 : i32
        %dma_start3A_60 = tpu.memref_slice %arg2[%dma_start3A_58, %dma_start3A_59] : memref<6656x128xf32, #tpu.memory_space<hbm>> -> memref<6656x128xf32, #tpu.memory_space<hbm>>
        %dma_start3A_61 = tpu.memref_slice %arg7[%rem3A_27] : memref<2x!tpu.dma_semaphore, #tpu.memory_space<semaphore_mem>> -> memref<1x!tpu.dma_semaphore, #tpu.memory_space<semaphore_mem>>
        %dma_start3A_62 = tpu.memref_squeeze %dma_start3A_61 : memref<1x!tpu.dma_semaphore, #tpu.memory_space<semaphore_mem>> -> memref<!tpu.dma_semaphore, #tpu.memory_space<semaphore_mem>>
        tpu.enqueue_indirect_dma source(%dma_start3A_60 : memref<6656x128xf32, #tpu.memory_space<hbm>>) target(%dma_start3A_54 : memref<128x128xf32, #tpu.memory_space<vmem>>) offsets(%dma_start3A_57 : memref<128xi32, #tpu.memory_space<vmem>>) semaphore(%dma_start3A_62 : memref<!tpu.dma_semaphore, #tpu.memory_space<semaphore_mem>>)
      } else {
      }
      %dma_wait3A = arith.constant 0 : i32
      %dma_wait3A_32 = arith.constant 0 : i32
      %dma_wait3A_33 = tpu.memref_slice %arg6[%rem3A_23, %dma_wait3A, %dma_wait3A_32] : memref<2x128x128xf32, #tpu.memory_space<vmem>> -> memref<1x128x128xf32, #tpu.memory_space<vmem>>
      %dma_wait3A_34 = tpu.memref_squeeze %dma_wait3A_33 : memref<1x128x128xf32, #tpu.memory_space<vmem>> -> memref<128x128xf32, #tpu.memory_space<vmem>>
      %dma_wait3A_35 = arith.constant 0 : i32
      %dma_wait3A_36 = tpu.memref_slice %arg5[%rem3A_23, %dma_wait3A_35] : memref<2x128xi32, #tpu.memory_space<vmem>> -> memref<1x128xi32, #tpu.memory_space<vmem>>
      %dma_wait3A_37 = tpu.memref_squeeze %dma_wait3A_36 : memref<1x128xi32, #tpu.memory_space<vmem>> -> memref<128xi32, #tpu.memory_space<vmem>>
      %dma_wait3A_38 = arith.constant 0 : i32
      %dma_wait3A_39 = arith.constant 0 : i32
      %dma_wait3A_40 = tpu.memref_slice %arg2[%dma_wait3A_38, %dma_wait3A_39] : memref<6656x128xf32, #tpu.memory_space<hbm>> -> memref<6656x128xf32, #tpu.memory_space<hbm>>
      %dma_wait3A_41 = tpu.memref_slice %arg7[%rem3A_23] : memref<2x!tpu.dma_semaphore, #tpu.memory_space<semaphore_mem>> -> memref<1x!tpu.dma_semaphore, #tpu.memory_space<semaphore_mem>>
      %dma_wait3A_42 = tpu.memref_squeeze %dma_wait3A_41 : memref<1x!tpu.dma_semaphore, #tpu.memory_space<semaphore_mem>> -> memref<!tpu.dma_semaphore, #tpu.memory_space<semaphore_mem>>
      tpu.wait_indirect_dma semaphore(%dma_wait3A_42 : memref<!tpu.dma_semaphore, #tpu.memory_space<semaphore_mem>>) src(%dma_wait3A_40 : memref<6656x128xf32, #tpu.memory_space<hbm>>) dst(%dma_wait3A_34 : memref<128x128xf32, #tpu.memory_space<vmem>>)
      %mul3A_43 = arith.constant 128 : i32
      %mul3A_44 = arith.muli %scan3A_22, %mul3A_43 : i32
      %add3A_45 = arith.addi %mul3A_2, %mul3A_44 : i32
      "tpu.region"() ({
        %run_scoped3A_46 = tpu.sem_alloc : memref<!tpu.dma_semaphore, #tpu.memory_space<semaphore_mem>>
        %dma_start3A_47 = arith.constant 0 : i32
        %dma_start3A_48 = arith.constant 0 : i32
        %dma_start3A_49 = tpu.memref_slice %arg6[%rem3A_23, %dma_start3A_47, %dma_start3A_48] : memref<2x128x128xf32, #tpu.memory_space<vmem>> -> memref<1x128x128xf32, #tpu.memory_space<vmem>>
        %dma_start3A_50 = tpu.memref_squeeze %dma_start3A_49 : memref<1x128x128xf32, #tpu.memory_space<vmem>> -> memref<128x128xf32, #tpu.memory_space<vmem>>
        %dma_start3A_51 = arith.constant 0 : i32
        %dma_start3A_52 = tpu.memref_slice %arg4[%add3A_45, %dma_start3A_51] : memref<106496x128xf32, #tpu.memory_space<hbm>> -> memref<128x128xf32, #tpu.memory_space<hbm>>
        %dma_start3A_53 = arith.constant 0 : i32
        %dma_start3A_54 = tpu.memref_slice %arg4[%add3A_45, %dma_start3A_53] : memref<106496x128xf32, #tpu.memory_space<hbm>> -> memref<128x128xf32, #tpu.memory_space<hbm>>
        %dma_start3A_55 = arith.constant 0 : i32
        %dma_start3A_56 = arith.constant 0 : i32
        %dma_start3A_57 = tpu.memref_slice %arg6[%rem3A_23, %dma_start3A_55, %dma_start3A_56] : memref<2x128x128xf32, #tpu.memory_space<vmem>> -> memref<1x128x128xf32, #tpu.memory_space<vmem>>
        %dma_start3A_58 = tpu.memref_squeeze %dma_start3A_57 : memref<1x128x128xf32, #tpu.memory_space<vmem>> -> memref<128x128xf32, #tpu.memory_space<vmem>>
        tpu.enqueue_dma source(%dma_start3A_58 : memref<128x128xf32, #tpu.memory_space<vmem>>) target(%dma_start3A_54 : memref<128x128xf32, #tpu.memory_space<hbm>>) target_semaphore(%run_scoped3A_46 : memref<!tpu.dma_semaphore, #tpu.memory_space<semaphore_mem>>)
        %dma_wait3A_59 = arith.constant 0 : i32
        %dma_wait3A_60 = arith.constant 0 : i32
        %dma_wait3A_61 = tpu.memref_slice %arg6[%rem3A_23, %dma_wait3A_59, %dma_wait3A_60] : memref<2x128x128xf32, #tpu.memory_space<vmem>> -> memref<1x128x128xf32, #tpu.memory_space<vmem>>
        %dma_wait3A_62 = tpu.memref_squeeze %dma_wait3A_61 : memref<1x128x128xf32, #tpu.memory_space<vmem>> -> memref<128x128xf32, #tpu.memory_space<vmem>>
        %dma_wait3A_63 = arith.constant 0 : i32
        %dma_wait3A_64 = tpu.memref_slice %arg4[%add3A_45, %dma_wait3A_63] : memref<106496x128xf32, #tpu.memory_space<hbm>> -> memref<128x128xf32, #tpu.memory_space<hbm>>
        %dma_wait3A_65 = arith.constant 0 : i32
        %dma_wait3A_66 = tpu.memref_slice %arg4[%add3A_45, %dma_wait3A_65] : memref<106496x128xf32, #tpu.memory_space<hbm>> -> memref<128x128xf32, #tpu.memory_space<hbm>>
        %dma_wait3A_67 = arith.constant 0 : i32
        %dma_wait3A_68 = arith.constant 0 : i32
        %dma_wait3A_69 = tpu.memref_slice %arg6[%rem3A_23, %dma_wait3A_67, %dma_wait3A_68] : memref<2x128x128xf32, #tpu.memory_space<vmem>> -> memref<1x128x128xf32, #tpu.memory_space<vmem>>
        %dma_wait3A_70 = tpu.memref_squeeze %dma_wait3A_69 : memref<1x128x128xf32, #tpu.memory_space<vmem>> -> memref<128x128xf32, #tpu.memory_space<vmem>>
        tpu.wait_dma2 semaphore(%run_scoped3A_46 : memref<!tpu.dma_semaphore, #tpu.memory_space<semaphore_mem>>) src(%dma_wait3A_70 : memref<128x128xf32, #tpu.memory_space<vmem>>) dst(%dma_wait3A_66 : memref<128x128xf32, #tpu.memory_space<hbm>>)
        tpu.yield
      }) : () -> ()
    }
    %scan3A_21 = arith.constant 26 : i32
    return
  }
}

module attributes {stable_mosaic.version = 14 : i64} {
  func.func @_knn_kernel(%arg0: i32, %arg1: memref<128x3xf32, #tpu.memory_space<vmem>>, %arg2: memref<3x6656xf32, #tpu.memory_space<vmem>>, %arg3: memref<128x1xi32, #tpu.memory_space<vmem>>, %arg4: memref<1x6656xi32, #tpu.memory_space<vmem>>, %arg5: memref<128x16xi32, #tpu.memory_space<vmem>>, %arg6: memref<128x16xf32, #tpu.memory_space<vmem>>) attributes {dimension_semantics = [#tpu.dimension_semantics<arbitrary>], iteration_bounds = array<i64: 52>, scalar_prefetch = 0 : i64, scratch_operands = 0 : i64, tpu.core_type = #tpu.core_type<tc>, window_params = [{transform_indices = @transform_0, window_bounds = array<i64: 128, 3>}, {pipeline_mode = #tpu.pipeline_mode<synchronous>, transform_indices = @transform_1, window_bounds = array<i64: 3, 6656>}, {transform_indices = @transform_2, window_bounds = array<i64: 128, 1>}, {pipeline_mode = #tpu.pipeline_mode<synchronous>, transform_indices = @transform_3, window_bounds = array<i64: 1, 6656>}, {transform_indices = @transform_4, window_bounds = array<i64: 128, 16>}, {transform_indices = @transform_5, window_bounds = array<i64: 128, 16>}]} {
    %get3A = arith.constant 0 : index
    %get3A_0 = arith.constant 0 : index
    %get3A_1 = vector.load %arg1[%get3A, %get3A_0] : memref<128x3xf32, #tpu.memory_space<vmem>>, vector<128x3xf32>
    %get3A_2 = arith.constant 0 : index
    %get3A_3 = arith.constant 0 : index
    %get3A_4 = vector.load %arg2[%get3A_2, %get3A_3] : memref<3x6656xf32, #tpu.memory_space<vmem>>, vector<3x6656xf32>
    %mul3A = arith.mulf %get3A_1, %get3A_1 : vector<128x3xf32>
    %reduce_sum3A = arith.constant dense<0.000000e+00> : vector<128xf32>
    %reduce_sum3A_5 = vector.multi_reduction <add>, %mul3A, %reduce_sum3A [1] : vector<128x3xf32> to vector<128xf32>
    %broadcast_in_dim3A = vector.shape_cast %reduce_sum3A_5 : vector<128xf32> to vector<128x1xf32>
    %mul3A_6 = arith.mulf %get3A_4, %get3A_4 : vector<3x6656xf32>
    %reduce_sum3A_7 = arith.constant dense<0.000000e+00> : vector<6656xf32>
    %reduce_sum3A_8 = vector.multi_reduction <add>, %mul3A_6, %reduce_sum3A_7 [0] : vector<3x6656xf32> to vector<6656xf32>
    %broadcast_in_dim3A_9 = vector.shape_cast %reduce_sum3A_8 : vector<6656xf32> to vector<1x6656xf32>
    %add3A = vector.broadcast %broadcast_in_dim3A : vector<128x1xf32> to vector<128x6656xf32>
    %add3A_10 = vector.broadcast %broadcast_in_dim3A_9 : vector<1x6656xf32> to vector<128x6656xf32>
    %add3A_11 = arith.addf %add3A, %add3A_10 : vector<128x6656xf32>
    %dot_general3A = arith.constant dense<0.000000e+00> : vector<128x6656xf32>
    %dot_general3A_12 = tpu.matmul %get3A_1, %get3A_4, %dot_general3A {dimension_numbers = #tpu.dot_dimension_numbers<[1], [0], [0], [1], [0, 0, 1, 1], [], []>, transpose_lhs_hint = false} : vector<128x3xf32>, vector<3x6656xf32>, vector<128x6656xf32> -> vector<128x6656xf32>
    %mul3A_13 = arith.constant 2.000000e+00 : f32
    %mul3A_14 = vector.broadcast %mul3A_13 : f32 to vector<128x6656xf32>
    %mul3A_15 = arith.mulf %mul3A_14, %dot_general3A_12 : vector<128x6656xf32>
    %sub3A = arith.subf %add3A_11, %mul3A_15 : vector<128x6656xf32>
    %iota3A = tpu.iota {dimensions = array<i32: 1>} : vector<128x6656xi32>
    %mul3A_16 = arith.constant 128 : i32
    %mul3A_17 = arith.muli %arg0, %mul3A_16 : i32
    %iota3A_18 = tpu.iota {dimensions = array<i32: 0>} : vector<128x6656xi32>
    %add3A_19 = vector.broadcast %mul3A_17 : i32 to vector<128x6656xi32>
    %add3A_20 = arith.addi %add3A_19, %iota3A_18 : vector<128x6656xi32>
    %get3A_21 = arith.constant 0 : index
    %get3A_22 = arith.constant 0 : index
    %get3A_23 = vector.load %arg3[%get3A_21, %get3A_22] : memref<128x1xi32, #tpu.memory_space<vmem>>, vector<128x1xi32>
    %get3A_24 = arith.constant 0 : index
    %get3A_25 = arith.constant 0 : index
    %get3A_26 = vector.load %arg4[%get3A_24, %get3A_25] : memref<1x6656xi32, #tpu.memory_space<vmem>>, vector<1x6656xi32>
    %ne3A = vector.broadcast %get3A_23 : vector<128x1xi32> to vector<128x6656xi32>
    %ne3A_27 = vector.broadcast %get3A_26 : vector<1x6656xi32> to vector<128x6656xi32>
    %ne3A_28 = arith.cmpi ne, %ne3A, %ne3A_27 : vector<128x6656xi32>
    %eq3A = arith.cmpi eq, %add3A_20, %iota3A : vector<128x6656xi32>
    %or3A = arith.ori %ne3A_28, %eq3A : vector<128x6656xi1>
    %jit3A = arith.constant 0x7F800000 : f32
    %broadcast_in_dim3A_29 = vector.broadcast %jit3A : f32 to vector<128x6656xf32>
    %select_n3A = arith.select %or3A, %broadcast_in_dim3A_29, %sub3A : vector<128x6656xi1>, vector<128x6656xf32>
    %reduce_min3A = arith.constant dense<0x7F800000> : vector<128xf32>
    %reduce_min3A_30 = vector.multi_reduction <minimumf>, %select_n3A, %reduce_min3A [1] : vector<128x6656xf32> to vector<128xf32>
    %broadcast_in_dim3A_31 = vector.shape_cast %reduce_min3A_30 : vector<128xf32> to vector<128x1xf32>
    %eq3A_32 = vector.broadcast %broadcast_in_dim3A_31 : vector<128x1xf32> to vector<128x6656xf32>
    %eq3A_33 = arith.cmpf oeq, %select_n3A, %eq3A_32 : vector<128x6656xf32>
    %jit3A_34 = arith.constant 6657 : i32
    %broadcast_in_dim3A_35 = vector.broadcast %jit3A_34 : i32 to vector<128x6656xi32>
    %select_n3A_36 = arith.select %eq3A_33, %iota3A, %broadcast_in_dim3A_35 : vector<128x6656xi1>, vector<128x6656xi32>
    %reduce_min3A_37 = arith.constant dense<2147483647> : vector<128xi32>
    %reduce_min3A_38 = vector.multi_reduction <minsi>, %select_n3A_36, %reduce_min3A_37 [1] : vector<128x6656xi32> to vector<128xi32>
    %broadcast_in_dim3A_39 = vector.shape_cast %reduce_min3A_38 : vector<128xi32> to vector<128x1xi32>
    %swap3A = arith.constant 0 : index
    %swap3A_40 = arith.constant 0 : index
    %swap3A_41 = vector.load %arg5[%swap3A, %swap3A_40] : memref<128x16xi32, #tpu.memory_space<vmem>>, vector<128x1xi32>
    tpu.vector_store %arg5[%swap3A, %swap3A_40], %broadcast_in_dim3A_39 {strides = array<i32>} : memref<128x16xi32, #tpu.memory_space<vmem>>, vector<128x1xi32>,
    %max3A = arith.constant 0.000000e+00 : f32
    %max3A_42 = vector.broadcast %max3A : f32 to vector<128x1xf32>
    %max3A_43 = arith.maximumf %broadcast_in_dim3A_31, %max3A_42 : vector<128x1xf32>
    %add3A_44 = arith.constant 9.99999996E-13 : f32
    %add3A_45 = vector.broadcast %add3A_44 : f32 to vector<128x1xf32>
    %add3A_46 = arith.addf %max3A_43, %add3A_45 : vector<128x1xf32>
    %sqrt3A = math.sqrt %add3A_46 : vector<128x1xf32>
    %swap3A_47 = arith.constant 0 : index
    %swap3A_48 = arith.constant 0 : index
    %swap3A_49 = vector.load %arg6[%swap3A_47, %swap3A_48] : memref<128x16xf32, #tpu.memory_space<vmem>>, vector<128x1xf32>
    tpu.vector_store %arg6[%swap3A_47, %swap3A_48], %sqrt3A {strides = array<i32>} : memref<128x16xf32, #tpu.memory_space<vmem>>, vector<128x1xf32>,
    %eq3A_50 = vector.broadcast %broadcast_in_dim3A_39 : vector<128x1xi32> to vector<128x6656xi32>
    %eq3A_51 = arith.cmpi eq, %iota3A, %eq3A_50 : vector<128x6656xi32>
    %jit3A_52 = arith.constant 0x7F800000 : f32
    %broadcast_in_dim3A_53 = vector.broadcast %jit3A_52 : f32 to vector<128x6656xf32>
    %select_n3A_54 = arith.select %eq3A_51, %broadcast_in_dim3A_53, %select_n3A : vector<128x6656xi1>, vector<128x6656xf32>
    %reduce_min3A_55 = arith.constant dense<0x7F800000> : vector<128xf32>
    %reduce_min3A_56 = vector.multi_reduction <minimumf>, %select_n3A_54, %reduce_min3A_55 [1] : vector<128x6656xf32> to vector<128xf32>
    %broadcast_in_dim3A_57 = vector.shape_cast %reduce_min3A_56 : vector<128xf32> to vector<128x1xf32>
    %eq3A_58 = vector.broadcast %broadcast_in_dim3A_57 : vector<128x1xf32> to vector<128x6656xf32>
    %eq3A_59 = arith.cmpf oeq, %select_n3A_54, %eq3A_58 : vector<128x6656xf32>
    %jit3A_60 = arith.constant 6657 : i32
    %broadcast_in_dim3A_61 = vector.broadcast %jit3A_60 : i32 to vector<128x6656xi32>
    %select_n3A_62 = arith.select %eq3A_59, %iota3A, %broadcast_in_dim3A_61 : vector<128x6656xi1>, vector<128x6656xi32>
    %reduce_min3A_63 = arith.constant dense<2147483647> : vector<128xi32>
    %reduce_min3A_64 = vector.multi_reduction <minsi>, %select_n3A_62, %reduce_min3A_63 [1] : vector<128x6656xi32> to vector<128xi32>
    %broadcast_in_dim3A_65 = vector.shape_cast %reduce_min3A_64 : vector<128xi32> to vector<128x1xi32>
    %swap3A_66 = arith.constant 0 : index
    %swap3A_67 = arith.constant 1 : index
    %swap3A_68 = vector.load %arg5[%swap3A_66, %swap3A_67] : memref<128x16xi32, #tpu.memory_space<vmem>>, vector<128x1xi32>
    tpu.vector_store %arg5[%swap3A_66, %swap3A_67], %broadcast_in_dim3A_65 {strides = array<i32>} : memref<128x16xi32, #tpu.memory_space<vmem>>, vector<128x1xi32>,
    %max3A_69 = arith.constant 0.000000e+00 : f32
    %max3A_70 = vector.broadcast %max3A_69 : f32 to vector<128x1xf32>
    %max3A_71 = arith.maximumf %broadcast_in_dim3A_57, %max3A_70 : vector<128x1xf32>
    %add3A_72 = arith.constant 9.99999996E-13 : f32
    %add3A_73 = vector.broadcast %add3A_72 : f32 to vector<128x1xf32>
    %add3A_74 = arith.addf %max3A_71, %add3A_73 : vector<128x1xf32>
    %sqrt3A_75 = math.sqrt %add3A_74 : vector<128x1xf32>
    %swap3A_76 = arith.constant 0 : index
    %swap3A_77 = arith.constant 1 : index
    %swap3A_78 = vector.load %arg6[%swap3A_76, %swap3A_77] : memref<128x16xf32, #tpu.memory_space<vmem>>, vector<128x1xf32>
    tpu.vector_store %arg6[%swap3A_76, %swap3A_77], %sqrt3A_75 {strides = array<i32>} : memref<128x16xf32, #tpu.memory_space<vmem>>, vector<128x1xf32>,
    %eq3A_79 = vector.broadcast %broadcast_in_dim3A_65 : vector<128x1xi32> to vector<128x6656xi32>
    %eq3A_80 = arith.cmpi eq, %iota3A, %eq3A_79 : vector<128x6656xi32>
    %jit3A_81 = arith.constant 0x7F800000 : f32
    %broadcast_in_dim3A_82 = vector.broadcast %jit3A_81 : f32 to vector<128x6656xf32>
    %select_n3A_83 = arith.select %eq3A_80, %broadcast_in_dim3A_82, %select_n3A_54 : vector<128x6656xi1>, vector<128x6656xf32>
    %reduce_min3A_84 = arith.constant dense<0x7F800000> : vector<128xf32>
    %reduce_min3A_85 = vector.multi_reduction <minimumf>, %select_n3A_83, %reduce_min3A_84 [1] : vector<128x6656xf32> to vector<128xf32>
    %broadcast_in_dim3A_86 = vector.shape_cast %reduce_min3A_85 : vector<128xf32> to vector<128x1xf32>
    %eq3A_87 = vector.broadcast %broadcast_in_dim3A_86 : vector<128x1xf32> to vector<128x6656xf32>
    %eq3A_88 = arith.cmpf oeq, %select_n3A_83, %eq3A_87 : vector<128x6656xf32>
    %jit3A_89 = arith.constant 6657 : i32
    %broadcast_in_dim3A_90 = vector.broadcast %jit3A_89 : i32 to vector<128x6656xi32>
    %select_n3A_91 = arith.select %eq3A_88, %iota3A, %broadcast_in_dim3A_90 : vector<128x6656xi1>, vector<128x6656xi32>
    %reduce_min3A_92 = arith.constant dense<2147483647> : vector<128xi32>
    %reduce_min3A_93 = vector.multi_reduction <minsi>, %select_n3A_91, %reduce_min3A_92 [1] : vector<128x6656xi32> to vector<128xi32>
    %broadcast_in_dim3A_94 = vector.shape_cast %reduce_min3A_93 : vector<128xi32> to vector<128x1xi32>
    %swap3A_95 = arith.constant 0 : index
    %swap3A_96 = arith.constant 2 : index
    %swap3A_97 = vector.load %arg5[%swap3A_95, %swap3A_96] : memref<128x16xi32, #tpu.memory_space<vmem>>, vector<128x1xi32>
    tpu.vector_store %arg5[%swap3A_95, %swap3A_96], %broadcast_in_dim3A_94 {strides = array<i32>} : memref<128x16xi32, #tpu.memory_space<vmem>>, vector<128x1xi32>,
    %max3A_98 = arith.constant 0.000000e+00 : f32
    %max3A_99 = vector.broadcast %max3A_98 : f32 to vector<128x1xf32>
    %max3A_100 = arith.maximumf %broadcast_in_dim3A_86, %max3A_99 : vector<128x1xf32>
    %add3A_101 = arith.constant 9.99999996E-13 : f32
    %add3A_102 = vector.broadcast %add3A_101 : f32 to vector<128x1xf32>
    %add3A_103 = arith.addf %max3A_100, %add3A_102 : vector<128x1xf32>
    %sqrt3A_104 = math.sqrt %add3A_103 : vector<128x1xf32>
    %swap3A_105 = arith.constant 0 : index
    %swap3A_106 = arith.constant 2 : index
    %swap3A_107 = vector.load %arg6[%swap3A_105, %swap3A_106] : memref<128x16xf32, #tpu.memory_space<vmem>>, vector<128x1xf32>
    tpu.vector_store %arg6[%swap3A_105, %swap3A_106], %sqrt3A_104 {strides = array<i32>} : memref<128x16xf32, #tpu.memory_space<vmem>>, vector<128x1xf32>,
    %eq3A_108 = vector.broadcast %broadcast_in_dim3A_94 : vector<128x1xi32> to vector<128x6656xi32>
    %eq3A_109 = arith.cmpi eq, %iota3A, %eq3A_108 : vector<128x6656xi32>
    %jit3A_110 = arith.constant 0x7F800000 : f32
    %broadcast_in_dim3A_111 = vector.broadcast %jit3A_110 : f32 to vector<128x6656xf32>
    %select_n3A_112 = arith.select %eq3A_109, %broadcast_in_dim3A_111, %select_n3A_83 : vector<128x6656xi1>, vector<128x6656xf32>
    %reduce_min3A_113 = arith.constant dense<0x7F800000> : vector<128xf32>
    %reduce_min3A_114 = vector.multi_reduction <minimumf>, %select_n3A_112, %reduce_min3A_113 [1] : vector<128x6656xf32> to vector<128xf32>
    %broadcast_in_dim3A_115 = vector.shape_cast %reduce_min3A_114 : vector<128xf32> to vector<128x1xf32>
    %eq3A_116 = vector.broadcast %broadcast_in_dim3A_115 : vector<128x1xf32> to vector<128x6656xf32>
    %eq3A_117 = arith.cmpf oeq, %select_n3A_112, %eq3A_116 : vector<128x6656xf32>
    %jit3A_118 = arith.constant 6657 : i32
    %broadcast_in_dim3A_119 = vector.broadcast %jit3A_118 : i32 to vector<128x6656xi32>
    %select_n3A_120 = arith.select %eq3A_117, %iota3A, %broadcast_in_dim3A_119 : vector<128x6656xi1>, vector<128x6656xi32>
    %reduce_min3A_121 = arith.constant dense<2147483647> : vector<128xi32>
    %reduce_min3A_122 = vector.multi_reduction <minsi>, %select_n3A_120, %reduce_min3A_121 [1] : vector<128x6656xi32> to vector<128xi32>
    %broadcast_in_dim3A_123 = vector.shape_cast %reduce_min3A_122 : vector<128xi32> to vector<128x1xi32>
    %swap3A_124 = arith.constant 0 : index
    %swap3A_125 = arith.constant 3 : index
    %swap3A_126 = vector.load %arg5[%swap3A_124, %swap3A_125] : memref<128x16xi32, #tpu.memory_space<vmem>>, vector<128x1xi32>
    tpu.vector_store %arg5[%swap3A_124, %swap3A_125], %broadcast_in_dim3A_123 {strides = array<i32>} : memref<128x16xi32, #tpu.memory_space<vmem>>, vector<128x1xi32>,
    %max3A_127 = arith.constant 0.000000e+00 : f32
    %max3A_128 = vector.broadcast %max3A_127 : f32 to vector<128x1xf32>
    %max3A_129 = arith.maximumf %broadcast_in_dim3A_115, %max3A_128 : vector<128x1xf32>
    %add3A_130 = arith.constant 9.99999996E-13 : f32
    %add3A_131 = vector.broadcast %add3A_130 : f32 to vector<128x1xf32>
    %add3A_132 = arith.addf %max3A_129, %add3A_131 : vector<128x1xf32>
    %sqrt3A_133 = math.sqrt %add3A_132 : vector<128x1xf32>
    %swap3A_134 = arith.constant 0 : index
    %swap3A_135 = arith.constant 3 : index
    %swap3A_136 = vector.load %arg6[%swap3A_134, %swap3A_135] : memref<128x16xf32, #tpu.memory_space<vmem>>, vector<128x1xf32>
    tpu.vector_store %arg6[%swap3A_134, %swap3A_135], %sqrt3A_133 {strides = array<i32>} : memref<128x16xf32, #tpu.memory_space<vmem>>, vector<128x1xf32>,
    %eq3A_137 = vector.broadcast %broadcast_in_dim3A_123 : vector<128x1xi32> to vector<128x6656xi32>
    %eq3A_138 = arith.cmpi eq, %iota3A, %eq3A_137 : vector<128x6656xi32>
    %jit3A_139 = arith.constant 0x7F800000 : f32
    %broadcast_in_dim3A_140 = vector.broadcast %jit3A_139 : f32 to vector<128x6656xf32>
    %select_n3A_141 = arith.select %eq3A_138, %broadcast_in_dim3A_140, %select_n3A_112 : vector<128x6656xi1>, vector<128x6656xf32>
    %reduce_min3A_142 = arith.constant dense<0x7F800000> : vector<128xf32>
    %reduce_min3A_143 = vector.multi_reduction <minimumf>, %select_n3A_141, %reduce_min3A_142 [1] : vector<128x6656xf32> to vector<128xf32>
    %broadcast_in_dim3A_144 = vector.shape_cast %reduce_min3A_143 : vector<128xf32> to vector<128x1xf32>
    %eq3A_145 = vector.broadcast %broadcast_in_dim3A_144 : vector<128x1xf32> to vector<128x6656xf32>
    %eq3A_146 = arith.cmpf oeq, %select_n3A_141, %eq3A_145 : vector<128x6656xf32>
    %jit3A_147 = arith.constant 6657 : i32
    %broadcast_in_dim3A_148 = vector.broadcast %jit3A_147 : i32 to vector<128x6656xi32>
    %select_n3A_149 = arith.select %eq3A_146, %iota3A, %broadcast_in_dim3A_148 : vector<128x6656xi1>, vector<128x6656xi32>
    %reduce_min3A_150 = arith.constant dense<2147483647> : vector<128xi32>
    %reduce_min3A_151 = vector.multi_reduction <minsi>, %select_n3A_149, %reduce_min3A_150 [1] : vector<128x6656xi32> to vector<128xi32>
    %broadcast_in_dim3A_152 = vector.shape_cast %reduce_min3A_151 : vector<128xi32> to vector<128x1xi32>
    %swap3A_153 = arith.constant 0 : index
    %swap3A_154 = arith.constant 4 : index
    %swap3A_155 = vector.load %arg5[%swap3A_153, %swap3A_154] : memref<128x16xi32, #tpu.memory_space<vmem>>, vector<128x1xi32>
    tpu.vector_store %arg5[%swap3A_153, %swap3A_154], %broadcast_in_dim3A_152 {strides = array<i32>} : memref<128x16xi32, #tpu.memory_space<vmem>>, vector<128x1xi32>,
    %max3A_156 = arith.constant 0.000000e+00 : f32
    %max3A_157 = vector.broadcast %max3A_156 : f32 to vector<128x1xf32>
    %max3A_158 = arith.maximumf %broadcast_in_dim3A_144, %max3A_157 : vector<128x1xf32>
    %add3A_159 = arith.constant 9.99999996E-13 : f32
    %add3A_160 = vector.broadcast %add3A_159 : f32 to vector<128x1xf32>
    %add3A_161 = arith.addf %max3A_158, %add3A_160 : vector<128x1xf32>
    %sqrt3A_162 = math.sqrt %add3A_161 : vector<128x1xf32>
    %swap3A_163 = arith.constant 0 : index
    %swap3A_164 = arith.constant 4 : index
    %swap3A_165 = vector.load %arg6[%swap3A_163, %swap3A_164] : memref<128x16xf32, #tpu.memory_space<vmem>>, vector<128x1xf32>
    tpu.vector_store %arg6[%swap3A_163, %swap3A_164], %sqrt3A_162 {strides = array<i32>} : memref<128x16xf32, #tpu.memory_space<vmem>>, vector<128x1xf32>,
    %eq3A_166 = vector.broadcast %broadcast_in_dim3A_152 : vector<128x1xi32> to vector<128x6656xi32>
    %eq3A_167 = arith.cmpi eq, %iota3A, %eq3A_166 : vector<128x6656xi32>
    %jit3A_168 = arith.constant 0x7F800000 : f32
    %broadcast_in_dim3A_169 = vector.broadcast %jit3A_168 : f32 to vector<128x6656xf32>
    %select_n3A_170 = arith.select %eq3A_167, %broadcast_in_dim3A_169, %select_n3A_141 : vector<128x6656xi1>, vector<128x6656xf32>
    %reduce_min3A_171 = arith.constant dense<0x7F800000> : vector<128xf32>
    %reduce_min3A_172 = vector.multi_reduction <minimumf>, %select_n3A_170, %reduce_min3A_171 [1] : vector<128x6656xf32> to vector<128xf32>
    %broadcast_in_dim3A_173 = vector.shape_cast %reduce_min3A_172 : vector<128xf32> to vector<128x1xf32>
    %eq3A_174 = vector.broadcast %broadcast_in_dim3A_173 : vector<128x1xf32> to vector<128x6656xf32>
    %eq3A_175 = arith.cmpf oeq, %select_n3A_170, %eq3A_174 : vector<128x6656xf32>
    %jit3A_176 = arith.constant 6657 : i32
    %broadcast_in_dim3A_177 = vector.broadcast %jit3A_176 : i32 to vector<128x6656xi32>
    %select_n3A_178 = arith.select %eq3A_175, %iota3A, %broadcast_in_dim3A_177 : vector<128x6656xi1>, vector<128x6656xi32>
    %reduce_min3A_179 = arith.constant dense<2147483647> : vector<128xi32>
    %reduce_min3A_180 = vector.multi_reduction <minsi>, %select_n3A_178, %reduce_min3A_179 [1] : vector<128x6656xi32> to vector<128xi32>
    %broadcast_in_dim3A_181 = vector.shape_cast %reduce_min3A_180 : vector<128xi32> to vector<128x1xi32>
    %swap3A_182 = arith.constant 0 : index
    %swap3A_183 = arith.constant 5 : index
    %swap3A_184 = vector.load %arg5[%swap3A_182, %swap3A_183] : memref<128x16xi32, #tpu.memory_space<vmem>>, vector<128x1xi32>
    tpu.vector_store %arg5[%swap3A_182, %swap3A_183], %broadcast_in_dim3A_181 {strides = array<i32>} : memref<128x16xi32, #tpu.memory_space<vmem>>, vector<128x1xi32>,
    %max3A_185 = arith.constant 0.000000e+00 : f32
    %max3A_186 = vector.broadcast %max3A_185 : f32 to vector<128x1xf32>
    %max3A_187 = arith.maximumf %broadcast_in_dim3A_173, %max3A_186 : vector<128x1xf32>
    %add3A_188 = arith.constant 9.99999996E-13 : f32
    %add3A_189 = vector.broadcast %add3A_188 : f32 to vector<128x1xf32>
    %add3A_190 = arith.addf %max3A_187, %add3A_189 : vector<128x1xf32>
    %sqrt3A_191 = math.sqrt %add3A_190 : vector<128x1xf32>
    %swap3A_192 = arith.constant 0 : index
    %swap3A_193 = arith.constant 5 : index
    %swap3A_194 = vector.load %arg6[%swap3A_192, %swap3A_193] : memref<128x16xf32, #tpu.memory_space<vmem>>, vector<128x1xf32>
    tpu.vector_store %arg6[%swap3A_192, %swap3A_193], %sqrt3A_191 {strides = array<i32>} : memref<128x16xf32, #tpu.memory_space<vmem>>, vector<128x1xf32>,
    %eq3A_195 = vector.broadcast %broadcast_in_dim3A_181 : vector<128x1xi32> to vector<128x6656xi32>
    %eq3A_196 = arith.cmpi eq, %iota3A, %eq3A_195 : vector<128x6656xi32>
    %jit3A_197 = arith.constant 0x7F800000 : f32
    %broadcast_in_dim3A_198 = vector.broadcast %jit3A_197 : f32 to vector<128x6656xf32>
    %select_n3A_199 = arith.select %eq3A_196, %broadcast_in_dim3A_198, %select_n3A_170 : vector<128x6656xi1>, vector<128x6656xf32>
    %reduce_min3A_200 = arith.constant dense<0x7F800000> : vector<128xf32>
    %reduce_min3A_201 = vector.multi_reduction <minimumf>, %select_n3A_199, %reduce_min3A_200 [1] : vector<128x6656xf32> to vector<128xf32>
    %broadcast_in_dim3A_202 = vector.shape_cast %reduce_min3A_201 : vector<128xf32> to vector<128x1xf32>
    %eq3A_203 = vector.broadcast %broadcast_in_dim3A_202 : vector<128x1xf32> to vector<128x6656xf32>
    %eq3A_204 = arith.cmpf oeq, %select_n3A_199, %eq3A_203 : vector<128x6656xf32>
    %jit3A_205 = arith.constant 6657 : i32
    %broadcast_in_dim3A_206 = vector.broadcast %jit3A_205 : i32 to vector<128x6656xi32>
    %select_n3A_207 = arith.select %eq3A_204, %iota3A, %broadcast_in_dim3A_206 : vector<128x6656xi1>, vector<128x6656xi32>
    %reduce_min3A_208 = arith.constant dense<2147483647> : vector<128xi32>
    %reduce_min3A_209 = vector.multi_reduction <minsi>, %select_n3A_207, %reduce_min3A_208 [1] : vector<128x6656xi32> to vector<128xi32>
    %broadcast_in_dim3A_210 = vector.shape_cast %reduce_min3A_209 : vector<128xi32> to vector<128x1xi32>
    %swap3A_211 = arith.constant 0 : index
    %swap3A_212 = arith.constant 6 : index
    %swap3A_213 = vector.load %arg5[%swap3A_211, %swap3A_212] : memref<128x16xi32, #tpu.memory_space<vmem>>, vector<128x1xi32>
    tpu.vector_store %arg5[%swap3A_211, %swap3A_212], %broadcast_in_dim3A_210 {strides = array<i32>} : memref<128x16xi32, #tpu.memory_space<vmem>>, vector<128x1xi32>,
    %max3A_214 = arith.constant 0.000000e+00 : f32
    %max3A_215 = vector.broadcast %max3A_214 : f32 to vector<128x1xf32>
    %max3A_216 = arith.maximumf %broadcast_in_dim3A_202, %max3A_215 : vector<128x1xf32>
    %add3A_217 = arith.constant 9.99999996E-13 : f32
    %add3A_218 = vector.broadcast %add3A_217 : f32 to vector<128x1xf32>
    %add3A_219 = arith.addf %max3A_216, %add3A_218 : vector<128x1xf32>
    %sqrt3A_220 = math.sqrt %add3A_219 : vector<128x1xf32>
    %swap3A_221 = arith.constant 0 : index
    %swap3A_222 = arith.constant 6 : index
    %swap3A_223 = vector.load %arg6[%swap3A_221, %swap3A_222] : memref<128x16xf32, #tpu.memory_space<vmem>>, vector<128x1xf32>
    tpu.vector_store %arg6[%swap3A_221, %swap3A_222], %sqrt3A_220 {strides = array<i32>} : memref<128x16xf32, #tpu.memory_space<vmem>>, vector<128x1xf32>,
    %eq3A_224 = vector.broadcast %broadcast_in_dim3A_210 : vector<128x1xi32> to vector<128x6656xi32>
    %eq3A_225 = arith.cmpi eq, %iota3A, %eq3A_224 : vector<128x6656xi32>
    %jit3A_226 = arith.constant 0x7F800000 : f32
    %broadcast_in_dim3A_227 = vector.broadcast %jit3A_226 : f32 to vector<128x6656xf32>
    %select_n3A_228 = arith.select %eq3A_225, %broadcast_in_dim3A_227, %select_n3A_199 : vector<128x6656xi1>, vector<128x6656xf32>
    %reduce_min3A_229 = arith.constant dense<0x7F800000> : vector<128xf32>
    %reduce_min3A_230 = vector.multi_reduction <minimumf>, %select_n3A_228, %reduce_min3A_229 [1] : vector<128x6656xf32> to vector<128xf32>
    %broadcast_in_dim3A_231 = vector.shape_cast %reduce_min3A_230 : vector<128xf32> to vector<128x1xf32>
    %eq3A_232 = vector.broadcast %broadcast_in_dim3A_231 : vector<128x1xf32> to vector<128x6656xf32>
    %eq3A_233 = arith.cmpf oeq, %select_n3A_228, %eq3A_232 : vector<128x6656xf32>
    %jit3A_234 = arith.constant 6657 : i32
    %broadcast_in_dim3A_235 = vector.broadcast %jit3A_234 : i32 to vector<128x6656xi32>
    %select_n3A_236 = arith.select %eq3A_233, %iota3A, %broadcast_in_dim3A_235 : vector<128x6656xi1>, vector<128x6656xi32>
    %reduce_min3A_237 = arith.constant dense<2147483647> : vector<128xi32>
    %reduce_min3A_238 = vector.multi_reduction <minsi>, %select_n3A_236, %reduce_min3A_237 [1] : vector<128x6656xi32> to vector<128xi32>
    %broadcast_in_dim3A_239 = vector.shape_cast %reduce_min3A_238 : vector<128xi32> to vector<128x1xi32>
    %swap3A_240 = arith.constant 0 : index
    %swap3A_241 = arith.constant 7 : index
    %swap3A_242 = vector.load %arg5[%swap3A_240, %swap3A_241] : memref<128x16xi32, #tpu.memory_space<vmem>>, vector<128x1xi32>
    tpu.vector_store %arg5[%swap3A_240, %swap3A_241], %broadcast_in_dim3A_239 {strides = array<i32>} : memref<128x16xi32, #tpu.memory_space<vmem>>, vector<128x1xi32>,
    %max3A_243 = arith.constant 0.000000e+00 : f32
    %max3A_244 = vector.broadcast %max3A_243 : f32 to vector<128x1xf32>
    %max3A_245 = arith.maximumf %broadcast_in_dim3A_231, %max3A_244 : vector<128x1xf32>
    %add3A_246 = arith.constant 9.99999996E-13 : f32
    %add3A_247 = vector.broadcast %add3A_246 : f32 to vector<128x1xf32>
    %add3A_248 = arith.addf %max3A_245, %add3A_247 : vector<128x1xf32>
    %sqrt3A_249 = math.sqrt %add3A_248 : vector<128x1xf32>
    %swap3A_250 = arith.constant 0 : index
    %swap3A_251 = arith.constant 7 : index
    %swap3A_252 = vector.load %arg6[%swap3A_250, %swap3A_251] : memref<128x16xf32, #tpu.memory_space<vmem>>, vector<128x1xf32>
    tpu.vector_store %arg6[%swap3A_250, %swap3A_251], %sqrt3A_249 {strides = array<i32>} : memref<128x16xf32, #tpu.memory_space<vmem>>, vector<128x1xf32>,
    %eq3A_253 = vector.broadcast %broadcast_in_dim3A_239 : vector<128x1xi32> to vector<128x6656xi32>
    %eq3A_254 = arith.cmpi eq, %iota3A, %eq3A_253 : vector<128x6656xi32>
    %jit3A_255 = arith.constant 0x7F800000 : f32
    %broadcast_in_dim3A_256 = vector.broadcast %jit3A_255 : f32 to vector<128x6656xf32>
    %select_n3A_257 = arith.select %eq3A_254, %broadcast_in_dim3A_256, %select_n3A_228 : vector<128x6656xi1>, vector<128x6656xf32>
    %reduce_min3A_258 = arith.constant dense<0x7F800000> : vector<128xf32>
    %reduce_min3A_259 = vector.multi_reduction <minimumf>, %select_n3A_257, %reduce_min3A_258 [1] : vector<128x6656xf32> to vector<128xf32>
    %broadcast_in_dim3A_260 = vector.shape_cast %reduce_min3A_259 : vector<128xf32> to vector<128x1xf32>
    %eq3A_261 = vector.broadcast %broadcast_in_dim3A_260 : vector<128x1xf32> to vector<128x6656xf32>
    %eq3A_262 = arith.cmpf oeq, %select_n3A_257, %eq3A_261 : vector<128x6656xf32>
    %jit3A_263 = arith.constant 6657 : i32
    %broadcast_in_dim3A_264 = vector.broadcast %jit3A_263 : i32 to vector<128x6656xi32>
    %select_n3A_265 = arith.select %eq3A_262, %iota3A, %broadcast_in_dim3A_264 : vector<128x6656xi1>, vector<128x6656xi32>
    %reduce_min3A_266 = arith.constant dense<2147483647> : vector<128xi32>
    %reduce_min3A_267 = vector.multi_reduction <minsi>, %select_n3A_265, %reduce_min3A_266 [1] : vector<128x6656xi32> to vector<128xi32>
    %broadcast_in_dim3A_268 = vector.shape_cast %reduce_min3A_267 : vector<128xi32> to vector<128x1xi32>
    %swap3A_269 = arith.constant 0 : index
    %swap3A_270 = arith.constant 8 : index
    %swap3A_271 = vector.load %arg5[%swap3A_269, %swap3A_270] : memref<128x16xi32, #tpu.memory_space<vmem>>, vector<128x1xi32>
    tpu.vector_store %arg5[%swap3A_269, %swap3A_270], %broadcast_in_dim3A_268 {strides = array<i32>} : memref<128x16xi32, #tpu.memory_space<vmem>>, vector<128x1xi32>,
    %max3A_272 = arith.constant 0.000000e+00 : f32
    %max3A_273 = vector.broadcast %max3A_272 : f32 to vector<128x1xf32>
    %max3A_274 = arith.maximumf %broadcast_in_dim3A_260, %max3A_273 : vector<128x1xf32>
    %add3A_275 = arith.constant 9.99999996E-13 : f32
    %add3A_276 = vector.broadcast %add3A_275 : f32 to vector<128x1xf32>
    %add3A_277 = arith.addf %max3A_274, %add3A_276 : vector<128x1xf32>
    %sqrt3A_278 = math.sqrt %add3A_277 : vector<128x1xf32>
    %swap3A_279 = arith.constant 0 : index
    %swap3A_280 = arith.constant 8 : index
    %swap3A_281 = vector.load %arg6[%swap3A_279, %swap3A_280] : memref<128x16xf32, #tpu.memory_space<vmem>>, vector<128x1xf32>
    tpu.vector_store %arg6[%swap3A_279, %swap3A_280], %sqrt3A_278 {strides = array<i32>} : memref<128x16xf32, #tpu.memory_space<vmem>>, vector<128x1xf32>,
    %eq3A_282 = vector.broadcast %broadcast_in_dim3A_268 : vector<128x1xi32> to vector<128x6656xi32>
    %eq3A_283 = arith.cmpi eq, %iota3A, %eq3A_282 : vector<128x6656xi32>
    %jit3A_284 = arith.constant 0x7F800000 : f32
    %broadcast_in_dim3A_285 = vector.broadcast %jit3A_284 : f32 to vector<128x6656xf32>
    %select_n3A_286 = arith.select %eq3A_283, %broadcast_in_dim3A_285, %select_n3A_257 : vector<128x6656xi1>, vector<128x6656xf32>
    %reduce_min3A_287 = arith.constant dense<0x7F800000> : vector<128xf32>
    %reduce_min3A_288 = vector.multi_reduction <minimumf>, %select_n3A_286, %reduce_min3A_287 [1] : vector<128x6656xf32> to vector<128xf32>
    %broadcast_in_dim3A_289 = vector.shape_cast %reduce_min3A_288 : vector<128xf32> to vector<128x1xf32>
    %eq3A_290 = vector.broadcast %broadcast_in_dim3A_289 : vector<128x1xf32> to vector<128x6656xf32>
    %eq3A_291 = arith.cmpf oeq, %select_n3A_286, %eq3A_290 : vector<128x6656xf32>
    %jit3A_292 = arith.constant 6657 : i32
    %broadcast_in_dim3A_293 = vector.broadcast %jit3A_292 : i32 to vector<128x6656xi32>
    %select_n3A_294 = arith.select %eq3A_291, %iota3A, %broadcast_in_dim3A_293 : vector<128x6656xi1>, vector<128x6656xi32>
    %reduce_min3A_295 = arith.constant dense<2147483647> : vector<128xi32>
    %reduce_min3A_296 = vector.multi_reduction <minsi>, %select_n3A_294, %reduce_min3A_295 [1] : vector<128x6656xi32> to vector<128xi32>
    %broadcast_in_dim3A_297 = vector.shape_cast %reduce_min3A_296 : vector<128xi32> to vector<128x1xi32>
    %swap3A_298 = arith.constant 0 : index
    %swap3A_299 = arith.constant 9 : index
    %swap3A_300 = vector.load %arg5[%swap3A_298, %swap3A_299] : memref<128x16xi32, #tpu.memory_space<vmem>>, vector<128x1xi32>
    tpu.vector_store %arg5[%swap3A_298, %swap3A_299], %broadcast_in_dim3A_297 {strides = array<i32>} : memref<128x16xi32, #tpu.memory_space<vmem>>, vector<128x1xi32>,
    %max3A_301 = arith.constant 0.000000e+00 : f32
    %max3A_302 = vector.broadcast %max3A_301 : f32 to vector<128x1xf32>
    %max3A_303 = arith.maximumf %broadcast_in_dim3A_289, %max3A_302 : vector<128x1xf32>
    %add3A_304 = arith.constant 9.99999996E-13 : f32
    %add3A_305 = vector.broadcast %add3A_304 : f32 to vector<128x1xf32>
    %add3A_306 = arith.addf %max3A_303, %add3A_305 : vector<128x1xf32>
    %sqrt3A_307 = math.sqrt %add3A_306 : vector<128x1xf32>
    %swap3A_308 = arith.constant 0 : index
    %swap3A_309 = arith.constant 9 : index
    %swap3A_310 = vector.load %arg6[%swap3A_308, %swap3A_309] : memref<128x16xf32, #tpu.memory_space<vmem>>, vector<128x1xf32>
    tpu.vector_store %arg6[%swap3A_308, %swap3A_309], %sqrt3A_307 {strides = array<i32>} : memref<128x16xf32, #tpu.memory_space<vmem>>, vector<128x1xf32>,
    %eq3A_311 = vector.broadcast %broadcast_in_dim3A_297 : vector<128x1xi32> to vector<128x6656xi32>
    %eq3A_312 = arith.cmpi eq, %iota3A, %eq3A_311 : vector<128x6656xi32>
    %jit3A_313 = arith.constant 0x7F800000 : f32
    %broadcast_in_dim3A_314 = vector.broadcast %jit3A_313 : f32 to vector<128x6656xf32>
    %select_n3A_315 = arith.select %eq3A_312, %broadcast_in_dim3A_314, %select_n3A_286 : vector<128x6656xi1>, vector<128x6656xf32>
    %reduce_min3A_316 = arith.constant dense<0x7F800000> : vector<128xf32>
    %reduce_min3A_317 = vector.multi_reduction <minimumf>, %select_n3A_315, %reduce_min3A_316 [1] : vector<128x6656xf32> to vector<128xf32>
    %broadcast_in_dim3A_318 = vector.shape_cast %reduce_min3A_317 : vector<128xf32> to vector<128x1xf32>
    %eq3A_319 = vector.broadcast %broadcast_in_dim3A_318 : vector<128x1xf32> to vector<128x6656xf32>
    %eq3A_320 = arith.cmpf oeq, %select_n3A_315, %eq3A_319 : vector<128x6656xf32>
    %jit3A_321 = arith.constant 6657 : i32
    %broadcast_in_dim3A_322 = vector.broadcast %jit3A_321 : i32 to vector<128x6656xi32>
    %select_n3A_323 = arith.select %eq3A_320, %iota3A, %broadcast_in_dim3A_322 : vector<128x6656xi1>, vector<128x6656xi32>
    %reduce_min3A_324 = arith.constant dense<2147483647> : vector<128xi32>
    %reduce_min3A_325 = vector.multi_reduction <minsi>, %select_n3A_323, %reduce_min3A_324 [1] : vector<128x6656xi32> to vector<128xi32>
    %broadcast_in_dim3A_326 = vector.shape_cast %reduce_min3A_325 : vector<128xi32> to vector<128x1xi32>
    %swap3A_327 = arith.constant 0 : index
    %swap3A_328 = arith.constant 10 : index
    %swap3A_329 = vector.load %arg5[%swap3A_327, %swap3A_328] : memref<128x16xi32, #tpu.memory_space<vmem>>, vector<128x1xi32>
    tpu.vector_store %arg5[%swap3A_327, %swap3A_328], %broadcast_in_dim3A_326 {strides = array<i32>} : memref<128x16xi32, #tpu.memory_space<vmem>>, vector<128x1xi32>,
    %max3A_330 = arith.constant 0.000000e+00 : f32
    %max3A_331 = vector.broadcast %max3A_330 : f32 to vector<128x1xf32>
    %max3A_332 = arith.maximumf %broadcast_in_dim3A_318, %max3A_331 : vector<128x1xf32>
    %add3A_333 = arith.constant 9.99999996E-13 : f32
    %add3A_334 = vector.broadcast %add3A_333 : f32 to vector<128x1xf32>
    %add3A_335 = arith.addf %max3A_332, %add3A_334 : vector<128x1xf32>
    %sqrt3A_336 = math.sqrt %add3A_335 : vector<128x1xf32>
    %swap3A_337 = arith.constant 0 : index
    %swap3A_338 = arith.constant 10 : index
    %swap3A_339 = vector.load %arg6[%swap3A_337, %swap3A_338] : memref<128x16xf32, #tpu.memory_space<vmem>>, vector<128x1xf32>
    tpu.vector_store %arg6[%swap3A_337, %swap3A_338], %sqrt3A_336 {strides = array<i32>} : memref<128x16xf32, #tpu.memory_space<vmem>>, vector<128x1xf32>,
    %eq3A_340 = vector.broadcast %broadcast_in_dim3A_326 : vector<128x1xi32> to vector<128x6656xi32>
    %eq3A_341 = arith.cmpi eq, %iota3A, %eq3A_340 : vector<128x6656xi32>
    %jit3A_342 = arith.constant 0x7F800000 : f32
    %broadcast_in_dim3A_343 = vector.broadcast %jit3A_342 : f32 to vector<128x6656xf32>
    %select_n3A_344 = arith.select %eq3A_341, %broadcast_in_dim3A_343, %select_n3A_315 : vector<128x6656xi1>, vector<128x6656xf32>
    %reduce_min3A_345 = arith.constant dense<0x7F800000> : vector<128xf32>
    %reduce_min3A_346 = vector.multi_reduction <minimumf>, %select_n3A_344, %reduce_min3A_345 [1] : vector<128x6656xf32> to vector<128xf32>
    %broadcast_in_dim3A_347 = vector.shape_cast %reduce_min3A_346 : vector<128xf32> to vector<128x1xf32>
    %eq3A_348 = vector.broadcast %broadcast_in_dim3A_347 : vector<128x1xf32> to vector<128x6656xf32>
    %eq3A_349 = arith.cmpf oeq, %select_n3A_344, %eq3A_348 : vector<128x6656xf32>
    %jit3A_350 = arith.constant 6657 : i32
    %broadcast_in_dim3A_351 = vector.broadcast %jit3A_350 : i32 to vector<128x6656xi32>
    %select_n3A_352 = arith.select %eq3A_349, %iota3A, %broadcast_in_dim3A_351 : vector<128x6656xi1>, vector<128x6656xi32>
    %reduce_min3A_353 = arith.constant dense<2147483647> : vector<128xi32>
    %reduce_min3A_354 = vector.multi_reduction <minsi>, %select_n3A_352, %reduce_min3A_353 [1] : vector<128x6656xi32> to vector<128xi32>
    %broadcast_in_dim3A_355 = vector.shape_cast %reduce_min3A_354 : vector<128xi32> to vector<128x1xi32>
    %swap3A_356 = arith.constant 0 : index
    %swap3A_357 = arith.constant 11 : index
    %swap3A_358 = vector.load %arg5[%swap3A_356, %swap3A_357] : memref<128x16xi32, #tpu.memory_space<vmem>>, vector<128x1xi32>
    tpu.vector_store %arg5[%swap3A_356, %swap3A_357], %broadcast_in_dim3A_355 {strides = array<i32>} : memref<128x16xi32, #tpu.memory_space<vmem>>, vector<128x1xi32>,
    %max3A_359 = arith.constant 0.000000e+00 : f32
    %max3A_360 = vector.broadcast %max3A_359 : f32 to vector<128x1xf32>
    %max3A_361 = arith.maximumf %broadcast_in_dim3A_347, %max3A_360 : vector<128x1xf32>
    %add3A_362 = arith.constant 9.99999996E-13 : f32
    %add3A_363 = vector.broadcast %add3A_362 : f32 to vector<128x1xf32>
    %add3A_364 = arith.addf %max3A_361, %add3A_363 : vector<128x1xf32>
    %sqrt3A_365 = math.sqrt %add3A_364 : vector<128x1xf32>
    %swap3A_366 = arith.constant 0 : index
    %swap3A_367 = arith.constant 11 : index
    %swap3A_368 = vector.load %arg6[%swap3A_366, %swap3A_367] : memref<128x16xf32, #tpu.memory_space<vmem>>, vector<128x1xf32>
    tpu.vector_store %arg6[%swap3A_366, %swap3A_367], %sqrt3A_365 {strides = array<i32>} : memref<128x16xf32, #tpu.memory_space<vmem>>, vector<128x1xf32>,
    %eq3A_369 = vector.broadcast %broadcast_in_dim3A_355 : vector<128x1xi32> to vector<128x6656xi32>
    %eq3A_370 = arith.cmpi eq, %iota3A, %eq3A_369 : vector<128x6656xi32>
    %jit3A_371 = arith.constant 0x7F800000 : f32
    %broadcast_in_dim3A_372 = vector.broadcast %jit3A_371 : f32 to vector<128x6656xf32>
    %select_n3A_373 = arith.select %eq3A_370, %broadcast_in_dim3A_372, %select_n3A_344 : vector<128x6656xi1>, vector<128x6656xf32>
    %reduce_min3A_374 = arith.constant dense<0x7F800000> : vector<128xf32>
    %reduce_min3A_375 = vector.multi_reduction <minimumf>, %select_n3A_373, %reduce_min3A_374 [1] : vector<128x6656xf32> to vector<128xf32>
    %broadcast_in_dim3A_376 = vector.shape_cast %reduce_min3A_375 : vector<128xf32> to vector<128x1xf32>
    %eq3A_377 = vector.broadcast %broadcast_in_dim3A_376 : vector<128x1xf32> to vector<128x6656xf32>
    %eq3A_378 = arith.cmpf oeq, %select_n3A_373, %eq3A_377 : vector<128x6656xf32>
    %jit3A_379 = arith.constant 6657 : i32
    %broadcast_in_dim3A_380 = vector.broadcast %jit3A_379 : i32 to vector<128x6656xi32>
    %select_n3A_381 = arith.select %eq3A_378, %iota3A, %broadcast_in_dim3A_380 : vector<128x6656xi1>, vector<128x6656xi32>
    %reduce_min3A_382 = arith.constant dense<2147483647> : vector<128xi32>
    %reduce_min3A_383 = vector.multi_reduction <minsi>, %select_n3A_381, %reduce_min3A_382 [1] : vector<128x6656xi32> to vector<128xi32>
    %broadcast_in_dim3A_384 = vector.shape_cast %reduce_min3A_383 : vector<128xi32> to vector<128x1xi32>
    %swap3A_385 = arith.constant 0 : index
    %swap3A_386 = arith.constant 12 : index
    %swap3A_387 = vector.load %arg5[%swap3A_385, %swap3A_386] : memref<128x16xi32, #tpu.memory_space<vmem>>, vector<128x1xi32>
    tpu.vector_store %arg5[%swap3A_385, %swap3A_386], %broadcast_in_dim3A_384 {strides = array<i32>} : memref<128x16xi32, #tpu.memory_space<vmem>>, vector<128x1xi32>,
    %max3A_388 = arith.constant 0.000000e+00 : f32
    %max3A_389 = vector.broadcast %max3A_388 : f32 to vector<128x1xf32>
    %max3A_390 = arith.maximumf %broadcast_in_dim3A_376, %max3A_389 : vector<128x1xf32>
    %add3A_391 = arith.constant 9.99999996E-13 : f32
    %add3A_392 = vector.broadcast %add3A_391 : f32 to vector<128x1xf32>
    %add3A_393 = arith.addf %max3A_390, %add3A_392 : vector<128x1xf32>
    %sqrt3A_394 = math.sqrt %add3A_393 : vector<128x1xf32>
    %swap3A_395 = arith.constant 0 : index
    %swap3A_396 = arith.constant 12 : index
    %swap3A_397 = vector.load %arg6[%swap3A_395, %swap3A_396] : memref<128x16xf32, #tpu.memory_space<vmem>>, vector<128x1xf32>
    tpu.vector_store %arg6[%swap3A_395, %swap3A_396], %sqrt3A_394 {strides = array<i32>} : memref<128x16xf32, #tpu.memory_space<vmem>>, vector<128x1xf32>,
    %eq3A_398 = vector.broadcast %broadcast_in_dim3A_384 : vector<128x1xi32> to vector<128x6656xi32>
    %eq3A_399 = arith.cmpi eq, %iota3A, %eq3A_398 : vector<128x6656xi32>
    %jit3A_400 = arith.constant 0x7F800000 : f32
    %broadcast_in_dim3A_401 = vector.broadcast %jit3A_400 : f32 to vector<128x6656xf32>
    %select_n3A_402 = arith.select %eq3A_399, %broadcast_in_dim3A_401, %select_n3A_373 : vector<128x6656xi1>, vector<128x6656xf32>
    %reduce_min3A_403 = arith.constant dense<0x7F800000> : vector<128xf32>
    %reduce_min3A_404 = vector.multi_reduction <minimumf>, %select_n3A_402, %reduce_min3A_403 [1] : vector<128x6656xf32> to vector<128xf32>
    %broadcast_in_dim3A_405 = vector.shape_cast %reduce_min3A_404 : vector<128xf32> to vector<128x1xf32>
    %eq3A_406 = vector.broadcast %broadcast_in_dim3A_405 : vector<128x1xf32> to vector<128x6656xf32>
    %eq3A_407 = arith.cmpf oeq, %select_n3A_402, %eq3A_406 : vector<128x6656xf32>
    %jit3A_408 = arith.constant 6657 : i32
    %broadcast_in_dim3A_409 = vector.broadcast %jit3A_408 : i32 to vector<128x6656xi32>
    %select_n3A_410 = arith.select %eq3A_407, %iota3A, %broadcast_in_dim3A_409 : vector<128x6656xi1>, vector<128x6656xi32>
    %reduce_min3A_411 = arith.constant dense<2147483647> : vector<128xi32>
    %reduce_min3A_412 = vector.multi_reduction <minsi>, %select_n3A_410, %reduce_min3A_411 [1] : vector<128x6656xi32> to vector<128xi32>
    %broadcast_in_dim3A_413 = vector.shape_cast %reduce_min3A_412 : vector<128xi32> to vector<128x1xi32>
    %swap3A_414 = arith.constant 0 : index
    %swap3A_415 = arith.constant 13 : index
    %swap3A_416 = vector.load %arg5[%swap3A_414, %swap3A_415] : memref<128x16xi32, #tpu.memory_space<vmem>>, vector<128x1xi32>
    tpu.vector_store %arg5[%swap3A_414, %swap3A_415], %broadcast_in_dim3A_413 {strides = array<i32>} : memref<128x16xi32, #tpu.memory_space<vmem>>, vector<128x1xi32>,
    %max3A_417 = arith.constant 0.000000e+00 : f32
    %max3A_418 = vector.broadcast %max3A_417 : f32 to vector<128x1xf32>
    %max3A_419 = arith.maximumf %broadcast_in_dim3A_405, %max3A_418 : vector<128x1xf32>
    %add3A_420 = arith.constant 9.99999996E-13 : f32
    %add3A_421 = vector.broadcast %add3A_420 : f32 to vector<128x1xf32>
    %add3A_422 = arith.addf %max3A_419, %add3A_421 : vector<128x1xf32>
    %sqrt3A_423 = math.sqrt %add3A_422 : vector<128x1xf32>
    %swap3A_424 = arith.constant 0 : index
    %swap3A_425 = arith.constant 13 : index
    %swap3A_426 = vector.load %arg6[%swap3A_424, %swap3A_425] : memref<128x16xf32, #tpu.memory_space<vmem>>, vector<128x1xf32>
    tpu.vector_store %arg6[%swap3A_424, %swap3A_425], %sqrt3A_423 {strides = array<i32>} : memref<128x16xf32, #tpu.memory_space<vmem>>, vector<128x1xf32>,
    %eq3A_427 = vector.broadcast %broadcast_in_dim3A_413 : vector<128x1xi32> to vector<128x6656xi32>
    %eq3A_428 = arith.cmpi eq, %iota3A, %eq3A_427 : vector<128x6656xi32>
    %jit3A_429 = arith.constant 0x7F800000 : f32
    %broadcast_in_dim3A_430 = vector.broadcast %jit3A_429 : f32 to vector<128x6656xf32>
    %select_n3A_431 = arith.select %eq3A_428, %broadcast_in_dim3A_430, %select_n3A_402 : vector<128x6656xi1>, vector<128x6656xf32>
    %reduce_min3A_432 = arith.constant dense<0x7F800000> : vector<128xf32>
    %reduce_min3A_433 = vector.multi_reduction <minimumf>, %select_n3A_431, %reduce_min3A_432 [1] : vector<128x6656xf32> to vector<128xf32>
    %broadcast_in_dim3A_434 = vector.shape_cast %reduce_min3A_433 : vector<128xf32> to vector<128x1xf32>
    %eq3A_435 = vector.broadcast %broadcast_in_dim3A_434 : vector<128x1xf32> to vector<128x6656xf32>
    %eq3A_436 = arith.cmpf oeq, %select_n3A_431, %eq3A_435 : vector<128x6656xf32>
    %jit3A_437 = arith.constant 6657 : i32
    %broadcast_in_dim3A_438 = vector.broadcast %jit3A_437 : i32 to vector<128x6656xi32>
    %select_n3A_439 = arith.select %eq3A_436, %iota3A, %broadcast_in_dim3A_438 : vector<128x6656xi1>, vector<128x6656xi32>
    %reduce_min3A_440 = arith.constant dense<2147483647> : vector<128xi32>
    %reduce_min3A_441 = vector.multi_reduction <minsi>, %select_n3A_439, %reduce_min3A_440 [1] : vector<128x6656xi32> to vector<128xi32>
    %broadcast_in_dim3A_442 = vector.shape_cast %reduce_min3A_441 : vector<128xi32> to vector<128x1xi32>
    %swap3A_443 = arith.constant 0 : index
    %swap3A_444 = arith.constant 14 : index
    %swap3A_445 = vector.load %arg5[%swap3A_443, %swap3A_444] : memref<128x16xi32, #tpu.memory_space<vmem>>, vector<128x1xi32>
    tpu.vector_store %arg5[%swap3A_443, %swap3A_444], %broadcast_in_dim3A_442 {strides = array<i32>} : memref<128x16xi32, #tpu.memory_space<vmem>>, vector<128x1xi32>,
    %max3A_446 = arith.constant 0.000000e+00 : f32
    %max3A_447 = vector.broadcast %max3A_446 : f32 to vector<128x1xf32>
    %max3A_448 = arith.maximumf %broadcast_in_dim3A_434, %max3A_447 : vector<128x1xf32>
    %add3A_449 = arith.constant 9.99999996E-13 : f32
    %add3A_450 = vector.broadcast %add3A_449 : f32 to vector<128x1xf32>
    %add3A_451 = arith.addf %max3A_448, %add3A_450 : vector<128x1xf32>
    %sqrt3A_452 = math.sqrt %add3A_451 : vector<128x1xf32>
    %swap3A_453 = arith.constant 0 : index
    %swap3A_454 = arith.constant 14 : index
    %swap3A_455 = vector.load %arg6[%swap3A_453, %swap3A_454] : memref<128x16xf32, #tpu.memory_space<vmem>>, vector<128x1xf32>
    tpu.vector_store %arg6[%swap3A_453, %swap3A_454], %sqrt3A_452 {strides = array<i32>} : memref<128x16xf32, #tpu.memory_space<vmem>>, vector<128x1xf32>,
    %eq3A_456 = vector.broadcast %broadcast_in_dim3A_442 : vector<128x1xi32> to vector<128x6656xi32>
    %eq3A_457 = arith.cmpi eq, %iota3A, %eq3A_456 : vector<128x6656xi32>
    %jit3A_458 = arith.constant 0x7F800000 : f32
    %broadcast_in_dim3A_459 = vector.broadcast %jit3A_458 : f32 to vector<128x6656xf32>
    %select_n3A_460 = arith.select %eq3A_457, %broadcast_in_dim3A_459, %select_n3A_431 : vector<128x6656xi1>, vector<128x6656xf32>
    %reduce_min3A_461 = arith.constant dense<0x7F800000> : vector<128xf32>
    %reduce_min3A_462 = vector.multi_reduction <minimumf>, %select_n3A_460, %reduce_min3A_461 [1] : vector<128x6656xf32> to vector<128xf32>
    %broadcast_in_dim3A_463 = vector.shape_cast %reduce_min3A_462 : vector<128xf32> to vector<128x1xf32>
    %eq3A_464 = vector.broadcast %broadcast_in_dim3A_463 : vector<128x1xf32> to vector<128x6656xf32>
    %eq3A_465 = arith.cmpf oeq, %select_n3A_460, %eq3A_464 : vector<128x6656xf32>
    %jit3A_466 = arith.constant 6657 : i32
    %broadcast_in_dim3A_467 = vector.broadcast %jit3A_466 : i32 to vector<128x6656xi32>
    %select_n3A_468 = arith.select %eq3A_465, %iota3A, %broadcast_in_dim3A_467 : vector<128x6656xi1>, vector<128x6656xi32>
    %reduce_min3A_469 = arith.constant dense<2147483647> : vector<128xi32>
    %reduce_min3A_470 = vector.multi_reduction <minsi>, %select_n3A_468, %reduce_min3A_469 [1] : vector<128x6656xi32> to vector<128xi32>
    %broadcast_in_dim3A_471 = vector.shape_cast %reduce_min3A_470 : vector<128xi32> to vector<128x1xi32>
    %swap3A_472 = arith.constant 0 : index
    %swap3A_473 = arith.constant 15 : index
    %swap3A_474 = vector.load %arg5[%swap3A_472, %swap3A_473] : memref<128x16xi32, #tpu.memory_space<vmem>>, vector<128x1xi32>
    tpu.vector_store %arg5[%swap3A_472, %swap3A_473], %broadcast_in_dim3A_471 {strides = array<i32>} : memref<128x16xi32, #tpu.memory_space<vmem>>, vector<128x1xi32>,
    %max3A_475 = arith.constant 0.000000e+00 : f32
    %max3A_476 = vector.broadcast %max3A_475 : f32 to vector<128x1xf32>
    %max3A_477 = arith.maximumf %broadcast_in_dim3A_463, %max3A_476 : vector<128x1xf32>
    %add3A_478 = arith.constant 9.99999996E-13 : f32
    %add3A_479 = vector.broadcast %add3A_478 : f32 to vector<128x1xf32>
    %add3A_480 = arith.addf %max3A_477, %add3A_479 : vector<128x1xf32>
    %sqrt3A_481 = math.sqrt %add3A_480 : vector<128x1xf32>
    %swap3A_482 = arith.constant 0 : index
    %swap3A_483 = arith.constant 15 : index
    %swap3A_484 = vector.load %arg6[%swap3A_482, %swap3A_483] : memref<128x16xf32, #tpu.memory_space<vmem>>, vector<128x1xf32>
    tpu.vector_store %arg6[%swap3A_482, %swap3A_483], %sqrt3A_481 {strides = array<i32>} : memref<128x16xf32, #tpu.memory_space<vmem>>, vector<128x1xf32>,
    return
  }
  func.func @transform_0(%arg0: i32) -> (i32, i32) {
    %c0_i32 = arith.constant 0 : i32
    %c0_i32_0 = arith.constant 0 : i32
    return %arg0, %c0_i32 : i32, i32
  }
  func.func @transform_1(%arg0: i32) -> (i32, i32) {
    %c0_i32 = arith.constant 0 : i32
    %c0_i32_0 = arith.constant 0 : i32
    %c0_i32_1 = arith.constant 0 : i32
    return %c0_i32, %c0_i32_0 : i32, i32
  }
  func.func @transform_2(%arg0: i32) -> (i32, i32) {
    %c0_i32 = arith.constant 0 : i32
    %c0_i32_0 = arith.constant 0 : i32
    return %arg0, %c0_i32 : i32, i32
  }
  func.func @transform_3(%arg0: i32) -> (i32, i32) {
    %c0_i32 = arith.constant 0 : i32
    %c0_i32_0 = arith.constant 0 : i32
    %c0_i32_1 = arith.constant 0 : i32
    return %c0_i32, %c0_i32_0 : i32, i32
  }
  func.func @transform_4(%arg0: i32) -> (i32, i32) {
    %c0_i32 = arith.constant 0 : i32
    %c0_i32_0 = arith.constant 0 : i32
    return %arg0, %c0_i32 : i32, i32
  }
  func.func @transform_5(%arg0: i32) -> (i32, i32) {
    %c0_i32 = arith.constant 0 : i32
    %c0_i32_0 = arith.constant 0 : i32
    return %arg0, %c0_i32 : i32, i32
  }
}

module attributes {stable_mosaic.version = 14 : i64} {
  func.func @_mm_kernel(%arg0: i32, %arg1: memref<128x64xf32, #tpu.memory_space<vmem>>, %arg2: memref<64x128xf32, #tpu.memory_space<vmem>>, %arg3: memref<128x128xf32, #tpu.memory_space<vmem>>) attributes {dimension_semantics = [#tpu.dimension_semantics<arbitrary>], iteration_bounds = array<i64: 52>, scalar_prefetch = 0 : i64, scratch_operands = 0 : i64, tpu.core_type = #tpu.core_type<tc>, window_params = [{transform_indices = @transform_0, window_bounds = array<i64: 128, 64>}, {pipeline_mode = #tpu.pipeline_mode<synchronous>, transform_indices = @transform_1, window_bounds = array<i64: 64, 128>}, {transform_indices = @transform_2, window_bounds = array<i64: 128, 128>}]} {
    %get3A = arith.constant 0 : index
    %get3A_0 = arith.constant 0 : index
    %get3A_1 = vector.load %arg1[%get3A, %get3A_0] : memref<128x64xf32, #tpu.memory_space<vmem>>, vector<128x64xf32>
    %get3A_2 = arith.constant 0 : index
    %get3A_3 = arith.constant 0 : index
    %get3A_4 = vector.load %arg2[%get3A_2, %get3A_3] : memref<64x128xf32, #tpu.memory_space<vmem>>, vector<64x128xf32>
    %dot_general3A = arith.constant dense<0.000000e+00> : vector<128x128xf32>
    %dot_general3A_5 = tpu.matmul %get3A_1, %get3A_4, %dot_general3A {dimension_numbers = #tpu.dot_dimension_numbers<[1], [0], [0], [1], [0, 0, 1, 1], [], []>, transpose_lhs_hint = false} : vector<128x64xf32>, vector<64x128xf32>, vector<128x128xf32> -> vector<128x128xf32>
    %swap3A = arith.constant 0 : index
    %swap3A_6 = arith.constant 0 : index
    %swap3A_7 = vector.load %arg3[%swap3A, %swap3A_6] : memref<128x128xf32, #tpu.memory_space<vmem>>, vector<128x128xf32>
    tpu.vector_store %arg3[%swap3A, %swap3A_6], %dot_general3A_5 {strides = array<i32>} : memref<128x128xf32, #tpu.memory_space<vmem>>, vector<128x128xf32>,
    return
  }
  func.func @transform_0(%arg0: i32) -> (i32, i32) {
    %c0_i32 = arith.constant 0 : i32
    %c0_i32_0 = arith.constant 0 : i32
    return %arg0, %c0_i32 : i32, i32
  }
  func.func @transform_1(%arg0: i32) -> (i32, i32) {
    %c0_i32 = arith.constant 0 : i32
    %c0_i32_0 = arith.constant 0 : i32
    %c0_i32_1 = arith.constant 0 : i32
    return %c0_i32, %c0_i32_0 : i32, i32
  }
  func.func @transform_2(%arg0: i32) -> (i32, i32) {
    %c0_i32 = arith.constant 0 : i32
    %c0_i32_0 = arith.constant 0 : i32
    return %arg0, %c0_i32 : i32, i32
  }
}

module attributes {stable_mosaic.version = 14 : i64} {
  func.func @_two_mm_kernel(%arg0: i32, %arg1: memref<128x128xf32, #tpu.memory_space<vmem>>, %arg2: memref<128x128xf32, #tpu.memory_space<vmem>>, %arg3: memref<128x128xf32, #tpu.memory_space<vmem>>, %arg4: memref<128x128xf32, #tpu.memory_space<vmem>>, %arg5: memref<128x128xf32, #tpu.memory_space<vmem>>) attributes {dimension_semantics = [#tpu.dimension_semantics<arbitrary>], iteration_bounds = array<i64: 52>, scalar_prefetch = 0 : i64, scratch_operands = 0 : i64, tpu.core_type = #tpu.core_type<tc>, window_params = [{transform_indices = @transform_0, window_bounds = array<i64: 128, 128>}, {pipeline_mode = #tpu.pipeline_mode<synchronous>, transform_indices = @transform_1, window_bounds = array<i64: 128, 128>}, {pipeline_mode = #tpu.pipeline_mode<synchronous>, transform_indices = @transform_2, window_bounds = array<i64: 128, 128>}, {transform_indices = @transform_3, window_bounds = array<i64: 128, 128>}, {transform_indices = @transform_4, window_bounds = array<i64: 128, 128>}]} {
    %get3A = arith.constant 0 : index
    %get3A_0 = arith.constant 0 : index
    %get3A_1 = vector.load %arg1[%get3A, %get3A_0] : memref<128x128xf32, #tpu.memory_space<vmem>>, vector<128x128xf32>
    %get3A_2 = arith.constant 0 : index
    %get3A_3 = arith.constant 0 : index
    %get3A_4 = vector.load %arg2[%get3A_2, %get3A_3] : memref<128x128xf32, #tpu.memory_space<vmem>>, vector<128x128xf32>
    %dot_general3A = arith.constant dense<0.000000e+00> : vector<128x128xf32>
    %dot_general3A_5 = tpu.matmul %get3A_1, %get3A_4, %dot_general3A {dimension_numbers = #tpu.dot_dimension_numbers<[1], [0], [0], [1], [0, 0, 1, 1], [], []>, transpose_lhs_hint = false} : vector<128x128xf32>, vector<128x128xf32>, vector<128x128xf32> -> vector<128x128xf32>
    %swap3A = arith.constant 0 : index
    %swap3A_6 = arith.constant 0 : index
    %swap3A_7 = vector.load %arg4[%swap3A, %swap3A_6] : memref<128x128xf32, #tpu.memory_space<vmem>>, vector<128x128xf32>
    tpu.vector_store %arg4[%swap3A, %swap3A_6], %dot_general3A_5 {strides = array<i32>} : memref<128x128xf32, #tpu.memory_space<vmem>>, vector<128x128xf32>,
    %get3A_8 = arith.constant 0 : index
    %get3A_9 = arith.constant 0 : index
    %get3A_10 = vector.load %arg3[%get3A_8, %get3A_9] : memref<128x128xf32, #tpu.memory_space<vmem>>, vector<128x128xf32>
    %dot_general3A_11 = arith.constant dense<0.000000e+00> : vector<128x128xf32>
    %dot_general3A_12 = tpu.matmul %get3A_1, %get3A_10, %dot_general3A_11 {dimension_numbers = #tpu.dot_dimension_numbers<[1], [0], [0], [1], [0, 0, 1, 1], [], []>, transpose_lhs_hint = false} : vector<128x128xf32>, vector<128x128xf32>, vector<128x128xf32> -> vector<128x128xf32>
    %swap3A_13 = arith.constant 0 : index
    %swap3A_14 = arith.constant 0 : index
    %swap3A_15 = vector.load %arg5[%swap3A_13, %swap3A_14] : memref<128x128xf32, #tpu.memory_space<vmem>>, vector<128x128xf32>
    tpu.vector_store %arg5[%swap3A_13, %swap3A_14], %dot_general3A_12 {strides = array<i32>} : memref<128x128xf32, #tpu.memory_space<vmem>>, vector<128x128xf32>,
    return
  }
  func.func @transform_0(%arg0: i32) -> (i32, i32) {
    %c0_i32 = arith.constant 0 : i32
    %c0_i32_0 = arith.constant 0 : i32
    return %arg0, %c0_i32 : i32, i32
  }
  func.func @transform_1(%arg0: i32) -> (i32, i32) {
    %c0_i32 = arith.constant 0 : i32
    %c0_i32_0 = arith.constant 0 : i32
    %c0_i32_1 = arith.constant 0 : i32
    return %c0_i32, %c0_i32_0 : i32, i32
  }
  func.func @transform_2(%arg0: i32) -> (i32, i32) {
    %c0_i32 = arith.constant 0 : i32
    %c0_i32_0 = arith.constant 0 : i32
    %c0_i32_1 = arith.constant 0 : i32
    return %c0_i32, %c0_i32_0 : i32, i32
  }
  func.func @transform_3(%arg0: i32) -> (i32, i32) {
    %c0_i32 = arith.constant 0 : i32
    %c0_i32_0 = arith.constant 0 : i32
    return %arg0, %c0_i32 : i32, i32
  }
  func.func @transform_4(%arg0: i32) -> (i32, i32) {
    %c0_i32 = arith.constant 0 : i32
    %c0_i32_0 = arith.constant 0 : i32
    return %arg0, %c0_i32 : i32, i32
  }
}

module attributes {stable_mosaic.version = 14 : i64} {
  func.func @_edge_kernel(%arg0: i32, %arg1: memref<128x128xf32, #tpu.memory_space<vmem>>, %arg2: memref<128x128xf32, #tpu.memory_space<vmem>>, %arg3: memref<2048x128xf32, #tpu.memory_space<vmem>>, %arg4: memref<2048x1xf32, #tpu.memory_space<vmem>>, %arg5: memref<20x128xf32, #tpu.memory_space<vmem>>, %arg6: memref<1x128xf32, #tpu.memory_space<vmem>>, %arg7: memref<128x128xf32, #tpu.memory_space<vmem>>, %arg8: memref<1x128xf32, #tpu.memory_space<vmem>>, %arg9: memref<128x128xf32, #tpu.memory_space<vmem>>, %arg10: memref<128x128xf32, #tpu.memory_space<vmem>>, %arg11: memref<1x128xf32, #tpu.memory_space<vmem>>, %arg12: memref<128x128xf32, #tpu.memory_space<vmem>>, %arg13: memref<1x128xf32, #tpu.memory_space<vmem>>, %arg14: memref<1x128xf32, #tpu.memory_space<vmem>>, %arg15: memref<1x128xf32, #tpu.memory_space<vmem>>, %arg16: memref<128x128xf32, #tpu.memory_space<vmem>>) attributes {dimension_semantics = [#tpu.dimension_semantics<arbitrary>], iteration_bounds = array<i64: 52>, scalar_prefetch = 0 : i64, scratch_operands = 0 : i64, tpu.core_type = #tpu.core_type<tc>, window_params = [{transform_indices = @transform_0, window_bounds = array<i64: 128, 128>}, {transform_indices = @transform_1, window_bounds = array<i64: 128, 128>}, {transform_indices = @transform_2, window_bounds = array<i64: 2048, 128>}, {transform_indices = @transform_3, window_bounds = array<i64: 2048, 1>}, {pipeline_mode = #tpu.pipeline_mode<synchronous>, transform_indices = @transform_4, window_bounds = array<i64: 20, 128>}, {pipeline_mode = #tpu.pipeline_mode<synchronous>, transform_indices = @transform_5, window_bounds = array<i64: 1, 128>}, {pipeline_mode = #tpu.pipeline_mode<synchronous>, transform_indices = @transform_6, window_bounds = array<i64: 128, 128>}, {pipeline_mode = #tpu.pipeline_mode<synchronous>, transform_indices = @transform_7, window_bounds = array<i64: 1, 128>}, {pipeline_mode = #tpu.pipeline_mode<synchronous>, transform_indices = @transform_8, window_bounds = array<i64: 128, 128>}, {pipeline_mode = #tpu.pipeline_mode<synchronous>, transform_indices = @transform_9, window_bounds = array<i64: 128, 128>}, {pipeline_mode = #tpu.pipeline_mode<synchronous>, transform_indices = @transform_10, window_bounds = array<i64: 1, 128>}, {pipeline_mode = #tpu.pipeline_mode<synchronous>, transform_indices = @transform_11, window_bounds = array<i64: 128, 128>}, {pipeline_mode = #tpu.pipeline_mode<synchronous>, transform_indices = @transform_12, window_bounds = array<i64: 1, 128>}, {pipeline_mode = #tpu.pipeline_mode<synchronous>, transform_indices = @transform_13, window_bounds = array<i64: 1, 128>}, {pipeline_mode = #tpu.pipeline_mode<synchronous>, transform_indices = @transform_14, window_bounds = array<i64: 1, 128>}, {transform_indices = @transform_15, window_bounds = array<i64: 128, 128>}]} {
    %get3A = arith.constant 0 : index
    %get3A_0 = arith.constant 0 : index
    %get3A_1 = vector.load %arg4[%get3A, %get3A_0] : memref<2048x1xf32, #tpu.memory_space<vmem>>, vector<2048x1xf32>
    %iota3A = tpu.iota {dimensions = array<i32: 1>} : vector<1x20xi32>
    %convert_element_type3A = arith.sitofp %iota3A : vector<1x20xi32> to vector<1x20xf32>
    %mul3A = arith.constant 0.526315808 : f32
    %mul3A_2 = vector.broadcast %mul3A : f32 to vector<1x20xf32>
    %mul3A_3 = arith.mulf %convert_element_type3A, %mul3A_2 : vector<1x20xf32>
    %sub3A = vector.broadcast %get3A_1 : vector<2048x1xf32> to vector<2048x20xf32>
    %sub3A_4 = vector.broadcast %mul3A_3 : vector<1x20xf32> to vector<2048x20xf32>
    %sub3A_5 = arith.subf %sub3A, %sub3A_4 : vector<2048x20xf32>
    %integer_pow3A = arith.mulf %sub3A_5, %sub3A_5 : vector<2048x20xf32>
    %mul3A_6 = arith.constant -1.805000e+00 : f32
    %mul3A_7 = vector.broadcast %mul3A_6 : f32 to vector<2048x20xf32>
    %mul3A_8 = arith.mulf %mul3A_7, %integer_pow3A : vector<2048x20xf32>
    %exp3A = math.exp %mul3A_8 : vector<2048x20xf32>
    %le3A = arith.constant 1.000000e+01 : f32
    %le3A_9 = vector.broadcast %le3A : f32 to vector<2048x1xf32>
    %le3A_10 = arith.cmpf ole, %get3A_1, %le3A_9 : vector<2048x1xf32>
    %convert_element_type3A_11 = arith.extui %le3A_10 : vector<2048x1xi1> to vector<2048x1xi32>
    %convert_element_type3A_12 = arith.sitofp %convert_element_type3A_11 : vector<2048x1xi32> to vector<2048x1xf32>
    %get3A_13 = arith.constant 0 : index
    %get3A_14 = arith.constant 0 : index
    %get3A_15 = vector.load %arg2[%get3A_13, %get3A_14] : memref<128x128xf32, #tpu.memory_space<vmem>>, vector<128x128xf32>
    %broadcast_in_dim3A = vector.shape_cast %get3A_15 : vector<128x128xf32> to vector<128x1x128xf32>
    %broadcast_in_dim3A_16 = vector.shape_cast %broadcast_in_dim3A : vector<128x1x128xf32> to vector<128x1x128xf32>
    %broadcast_in_dim3A_17 = vector.broadcast %broadcast_in_dim3A_16 : vector<128x1x128xf32> to vector<128x16x128xf32>
    %reshape3A = vector.shape_cast %broadcast_in_dim3A_17 : vector<128x16x128xf32> to vector<2048x128xf32>
    %get3A_18 = arith.constant 0 : index
    %get3A_19 = arith.constant 0 : index
    %get3A_20 = vector.load %arg3[%get3A_18, %get3A_19] : memref<2048x128xf32, #tpu.memory_space<vmem>>, vector<2048x128xf32>
    %add3A = arith.addf %reshape3A, %get3A_20 : vector<2048x128xf32>
    %get3A_21 = arith.constant 0 : index
    %get3A_22 = arith.constant 0 : index
    %get3A_23 = vector.load %arg5[%get3A_21, %get3A_22] : memref<20x128xf32, #tpu.memory_space<vmem>>, vector<20x128xf32>
    %dot_general3A = arith.constant dense<0.000000e+00> : vector<2048x128xf32>
    %dot_general3A_24 = tpu.matmul %exp3A, %get3A_23, %dot_general3A {dimension_numbers = #tpu.dot_dimension_numbers<[1], [0], [0], [1], [0, 0, 1, 1], [], []>, transpose_lhs_hint = false} : vector<2048x20xf32>, vector<20x128xf32>, vector<2048x128xf32> -> vector<2048x128xf32>
    %add3A_25 = arith.addf %add3A, %dot_general3A_24 : vector<2048x128xf32>
    %get3A_26 = arith.constant 0 : index
    %get3A_27 = arith.constant 0 : index
    %get3A_28 = vector.load %arg6[%get3A_26, %get3A_27] : memref<1x128xf32, #tpu.memory_space<vmem>>, vector<1x128xf32>
    %add3A_29 = vector.broadcast %get3A_28 : vector<1x128xf32> to vector<2048x128xf32>
    %add3A_30 = arith.addf %add3A_25, %add3A_29 : vector<2048x128xf32>
    %max3A = arith.constant 0.000000e+00 : f32
    %max3A_31 = vector.broadcast %max3A : f32 to vector<2048x128xf32>
    %max3A_32 = arith.maximumf %add3A_30, %max3A_31 : vector<2048x128xf32>
    %get3A_33 = arith.constant 0 : index
    %get3A_34 = arith.constant 0 : index
    %get3A_35 = vector.load %arg7[%get3A_33, %get3A_34] : memref<128x128xf32, #tpu.memory_space<vmem>>, vector<128x128xf32>
    %dot_general3A_36 = arith.constant dense<0.000000e+00> : vector<2048x128xf32>
    %dot_general3A_37 = tpu.matmul %max3A_32, %get3A_35, %dot_general3A_36 {dimension_numbers = #tpu.dot_dimension_numbers<[1], [0], [0], [1], [0, 0, 1, 1], [], []>, transpose_lhs_hint = false} : vector<2048x128xf32>, vector<128x128xf32>, vector<2048x128xf32> -> vector<2048x128xf32>
    %get3A_38 = arith.constant 0 : index
    %get3A_39 = arith.constant 0 : index
    %get3A_40 = vector.load %arg8[%get3A_38, %get3A_39] : memref<1x128xf32, #tpu.memory_space<vmem>>, vector<1x128xf32>
    %add3A_41 = vector.broadcast %get3A_40 : vector<1x128xf32> to vector<2048x128xf32>
    %add3A_42 = arith.addf %dot_general3A_37, %add3A_41 : vector<2048x128xf32>
    %max3A_43 = arith.constant 0.000000e+00 : f32
    %max3A_44 = vector.broadcast %max3A_43 : f32 to vector<2048x128xf32>
    %max3A_45 = arith.maximumf %add3A_42, %max3A_44 : vector<2048x128xf32>
    %mul3A_46 = vector.broadcast %convert_element_type3A_12 : vector<2048x1xf32> to vector<2048x128xf32>
    %mul3A_47 = arith.mulf %max3A_45, %mul3A_46 : vector<2048x128xf32>
    %reshape3A_48 = vector.shape_cast %mul3A_47 : vector<2048x128xf32> to vector<128x16x128xf32>
    %reduce_sum3A = arith.constant dense<0.000000e+00> : vector<128x128xf32>
    %reduce_sum3A_49 = vector.multi_reduction <add>, %reshape3A_48, %reduce_sum3A [1] : vector<128x16x128xf32> to vector<128x128xf32>
    %get3A_50 = arith.constant 0 : index
    %get3A_51 = arith.constant 0 : index
    %get3A_52 = vector.load %arg1[%get3A_50, %get3A_51] : memref<128x128xf32, #tpu.memory_space<vmem>>, vector<128x128xf32>
    %get3A_53 = arith.constant 0 : index
    %get3A_54 = arith.constant 0 : index
    %get3A_55 = vector.load %arg9[%get3A_53, %get3A_54] : memref<128x128xf32, #tpu.memory_space<vmem>>, vector<128x128xf32>
    %dot_general3A_56 = arith.constant dense<0.000000e+00> : vector<128x128xf32>
    %dot_general3A_57 = tpu.matmul %get3A_52, %get3A_55, %dot_general3A_56 {dimension_numbers = #tpu.dot_dimension_numbers<[1], [0], [0], [1], [0, 0, 1, 1], [], []>, transpose_lhs_hint = false} : vector<128x128xf32>, vector<128x128xf32>, vector<128x128xf32> -> vector<128x128xf32>
    %get3A_58 = arith.constant 0 : index
    %get3A_59 = arith.constant 0 : index
    %get3A_60 = vector.load %arg10[%get3A_58, %get3A_59] : memref<128x128xf32, #tpu.memory_space<vmem>>, vector<128x128xf32>
    %dot_general3A_61 = arith.constant dense<0.000000e+00> : vector<128x128xf32>
    %dot_general3A_62 = tpu.matmul %reduce_sum3A_49, %get3A_60, %dot_general3A_61 {dimension_numbers = #tpu.dot_dimension_numbers<[1], [0], [0], [1], [0, 0, 1, 1], [], []>, transpose_lhs_hint = false} : vector<128x128xf32>, vector<128x128xf32>, vector<128x128xf32> -> vector<128x128xf32>
    %add3A_63 = arith.addf %dot_general3A_57, %dot_general3A_62 : vector<128x128xf32>
    %get3A_64 = arith.constant 0 : index
    %get3A_65 = arith.constant 0 : index
    %get3A_66 = vector.load %arg11[%get3A_64, %get3A_65] : memref<1x128xf32, #tpu.memory_space<vmem>>, vector<1x128xf32>
    %add3A_67 = vector.broadcast %get3A_66 : vector<1x128xf32> to vector<128x128xf32>
    %add3A_68 = arith.addf %add3A_63, %add3A_67 : vector<128x128xf32>
    %max3A_69 = arith.constant 0.000000e+00 : f32
    %max3A_70 = vector.broadcast %max3A_69 : f32 to vector<128x128xf32>
    %max3A_71 = arith.maximumf %add3A_68, %max3A_70 : vector<128x128xf32>
    %get3A_72 = arith.constant 0 : index
    %get3A_73 = arith.constant 0 : index
    %get3A_74 = vector.load %arg12[%get3A_72, %get3A_73] : memref<128x128xf32, #tpu.memory_space<vmem>>, vector<128x128xf32>
    %dot_general3A_75 = arith.constant dense<0.000000e+00> : vector<128x128xf32>
    %dot_general3A_76 = tpu.matmul %max3A_71, %get3A_74, %dot_general3A_75 {dimension_numbers = #tpu.dot_dimension_numbers<[1], [0], [0], [1], [0, 0, 1, 1], [], []>, transpose_lhs_hint = false} : vector<128x128xf32>, vector<128x128xf32>, vector<128x128xf32> -> vector<128x128xf32>
    %get3A_77 = arith.constant 0 : index
    %get3A_78 = arith.constant 0 : index
    %get3A_79 = vector.load %arg13[%get3A_77, %get3A_78] : memref<1x128xf32, #tpu.memory_space<vmem>>, vector<1x128xf32>
    %add3A_80 = vector.broadcast %get3A_79 : vector<1x128xf32> to vector<128x128xf32>
    %add3A_81 = arith.addf %dot_general3A_76, %add3A_80 : vector<128x128xf32>
    %add3A_82 = arith.addf %get3A_52, %add3A_81 : vector<128x128xf32>
    %reduce_sum3A_83 = arith.constant dense<0.000000e+00> : vector<128xf32>
    %reduce_sum3A_84 = vector.multi_reduction <add>, %add3A_82, %reduce_sum3A_83 [1] : vector<128x128xf32> to vector<128xf32>
    %broadcast_in_dim3A_85 = vector.shape_cast %reduce_sum3A_84 : vector<128xf32> to vector<128x1xf32>
    %div3A = arith.constant 1.280000e+02 : f32
    %div3A_86 = vector.broadcast %div3A : f32 to vector<128x1xf32>
    %div3A_87 = arith.divf %broadcast_in_dim3A_85, %div3A_86 : vector<128x1xf32>
    %sub3A_88 = vector.broadcast %div3A_87 : vector<128x1xf32> to vector<128x128xf32>
    %sub3A_89 = arith.subf %add3A_82, %sub3A_88 : vector<128x128xf32>
    %integer_pow3A_90 = arith.mulf %sub3A_89, %sub3A_89 : vector<128x128xf32>
    %reduce_sum3A_91 = arith.constant dense<0.000000e+00> : vector<128xf32>
    %reduce_sum3A_92 = vector.multi_reduction <add>, %integer_pow3A_90, %reduce_sum3A_91 [1] : vector<128x128xf32> to vector<128xf32>
    %broadcast_in_dim3A_93 = vector.shape_cast %reduce_sum3A_92 : vector<128xf32> to vector<128x1xf32>
    %div3A_94 = arith.constant 1.280000e+02 : f32
    %div3A_95 = vector.broadcast %div3A_94 : f32 to vector<128x1xf32>
    %div3A_96 = arith.divf %broadcast_in_dim3A_93, %div3A_95 : vector<128x1xf32>
    %sub3A_97 = vector.broadcast %div3A_87 : vector<128x1xf32> to vector<128x128xf32>
    %sub3A_98 = arith.subf %add3A_82, %sub3A_97 : vector<128x128xf32>
    %add3A_99 = arith.constant 9.99999974E-6 : f32
    %add3A_100 = vector.broadcast %add3A_99 : f32 to vector<128x1xf32>
    %add3A_101 = arith.addf %div3A_96, %add3A_100 : vector<128x1xf32>
    %rsqrt3A = math.rsqrt %add3A_101 : vector<128x1xf32>
    %mul3A_102 = vector.broadcast %rsqrt3A : vector<128x1xf32> to vector<128x128xf32>
    %mul3A_103 = arith.mulf %sub3A_98, %mul3A_102 : vector<128x128xf32>
    %get3A_104 = arith.constant 0 : index
    %get3A_105 = arith.constant 0 : index
    %get3A_106 = vector.load %arg14[%get3A_104, %get3A_105] : memref<1x128xf32, #tpu.memory_space<vmem>>, vector<1x128xf32>
    %mul3A_107 = vector.broadcast %get3A_106 : vector<1x128xf32> to vector<128x128xf32>
    %mul3A_108 = arith.mulf %mul3A_103, %mul3A_107 : vector<128x128xf32>
    %get3A_109 = arith.constant 0 : index
    %get3A_110 = arith.constant 0 : index
    %get3A_111 = vector.load %arg15[%get3A_109, %get3A_110] : memref<1x128xf32, #tpu.memory_space<vmem>>, vector<1x128xf32>
    %add3A_112 = vector.broadcast %get3A_111 : vector<1x128xf32> to vector<128x128xf32>
    %add3A_113 = arith.addf %mul3A_108, %add3A_112 : vector<128x128xf32>
    %swap3A = arith.constant 0 : index
    %swap3A_114 = arith.constant 0 : index
    %swap3A_115 = vector.load %arg16[%swap3A, %swap3A_114] : memref<128x128xf32, #tpu.memory_space<vmem>>, vector<128x128xf32>
    tpu.vector_store %arg16[%swap3A, %swap3A_114], %add3A_113 {strides = array<i32>} : memref<128x128xf32, #tpu.memory_space<vmem>>, vector<128x128xf32>,
    return
  }
  func.func @transform_0(%arg0: i32) -> (i32, i32) {
    %c0_i32 = arith.constant 0 : i32
    %c0_i32_0 = arith.constant 0 : i32
    return %arg0, %c0_i32 : i32, i32
  }
  func.func @transform_1(%arg0: i32) -> (i32, i32) {
    %c0_i32 = arith.constant 0 : i32
    %c0_i32_0 = arith.constant 0 : i32
    return %arg0, %c0_i32 : i32, i32
  }
  func.func @transform_2(%arg0: i32) -> (i32, i32) {
    %c0_i32 = arith.constant 0 : i32
    %c0_i32_0 = arith.constant 0 : i32
    return %arg0, %c0_i32 : i32, i32
  }
  func.func @transform_3(%arg0: i32) -> (i32, i32) {
    %c0_i32 = arith.constant 0 : i32
    %c0_i32_0 = arith.constant 0 : i32
    return %arg0, %c0_i32 : i32, i32
  }
  func.func @transform_4(%arg0: i32) -> (i32, i32) {
    %c0_i32 = arith.constant 0 : i32
    %c0_i32_0 = arith.constant 0 : i32
    %c0_i32_1 = arith.constant 0 : i32
    return %c0_i32, %c0_i32_0 : i32, i32
  }
  func.func @transform_5(%arg0: i32) -> (i32, i32) {
    %c0_i32 = arith.constant 0 : i32
    %c0_i32_0 = arith.constant 0 : i32
    %c0_i32_1 = arith.constant 0 : i32
    return %c0_i32, %c0_i32_0 : i32, i32
  }
  func.func @transform_6(%arg0: i32) -> (i32, i32) {
    %c0_i32 = arith.constant 0 : i32
    %c0_i32_0 = arith.constant 0 : i32
    %c0_i32_1 = arith.constant 0 : i32
    return %c0_i32, %c0_i32_0 : i32, i32
  }
  func.func @transform_7(%arg0: i32) -> (i32, i32) {
    %c0_i32 = arith.constant 0 : i32
    %c0_i32_0 = arith.constant 0 : i32
    %c0_i32_1 = arith.constant 0 : i32
    return %c0_i32, %c0_i32_0 : i32, i32
  }
  func.func @transform_8(%arg0: i32) -> (i32, i32) {
    %c0_i32 = arith.constant 0 : i32
    %c0_i32_0 = arith.constant 0 : i32
    %c0_i32_1 = arith.constant 0 : i32
    return %c0_i32, %c0_i32_0 : i32, i32
  }
  func.func @transform_9(%arg0: i32) -> (i32, i32) {
    %c0_i32 = arith.constant 0 : i32
    %c0_i32_0 = arith.constant 0 : i32
    %c0_i32_1 = arith.constant 0 : i32
    return %c0_i32, %c0_i32_0 : i32, i32
  }
  func.func @transform_10(%arg0: i32) -> (i32, i32) {
    %c0_i32 = arith.constant 0 : i32
    %c0_i32_0 = arith.constant 0 : i32
    %c0_i32_1 = arith.constant 0 : i32
    return %c0_i32, %c0_i32_0 : i32, i32
  }
  func.func @transform_11(%arg0: i32) -> (i32, i32) {
    %c0_i32 = arith.constant 0 : i32
    %c0_i32_0 = arith.constant 0 : i32
    %c0_i32_1 = arith.constant 0 : i32
    return %c0_i32, %c0_i32_0 : i32, i32
  }
  func.func @transform_12(%arg0: i32) -> (i32, i32) {
    %c0_i32 = arith.constant 0 : i32
    %c0_i32_0 = arith.constant 0 : i32
    %c0_i32_1 = arith.constant 0 : i32
    return %c0_i32, %c0_i32_0 : i32, i32
  }
  func.func @transform_13(%arg0: i32) -> (i32, i32) {
    %c0_i32 = arith.constant 0 : i32
    %c0_i32_0 = arith.constant 0 : i32
    %c0_i32_1 = arith.constant 0 : i32
    return %c0_i32, %c0_i32_0 : i32, i32
  }
  func.func @transform_14(%arg0: i32) -> (i32, i32) {
    %c0_i32 = arith.constant 0 : i32
    %c0_i32_0 = arith.constant 0 : i32
    %c0_i32_1 = arith.constant 0 : i32
    return %c0_i32, %c0_i32_0 : i32, i32
  }
  func.func @transform_15(%arg0: i32) -> (i32, i32) {
    %c0_i32 = arith.constant 0 : i32
    %c0_i32_0 = arith.constant 0 : i32
    return %arg0, %c0_i32 : i32, i32
  }
}

module attributes {stable_mosaic.version = 14 : i64} {
  func.func @_final_kernel(%arg0: i32, %arg1: memref<128x128xf32, #tpu.memory_space<vmem>>, %arg2: memref<128x16xf32, #tpu.memory_space<vmem>>, %arg3: memref<1x128xi32, #tpu.memory_space<vmem>>, %arg4: memref<128x128xf32, #tpu.memory_space<vmem>>, %arg5: memref<16x128xf32, #tpu.memory_space<vmem>>, %arg6: memref<1x128xf32, #tpu.memory_space<vmem>>, %arg7: memref<128x128xf32, #tpu.memory_space<vmem>>, %arg8: memref<1x128xf32, #tpu.memory_space<vmem>>, %arg9: memref<128x128xf32, #tpu.memory_space<vmem>>, %arg10: memref<4x128xf32, #tpu.memory_space<vmem>>, %arg11: memref<1x128xf32, #tpu.memory_space<vmem>>, %arg12: memref<128x2xf32, #tpu.memory_space<vmem>>, %arg13: memref<1x2xf32, #tpu.memory_space<vmem>>, %arg14: memref<32x4xf32, #tpu.memory_space<vmem>>, %arg15: memref<32x1xi32, #tpu.memory_space<vmem>>, %arg16: memref<32x1xf32, #tpu.memory_space<vmem>>, %arg17: memref<32x128xf32, #tpu.memory_space<vmem>>) attributes {dimension_semantics = [#tpu.dimension_semantics<arbitrary>], iteration_bounds = array<i64: 52>, scalar_prefetch = 0 : i64, scratch_operands = 1 : i64, tpu.core_type = #tpu.core_type<tc>, window_params = [{transform_indices = @transform_0, window_bounds = array<i64: 128, 128>}, {transform_indices = @transform_1, window_bounds = array<i64: 128, 16>}, {transform_indices = @transform_2, window_bounds = array<i64: 1, 128>}, {pipeline_mode = #tpu.pipeline_mode<synchronous>, transform_indices = @transform_3, window_bounds = array<i64: 128, 128>}, {pipeline_mode = #tpu.pipeline_mode<synchronous>, transform_indices = @transform_4, window_bounds = array<i64: 16, 128>}, {pipeline_mode = #tpu.pipeline_mode<synchronous>, transform_indices = @transform_5, window_bounds = array<i64: 1, 128>}, {pipeline_mode = #tpu.pipeline_mode<synchronous>, transform_indices = @transform_6, window_bounds = array<i64: 128, 128>}, {pipeline_mode = #tpu.pipeline_mode<synchronous>, transform_indices = @transform_7, window_bounds = array<i64: 1, 128>}, {pipeline_mode = #tpu.pipeline_mode<synchronous>, transform_indices = @transform_8, window_bounds = array<i64: 128, 128>}, {pipeline_mode = #tpu.pipeline_mode<synchronous>, transform_indices = @transform_9, window_bounds = array<i64: 4, 128>}, {pipeline_mode = #tpu.pipeline_mode<synchronous>, transform_indices = @transform_10, window_bounds = array<i64: 1, 128>}, {pipeline_mode = #tpu.pipeline_mode<synchronous>, transform_indices = @transform_11, window_bounds = array<i64: 128, 2>}, {pipeline_mode = #tpu.pipeline_mode<synchronous>, transform_indices = @transform_12, window_bounds = array<i64: 1, 2>}, {pipeline_mode = #tpu.pipeline_mode<synchronous>, transform_indices = @transform_13, window_bounds = array<i64: 32, 4>}, {pipeline_mode = #tpu.pipeline_mode<synchronous>, transform_indices = @transform_14, window_bounds = array<i64: 32, 1>}, {pipeline_mode = #tpu.pipeline_mode<synchronous>, transform_indices = @transform_15, window_bounds = array<i64: 32, 1>}]} {
    %get3A = arith.constant 0 : index
    %get3A_0 = arith.constant 0 : index
    %get3A_1 = vector.load %arg1[%get3A, %get3A_0] : memref<128x128xf32, #tpu.memory_space<vmem>>, vector<128x128xf32>
    %get3A_2 = arith.constant 0 : index
    %get3A_3 = arith.constant 0 : index
    %get3A_4 = vector.load %arg4[%get3A_2, %get3A_3] : memref<128x128xf32, #tpu.memory_space<vmem>>, vector<128x128xf32>
    %dot_general3A = arith.constant dense<0.000000e+00> : vector<128x128xf32>
    %dot_general3A_5 = tpu.matmul %get3A_1, %get3A_4, %dot_general3A {dimension_numbers = #tpu.dot_dimension_numbers<[1], [0], [0], [1], [0, 0, 1, 1], [], []>, transpose_lhs_hint = false} : vector<128x128xf32>, vector<128x128xf32>, vector<128x128xf32> -> vector<128x128xf32>
    %get3A_6 = arith.constant 0 : index
    %get3A_7 = arith.constant 0 : index
    %get3A_8 = vector.load %arg2[%get3A_6, %get3A_7] : memref<128x16xf32, #tpu.memory_space<vmem>>, vector<128x16xf32>
    %get3A_9 = arith.constant 0 : index
    %get3A_10 = arith.constant 0 : index
    %get3A_11 = vector.load %arg5[%get3A_9, %get3A_10] : memref<16x128xf32, #tpu.memory_space<vmem>>, vector<16x128xf32>
    %dot_general3A_12 = arith.constant dense<0.000000e+00> : vector<128x128xf32>
    %dot_general3A_13 = tpu.matmul %get3A_8, %get3A_11, %dot_general3A_12 {dimension_numbers = #tpu.dot_dimension_numbers<[1], [0], [0], [1], [0, 0, 1, 1], [], []>, transpose_lhs_hint = false} : vector<128x16xf32>, vector<16x128xf32>, vector<128x128xf32> -> vector<128x128xf32>
    %add3A = arith.addf %dot_general3A_5, %dot_general3A_13 : vector<128x128xf32>
    %get3A_14 = arith.constant 0 : index
    %get3A_15 = arith.constant 0 : index
    %get3A_16 = vector.load %arg6[%get3A_14, %get3A_15] : memref<1x128xf32, #tpu.memory_space<vmem>>, vector<1x128xf32>
    %add3A_17 = vector.broadcast %get3A_16 : vector<1x128xf32> to vector<128x128xf32>
    %add3A_18 = arith.addf %add3A, %add3A_17 : vector<128x128xf32>
    %max3A = arith.constant 0.000000e+00 : f32
    %max3A_19 = vector.broadcast %max3A : f32 to vector<128x128xf32>
    %max3A_20 = arith.maximumf %add3A_18, %max3A_19 : vector<128x128xf32>
    %get3A_21 = arith.constant 0 : index
    %get3A_22 = arith.constant 0 : index
    %get3A_23 = vector.load %arg7[%get3A_21, %get3A_22] : memref<128x128xf32, #tpu.memory_space<vmem>>, vector<128x128xf32>
    %dot_general3A_24 = arith.constant dense<0.000000e+00> : vector<128x128xf32>
    %dot_general3A_25 = tpu.matmul %max3A_20, %get3A_23, %dot_general3A_24 {dimension_numbers = #tpu.dot_dimension_numbers<[1], [0], [0], [1], [0, 0, 1, 1], [], []>, transpose_lhs_hint = false} : vector<128x128xf32>, vector<128x128xf32>, vector<128x128xf32> -> vector<128x128xf32>
    %get3A_26 = arith.constant 0 : index
    %get3A_27 = arith.constant 0 : index
    %get3A_28 = vector.load %arg8[%get3A_26, %get3A_27] : memref<1x128xf32, #tpu.memory_space<vmem>>, vector<1x128xf32>
    %add3A_29 = vector.broadcast %get3A_28 : vector<1x128xf32> to vector<128x128xf32>
    %add3A_30 = arith.addf %dot_general3A_25, %add3A_29 : vector<128x128xf32>
    %iota3A = tpu.iota {dimensions = array<i32: 0>} : vector<32x128xi32>
    %get3A_31 = arith.constant 0 : index
    %get3A_32 = arith.constant 0 : index
    %get3A_33 = vector.load %arg3[%get3A_31, %get3A_32] : memref<1x128xi32, #tpu.memory_space<vmem>>, vector<1x128xi32>
    %eq3A = vector.broadcast %get3A_33 : vector<1x128xi32> to vector<32x128xi32>
    %eq3A_34 = arith.cmpi eq, %eq3A, %iota3A : vector<32x128xi32>
    %convert_element_type3A = arith.extui %eq3A_34 : vector<32x128xi1> to vector<32x128xi32>
    %convert_element_type3A_35 = arith.sitofp %convert_element_type3A : vector<32x128xi32> to vector<32x128xf32>
    %dot_general3A_36 = arith.constant dense<0.000000e+00> : vector<32x128xf32>
    %dot_general3A_37 = tpu.matmul %convert_element_type3A_35, %add3A_30, %dot_general3A_36 {dimension_numbers = #tpu.dot_dimension_numbers<[1], [0], [0], [1], [0, 0, 1, 1], [], []>, transpose_lhs_hint = false} : vector<32x128xf32>, vector<128x128xf32>, vector<32x128xf32> -> vector<32x128xf32>
    %eq3A_38 = arith.constant 0 : i32
    %eq3A_39 = arith.cmpi eq, %arg0, %eq3A_38 : i32
    %convert_element_type3A_40 = arith.extui %eq3A_39 : i1 to i32
    %cond3A = arith.constant 0 : i32
    %cond3A_41 = arith.cmpi ne, %convert_element_type3A_40, %cond3A : i32
    scf.if %cond3A_41 {
      %broadcast_in_dim3A = arith.constant 0.000000e+00 : f32
      %broadcast_in_dim3A_53 = vector.broadcast %broadcast_in_dim3A : f32 to vector<32x128xf32>
      %swap3A_54 = arith.constant 0 : index
      %swap3A_55 = arith.constant 0 : index
      %swap3A_56 = vector.load %arg17[%swap3A_54, %swap3A_55] : memref<32x128xf32, #tpu.memory_space<vmem>>, vector<32x128xf32>
      tpu.vector_store %arg17[%swap3A_54, %swap3A_55], %broadcast_in_dim3A_53 {strides = array<i32>} : memref<32x128xf32, #tpu.memory_space<vmem>>, vector<32x128xf32>,
    } else {
    }
    %get3A_42 = arith.constant 0 : index
    %get3A_43 = arith.constant 0 : index
    %get3A_44 = vector.load %arg17[%get3A_42, %get3A_43] : memref<32x128xf32, #tpu.memory_space<vmem>>, vector<32x128xf32>
    %add3A_45 = arith.addf %get3A_44, %dot_general3A_37 : vector<32x128xf32>
    %swap3A = arith.constant 0 : index
    %swap3A_46 = arith.constant 0 : index
    %swap3A_47 = vector.load %arg17[%swap3A, %swap3A_46] : memref<32x128xf32, #tpu.memory_space<vmem>>, vector<32x128xf32>
    tpu.vector_store %arg17[%swap3A, %swap3A_46], %add3A_45 {strides = array<i32>} : memref<32x128xf32, #tpu.memory_space<vmem>>, vector<32x128xf32>,
    %eq3A_48 = arith.constant 51 : i32
    %eq3A_49 = arith.cmpi eq, %arg0, %eq3A_48 : i32
    %convert_element_type3A_50 = arith.extui %eq3A_49 : i1 to i32
    %cond3A_51 = arith.constant 0 : i32
    %cond3A_52 = arith.cmpi ne, %convert_element_type3A_50, %cond3A_51 : i32
    scf.if %cond3A_52 {
      %get3A_53 = arith.constant 0 : index
      %get3A_54 = arith.constant 0 : index
      %get3A_55 = vector.load %arg17[%get3A_53, %get3A_54] : memref<32x128xf32, #tpu.memory_space<vmem>>, vector<32x128xf32>
      %get3A_56 = arith.constant 0 : index
      %get3A_57 = arith.constant 0 : index
      %get3A_58 = vector.load %arg9[%get3A_56, %get3A_57] : memref<128x128xf32, #tpu.memory_space<vmem>>, vector<128x128xf32>
      %dot_general3A_59 = arith.constant dense<0.000000e+00> : vector<32x128xf32>
      %dot_general3A_60 = tpu.matmul %get3A_55, %get3A_58, %dot_general3A_59 {dimension_numbers = #tpu.dot_dimension_numbers<[1], [0], [0], [1], [0, 0, 1, 1], [], []>, transpose_lhs_hint = false} : vector<32x128xf32>, vector<128x128xf32>, vector<32x128xf32> -> vector<32x128xf32>
      %get3A_61 = arith.constant 0 : index
      %get3A_62 = arith.constant 0 : index
      %get3A_63 = vector.load %arg14[%get3A_61, %get3A_62] : memref<32x4xf32, #tpu.memory_space<vmem>>, vector<32x4xf32>
      %get3A_64 = arith.constant 0 : index
      %get3A_65 = arith.constant 0 : index
      %get3A_66 = vector.load %arg10[%get3A_64, %get3A_65] : memref<4x128xf32, #tpu.memory_space<vmem>>, vector<4x128xf32>
      %dot_general3A_67 = arith.constant dense<0.000000e+00> : vector<32x128xf32>
      %dot_general3A_68 = tpu.matmul %get3A_63, %get3A_66, %dot_general3A_67 {dimension_numbers = #tpu.dot_dimension_numbers<[1], [0], [0], [1], [0, 0, 1, 1], [], []>, transpose_lhs_hint = false} : vector<32x4xf32>, vector<4x128xf32>, vector<32x128xf32> -> vector<32x128xf32>
      %add3A_69 = arith.addf %dot_general3A_60, %dot_general3A_68 : vector<32x128xf32>
      %get3A_70 = arith.constant 0 : index
      %get3A_71 = arith.constant 0 : index
      %get3A_72 = vector.load %arg11[%get3A_70, %get3A_71] : memref<1x128xf32, #tpu.memory_space<vmem>>, vector<1x128xf32>
      %add3A_73 = vector.broadcast %get3A_72 : vector<1x128xf32> to vector<32x128xf32>
      %add3A_74 = arith.addf %add3A_69, %add3A_73 : vector<32x128xf32>
      %max3A_75 = arith.constant 0.000000e+00 : f32
      %max3A_76 = vector.broadcast %max3A_75 : f32 to vector<32x128xf32>
      %max3A_77 = arith.maximumf %add3A_74, %max3A_76 : vector<32x128xf32>
      %abs3A = math.absf %add3A_74 : vector<32x128xf32>
      %neg3A = arith.constant 0.000000e+00 : f32
      %neg3A_78 = vector.broadcast %neg3A : f32 to vector<32x128xf32>
      %neg3A_79 = arith.subf %neg3A_78, %abs3A : vector<32x128xf32>
      %exp3A = math.exp %neg3A_79 : vector<32x128xf32>
      %log1p3A = math.log1p %exp3A : vector<32x128xf32>
      %add3A_80 = arith.addf %max3A_77, %log1p3A : vector<32x128xf32>
      %log3A = arith.constant 2.000000e+00 : f32
      %log3A_81 = math.log %log3A : f32
      %sub3A = vector.broadcast %log3A_81 : f32 to vector<32x128xf32>
      %sub3A_82 = arith.subf %add3A_80, %sub3A : vector<32x128xf32>
      %get3A_83 = arith.constant 0 : index
      %get3A_84 = arith.constant 0 : index
      %get3A_85 = vector.load %arg12[%get3A_83, %get3A_84] : memref<128x2xf32, #tpu.memory_space<vmem>>, vector<128x2xf32>
      %dot_general3A_86 = arith.constant dense<0.000000e+00> : vector<32x2xf32>
      %dot_general3A_87 = tpu.matmul %sub3A_82, %get3A_85, %dot_general3A_86 {dimension_numbers = #tpu.dot_dimension_numbers<[1], [0], [0], [1], [0, 0, 1, 1], [], []>, transpose_lhs_hint = false} : vector<32x128xf32>, vector<128x2xf32>, vector<32x2xf32> -> vector<32x2xf32>
      %get3A_88 = arith.constant 0 : index
      %get3A_89 = arith.constant 0 : index
      %get3A_90 = vector.load %arg13[%get3A_88, %get3A_89] : memref<1x2xf32, #tpu.memory_space<vmem>>, vector<1x2xf32>
      %add3A_91 = vector.broadcast %get3A_90 : vector<1x2xf32> to vector<32x2xf32>
      %add3A_92 = arith.addf %dot_general3A_87, %add3A_91 : vector<32x2xf32>
      %get3A_93 = arith.constant 0 : index
      %get3A_94 = arith.constant 0 : index
      %get3A_95 = vector.load %arg15[%get3A_93, %get3A_94] : memref<32x1xi32, #tpu.memory_space<vmem>>, vector<32x1xi32>
      %sub3A_96 = arith.constant 1 : i32
      %sub3A_97 = vector.broadcast %sub3A_96 : i32 to vector<32x1xi32>
      %sub3A_98 = arith.subi %get3A_95, %sub3A_97 : vector<32x1xi32>
      %iota3A_99 = tpu.iota {dimensions = array<i32: 1>} : vector<32x2xi32>
      %eq3A_100 = vector.broadcast %sub3A_98 : vector<32x1xi32> to vector<32x2xi32>
      %eq3A_101 = arith.cmpi eq, %eq3A_100, %iota3A_99 : vector<32x2xi32>
      %convert_element_type3A_102 = arith.extui %eq3A_101 : vector<32x2xi1> to vector<32x2xi32>
      %convert_element_type3A_103 = arith.sitofp %convert_element_type3A_102 : vector<32x2xi32> to vector<32x2xf32>
      %mul3A = arith.mulf %add3A_92, %convert_element_type3A_103 : vector<32x2xf32>
      %reduce_sum3A = arith.constant dense<0.000000e+00> : vector<32xf32>
      %reduce_sum3A_104 = vector.multi_reduction <add>, %mul3A, %reduce_sum3A [1] : vector<32x2xf32> to vector<32xf32>
      %broadcast_in_dim3A = vector.shape_cast %reduce_sum3A_104 : vector<32xf32> to vector<32x1xf32>
      %swap3A_105 = arith.constant 0 : index
      %swap3A_106 = arith.constant 0 : index
      %swap3A_107 = vector.load %arg16[%swap3A_105, %swap3A_106] : memref<32x1xf32, #tpu.memory_space<vmem>>, vector<32x1xf32>
      tpu.vector_store %arg16[%swap3A_105, %swap3A_106], %broadcast_in_dim3A {strides = array<i32>} : memref<32x1xf32, #tpu.memory_space<vmem>>, vector<32x1xf32>,
    } else {
    }
    return
  }
  func.func @transform_0(%arg0: i32) -> (i32, i32) {
    %c0_i32 = arith.constant 0 : i32
    %c0_i32_0 = arith.constant 0 : i32
    return %arg0, %c0_i32 : i32, i32
  }
  func.func @transform_1(%arg0: i32) -> (i32, i32) {
    %c0_i32 = arith.constant 0 : i32
    %c0_i32_0 = arith.constant 0 : i32
    return %arg0, %c0_i32 : i32, i32
  }
  func.func @transform_2(%arg0: i32) -> (i32, i32) {
    %c0_i32 = arith.constant 0 : i32
    %c0_i32_0 = arith.constant 0 : i32
    return %c0_i32, %arg0 : i32, i32
  }
  func.func @transform_3(%arg0: i32) -> (i32, i32) {
    %c0_i32 = arith.constant 0 : i32
    %c0_i32_0 = arith.constant 0 : i32
    %c0_i32_1 = arith.constant 0 : i32
    return %c0_i32, %c0_i32_0 : i32, i32
  }
  func.func @transform_4(%arg0: i32) -> (i32, i32) {
    %c0_i32 = arith.constant 0 : i32
    %c0_i32_0 = arith.constant 0 : i32
    %c0_i32_1 = arith.constant 0 : i32
    return %c0_i32, %c0_i32_0 : i32, i32
  }
  func.func @transform_5(%arg0: i32) -> (i32, i32) {
    %c0_i32 = arith.constant 0 : i32
    %c0_i32_0 = arith.constant 0 : i32
    %c0_i32_1 = arith.constant 0 : i32
    return %c0_i32, %c0_i32_0 : i32, i32
  }
  func.func @transform_6(%arg0: i32) -> (i32, i32) {
    %c0_i32 = arith.constant 0 : i32
    %c0_i32_0 = arith.constant 0 : i32
    %c0_i32_1 = arith.constant 0 : i32
    return %c0_i32, %c0_i32_0 : i32, i32
  }
  func.func @transform_7(%arg0: i32) -> (i32, i32) {
    %c0_i32 = arith.constant 0 : i32
    %c0_i32_0 = arith.constant 0 : i32
    %c0_i32_1 = arith.constant 0 : i32
    return %c0_i32, %c0_i32_0 : i32, i32
  }
  func.func @transform_8(%arg0: i32) -> (i32, i32) {
    %c0_i32 = arith.constant 0 : i32
    %c0_i32_0 = arith.constant 0 : i32
    %c0_i32_1 = arith.constant 0 : i32
    return %c0_i32, %c0_i32_0 : i32, i32
  }
  func.func @transform_9(%arg0: i32) -> (i32, i32) {
    %c0_i32 = arith.constant 0 : i32
    %c0_i32_0 = arith.constant 0 : i32
    %c0_i32_1 = arith.constant 0 : i32
    return %c0_i32, %c0_i32_0 : i32, i32
  }
  func.func @transform_10(%arg0: i32) -> (i32, i32) {
    %c0_i32 = arith.constant 0 : i32
    %c0_i32_0 = arith.constant 0 : i32
    %c0_i32_1 = arith.constant 0 : i32
    return %c0_i32, %c0_i32_0 : i32, i32
  }
  func.func @transform_11(%arg0: i32) -> (i32, i32) {
    %c0_i32 = arith.constant 0 : i32
    %c0_i32_0 = arith.constant 0 : i32
    %c0_i32_1 = arith.constant 0 : i32
    return %c0_i32, %c0_i32_0 : i32, i32
  }
  func.func @transform_12(%arg0: i32) -> (i32, i32) {
    %c0_i32 = arith.constant 0 : i32
    %c0_i32_0 = arith.constant 0 : i32
    %c0_i32_1 = arith.constant 0 : i32
    return %c0_i32, %c0_i32_0 : i32, i32
  }
  func.func @transform_13(%arg0: i32) -> (i32, i32) {
    %c0_i32 = arith.constant 0 : i32
    %c0_i32_0 = arith.constant 0 : i32
    %c0_i32_1 = arith.constant 0 : i32
    return %c0_i32, %c0_i32_0 : i32, i32
  }
  func.func @transform_14(%arg0: i32) -> (i32, i32) {
    %c0_i32 = arith.constant 0 : i32
    %c0_i32_0 = arith.constant 0 : i32
    %c0_i32_1 = arith.constant 0 : i32
    return %c0_i32, %c0_i32_0 : i32, i32
  }
  func.func @transform_15(%arg0: i32) -> (i32, i32) {
    %c0_i32 = arith.constant 0 : i32
    %c0_i32_0 = arith.constant 0 : i32
    %c0_i32_1 = arith.constant 0 : i32
    return %c0_i32, %c0_i32_0 : i32, i32
  }
}

</mosaic_0001>

<sc_bundles>
// kernel: gather_offload_async_start
scs
__scs_entry_jumppad:
0x0: {  	(pc) =	sbr.rel $0x88, $3  }
0x1: {  	(tag) =	ssettag $0x0;
	lr =	simm.s32 $0x1  }
0x2: {  	[smem:$0x3F6D] =	sst lr;
	_ =	strace $0xD0000000  }
0x3: {  	_ = 	snop  }
0x4: {  	_ = 	snop  }
0x5: {  	_ = 	snop  }
0x6: {  	_ = 	snop  }
0x7: {  	_ = 	snop  }
__scs_overlays_trampoline_lowered:
0x8: {  	[smem:$0x3F7C] =	sst s0  }
0x9: {  	[smem:$0x3F7D] =	sst s1  }
0xa: {  	[smem:$0x3F7E] =	sst s2  }
0xb: {  	[smem:$0x3F7F] =	sst s3  }
0xc: {  	[smem:$0x3F80] =	sst s4  }
0xd: {  	[smem:$0x3F81] =	sst s5  }
0xe: {  	[smem:$0x3F82] =	sst s6  }
0xf: {  	[smem:$0x3F83] =	sst s7  }
0x10: {  	[smem:$0x3F84] =	sst s8  }
0x11: {  	[smem:$0x3F85] =	sst s9;
	s0 =	simm.s32 @!p0 $0x0  }
0x12: {  	s1 =	sld [smem:$0x3F6B];
	s0 =	simm.s32 @p0 $0x1  }
0x13: {  	[smem:$0x3F86] =	sst s0;
	s0 =	simm.s32 @!p1 $0x0  }
0x14: {  	s2 =	sld [smem:$0x3F6A];
	s0 =	simm.s32 @p1 $0x1  }
0x15: {  	[smem:$0x3F87] =	sst s0;
	s0 =	simm.s32 @!p2 $0x0  }
0x16: {  	s3 =	sld [smem:$0x3FDB];
	s0 =	simm.s32 @p2 $0x1  }
0x17: {  	s4 =	simm.s32 $0x1BF5;
	[smem:$0x3F89] =	sst s0  }
0x18: {  	s0 =	sld [smem:$0x3F6C];
	_ =	swait.ge [sflag:s4], $0x0  }
0x19: {  	s7 =	sld [smem:$0x3F6D]  }
0x1a: {  	s8 =	sadd.s32 $0xFFFFE003, lr  }
0x1b: {  	s9 =	sadd.s32 $0xFFFFFEF7, lr;
	s5 =	simm.s32 $0xFFFFFFFF;
	p2 =	slt.u32 s8, $0xFFFFF086  }
0x1c: {  	p1 =	slt.u32 s9, $0xF7A;
	s5 =	simm.s32 @!p2 $0x0  }
0x1d: {  	s5 =	simm.s32 @p1 $0x1;
	p0 =	seq.s32 s7, s2  }
0x1e: {  	s7 =	smul.u32 @!p0 $0xF7A, s2;
	p2 =	seq.s32 @!p0 s5, $0x0  }
0x1f: {  	s9 =	smul.u32 $0xF7A, s1;
	s8 =	simm.s32 @!p0 $0x1BF5;
	p2 =	por !p2, p0  }
0x20: {  	[sflag:s8] =	ssyncset.s32 @!p0 $0xFFFFF086;
	s6 =	sadd.s32 @!p0 s3, s7;
	s7 =	simm.s32 @!p0 $0x108  }
0x21: {  	s3 =	sadd.s32 s3, s9;
	s6 =	sadd.s32 @!p0 $0x88, s6;
	s7 =	simm.s32 @p2 $0x1082  }
0x22: {  	[simem:s7], [sflag:s8] =	dma.local @!p0 [hbm:s6], $0xF7A  }
0x23: {  	s9 =	sor.u32 $0xD0000000, s2;
	s6 =	simm.s32 $0x108;
	_ =	swait.ge @!p0 [sflag:s8], $0x0  }
0x24: {  	s3 =	sadd.s32 $0x88, s3;
	s6 =	simm.s32 @!p1 $0x1082;
	[sflag:s4] =	ssyncset.s32 $0xFFFFF086  }
0x25: {  	[simem:s6], [sflag:s4] =	dma.local [hbm:s3], $0xF7A  }
0x26: {  	[smem:$0x3F6D] =	sst s1;
	(tag) =	ssettag s2;
	_ =	strace s9  }
0x27: {  	s1 =	sld [smem:$0x3F7D]  }
0x28: {  	s2 =	sld [smem:$0x3F7E]  }
0x29: {  	s4 =	sld [smem:$0x3F80]  }
0x2a: {  	p0 =	seq.s32 s5, $0x0;
	s5 =	sld [smem:$0x3F81]  }
0x2b: {  	s6 =	sld [smem:$0x3F82]  }
0x2c: {  	s7 =	sld [smem:$0x3F83]  }
0x2d: {  	s3 =	simm.s32 $0x108;
	s8 =	sld [smem:$0x3F84]  }
0x2e: {  	s3 =	simm.s32 @!p0 $0x1082;
	s9 =	sld [smem:$0x3F85]  }
0x2f: {  	lr =	sadd.s32 s0, s3;
	s0 =	sld [smem:$0x3F7C]  }
0x30: {  	s3 =	sld [smem:$0x3F7F]  }
0x31: {  	[smem:$0x3F88] =	sst s10  }
0x32: {  	s10 =	sld [smem:$0x3F86];
	_ =	sdelay $0x3  }
0x33: {  	p0 =	seq.s32 s10, $0x1;
	s10 =	sld [smem:$0x3F88];
	_ =	sdelay $0x3  }
0x34: {  	[smem:$0x3F88] =	sst s10  }
0x35: {  	s10 =	sld [smem:$0x3F87];
	_ =	sdelay $0x3  }
0x36: {  	p1 =	seq.s32 s10, $0x1;
	s10 =	sld [smem:$0x3F88];
	_ =	sdelay $0x3  }
0x37: {  	[smem:$0x3F88] =	sst s10  }
0x38: {  	s10 =	sld [smem:$0x3F89]  }
0x39: {  	_ = 	snop;
	(pc) =	sbr.ind lr, $3  }
0x3a: {  	_ = 	snop  }
0x3b: {  	_ = 	snop  }
0x3c: {  	p2 =	seq.s32 s10, $0x1;
	s10 =	sld [smem:$0x3F88]  }
0x3d: {  	_ =	shalt  }
0x3e: {  	_ =	shalt  }
0x3f: {  	_ =	shalt  }
0x40: {  	_ =	shalt  }
0x41: {  	_ =	shalt  }
0x42: {  	_ =	shalt  }
0x43: {  	_ =	shalt  }
0x44: {  	_ =	shalt  }
0x45: {  	_ =	shalt  }
0x46: {  	_ =	shalt  }
0x47: {  	_ =	shalt  }
0x48: {  	_ =	shalt  }
0x49: {  	_ =	shalt  }
0x4a: {  	_ =	shalt  }
0x4b: {  	_ =	shalt  }
0x4c: {  	_ =	shalt  }
0x4d: {  	_ =	shalt  }
0x4e: {  	_ =	shalt  }
0x4f: {  	_ =	shalt  }
0x50: {  	_ =	shalt  }
0x51: {  	_ =	shalt  }
0x52: {  	_ =	shalt  }
0x53: {  	_ =	shalt  }
0x54: {  	_ =	shalt  }
0x55: {  	_ =	shalt  }
0x56: {  	_ =	shalt  }
0x57: {  	_ =	shalt  }
0x58: {  	_ =	shalt  }
0x59: {  	_ =	shalt  }
0x5a: {  	_ =	shalt  }
0x5b: {  	_ =	shalt  }
0x5c: {  	_ =	shalt  }
0x5d: {  	_ =	shalt  }
0x5e: {  	_ =	shalt  }
0x5f: {  	_ =	shalt  }
0x60: {  	_ =	shalt  }
0x61: {  	_ =	shalt  }
0x62: {  	_ =	shalt  }
0x63: {  	_ =	shalt  }
0x64: {  	_ =	shalt  }
0x65: {  	_ =	shalt  }
0x66: {  	_ =	shalt  }
0x67: {  	_ =	shalt  }
0x68: {  	_ =	shalt  }
0x69: {  	_ =	shalt  }
0x6a: {  	_ =	shalt  }
0x6b: {  	_ =	shalt  }
0x6c: {  	_ =	shalt  }
0x6d: {  	_ =	shalt  }
0x6e: {  	_ =	shalt  }
0x6f: {  	_ =	shalt  }
0x70: {  	_ =	shalt  }
0x71: {  	_ =	shalt  }
0x72: {  	_ =	shalt  }
0x73: {  	_ =	shalt  }
0x74: {  	_ =	shalt  }
0x75: {  	_ =	shalt  }
0x76: {  	_ =	shalt  }
0x77: {  	_ =	shalt  }
0x78: {  	_ =	shalt  }
0x79: {  	_ =	shalt  }
0x7a: {  	_ =	shalt  }
0x7b: {  	_ =	shalt  }
0x7c: {  	_ =	shalt  }
0x7d: {  	_ =	shalt  }
0x7e: {  	_ =	shalt  }
0x7f: {  	_ =	shalt  }
0x80: {  	_ =	shalt  }
0x81: {  	_ =	shalt  }
0x82: {  	_ =	shalt  }
0x83: {  	_ =	shalt  }
0x84: {  	_ =	shalt  }
0x85: {  	_ =	shalt  }
0x86: {  	_ =	shalt  }
0x87: {  	_ =	shalt  }
.Lfunc_end0:
.L_simem_size_0:
called_computation_lowered:
.L_overlay_start_0:
0x88: {  	s0 =	sld [smem:$0x3FD9]  }
0x89: {  	s1 =	sld [smem:$0x3FFE];
	_ =	sdelay $0x3  }
0x8a: {  	s0 =	sadd.s32 s1, s0  }
0x8b: {  	[smem:$0x3F94] =	sst s0  }
0x8c: {  	_ = 	snop  }
0x8d: {  	(tm) =	ssettm $0x1  }
0x8e: {  	s15 =	sld [smem:$0x3FFB];
	_ =	sdelay $0x3  }
0x8f: {  	_ =	strace s15  }
0x90: {  	s0 =	sld [smem:$0x3FFC];
	_ =	sdelay $0x3  }
0x91: {  	_ =	strace s0  }
0x92: {  	s0 =	sld [smem:$0x3FFD];
	_ =	sdelay $0x3  }
0x93: {  	_ =	strace s0  }
0x94: {  	_ =	strace $0x8FFFFFFF  }
0x95: {  	s16 =	sld [smem:$0x3FDB];
	_ =	sdelay $0x1  }
0x96: {  	s17 =	simm.s32 $_scs_section_size  }
0x97: {  	s2 =	simm.s32 $_size__tile_overlayer_lowered;
	s3 =	simm.s32 $_tile_overlayer_lowered  }
0x98: {  	s20 =	simm.s32 $0x1BFF;
	s19 =	sshll.u32 s3, $0x1;
	s0 =	sadd.s32 s17, s16  }
0x99: {  	s4 =	simm.s32 $0x0;
	s18 =	sshll.u32 s2, $0x1;
	s2 =	sadd.s32 s19, s0  }
0x9a: {  	[timem:s4], [sflag:s20] =	dma.local [hbm:s2], s18  }
0x9b: {  	_ =	swait.ge [sflag:s20], s18  }
0x9c: {  	s1 =	ssub.s32 $0x0, s18;
	[sflag:s20] =	ssyncset.done $0x0  }
0x9d: {  	[sflag:s20] =	ssyncadd.s32 s1;
	_ =	sdelay $0x1  }
0x9e: {  	s21 =	simm.s32 $0x1B8B  }
0x9f: {  	_ =	swait.ge [sflag:s21], $0x1  }
0xa0: {  	[sflag:s21] =	ssyncset.done $0x0  }
0xa1: {  	s23 =	simm.s32 $0x1B8E;
	s22 =	sld [smem:$0x3FFE];
	[sflag:s21] =	ssyncadd.s32 $0xFFFFFFFF  }
0xa2: {  	s24 =	simm.s32 $execute0_lowered;
	[smem:$0x3FD2] =	sst s23  }
0xa3: {  	s2 =	sshll.u32 s24, $0x1;
	_ =	strace $0x8000004C;
	[dreg:$0x1] =	wrdreg $0xFFFFFFFF  }
0xa4: {  	s25 =	simm.s32 $_size_execute0_lowered;
	s0 =	sadd.s32 s0, s2;
	[dreg:$0x0] =	wrdreg $0x0  }
0xa5: {  	s2 =	sshll.u32 s25, $0x1;
	[dreg:$0x2] =	wrdreg s0  }
0xa6: {  	[dreg:$0x3] =	wrdreg s2  }
0xa7: {  	[dreg:$0x4] =	wrdreg $0xC0  }
0xa8: {  	_ =	task [dreg:s4], $0x5FFFF  }
0xa9: {  	[dreg:$0x1] =	wrdreg $0xFFFFFFFF  }
0xaa: {  	[dreg:$0x0] =	wrdreg $0x60  }
0xab: {  	[dreg:$0x2] =	wrdreg s22  }
0xac: {  	[dreg:$0x3] =	wrdreg $0x9  }
0xad: {  	_ =	task.clear_ibuf [dreg:s4], $0x4FFFF;
	_ =	strace $0x9000004C  }
0xae: {  	s26 =	simm.s32 $0x9;
	_ =	strace $0x8000004E  }
0xaf: {  	_ =	swait.ge [sflag:s26], $0x1  }
0xb0: {  	[sflag:s26] =	ssyncadd.s32 $0xFFFFFFFF  }
0xb1: {  	_ =	strace $0x9000004E  }
0xb2: {  	_ =	sfence  }
0xb3: {  	s28 =	sld [smem:$0x0];
	_ =	sdelay $0x1  }
0xb4: {  	s29 =	srdreg.scid  }
0xb5: {  	s30 =	sshll.u32 s29, $0xD;
	s31 =	sshrl.u32 s29, $0x2  }
0xb6: {  	s1 =	sand.u32 $0x1, s29;
	s2 =	sand.u32 $0x4000, s30;
	s0 =	sadd.s32 s31, s28  }
0xb7: {  	s1 =	sor.u32 s2, s1;
	s0 =	sshll.u32 s0, $0x11  }
0xb8: {  	s0 =	sor.u32 s0, s1  }
0xb9: {  	s0 =	sadd.s32 $0x8F2B, s0  }
0xba: {  	[sflag:s0] =	ssyncadd.remote.s32 $0x1  }
0xbb: {  	_ =	sfence.sel $0xFFFF  }
0xbc: {  	[dreg:$0x0] =	wrdreg $0xFFFFFFFF;
	(pc) =	sbr.abs _section_cstart, $3  }
0xbd: {  	[dreg:$0x1] =	wrdreg $0xFFFFFFFF  }
0xbe: {  	_ =	task.clear_ibuf [dreg:s4], $0x2FFFF;
	_ =	strace $0x9FFFFFFF  }
0xbf: {  	(tm) =	ssettm $0x7FFFFFFF  }
tec
execute0_lowered:
.L_overlay_start_1:
0x0: {  	(tag) =	ssettag $0x1  }
0x1: {  	s0 =	stileid.u32  }
0x2: {  	s1 =	smin.u32 s0, $0x9  }
0x3: {  	s1 =	sadd.s32 s0, s1  }
0x4: {  	p0 =	slt.u32 s0, $0x9;
	s2 =	smul.u32 $0x108, s1;
	s1 =	simm.s32 $0x210  }
0x5: {  	s1 =	simm.s32 @!p0 $0x108  }
0x6: {  	s1 =	sadd.s32 s1, s2  }
0x7: {  	s3 =	smin.u32 s1, $0x19C8  }
0x8: {  	s7 =	ssub.s32 s3, s2  }
0x9: {  	p0 =	sgt.s32 s7, $0x0  }
0xa: {  	s7 =	simm.s32 @!p0 $0x0  }
0xb: {  	s4 =	smul.u32 $0xF83F, s7  }
0xc: {  	s9 =	rddreg [dreg:$0x0];
	s6 =	simm.s32 $0x1;
	s11 =	simm.s32 $0x3  }
0xd: {  	s13 =	simm.s32 $0x0;
	s12 =	simm.s32 $0x0;
	s8 =	sshrl.u32 s4, $0x18  }
0xe: {  	s1 =	rddreg [dreg:$0x1];
	_ =	strace $0x8000004D;
	s10 =	smul.u32 $0x108, s8  }
.Ltmp0:
0xf: {  	s5 =	sadd.s32 $0x37EC00, s9;
	[sflag:s6] =	ssyncpa.u1 $0x0;
	(pc) =	sbr.rel .LBB2_1-.Ltmp0, $4  }
0x10: {  	s4 =	sadd.s32 $0x364E00, s9;
	p0 =	sne.s32 s7, s10;
	s10 =	simm.s32 $0x1  }
0x11: {  	s9 =	sadd.s32 $0x37F000, s9;
	s7 =	simm.s32 $0x2;
	s10 =	simm.s32 @!p0 $0x0  }
0x12: {  	[sflag:s7] =	ssyncpa.u1 $0x0;
	p0 =	por $0x0, $0x0;
	s8 =	sadd.s32 s8, s10  }
0x13: {  	vm0 =	vmmov $0xff;
	vm1 =	vcmask $0x3F20;
	[sflag:s11] =	ssyncpa.u1 $0x0;
	s11 =	smov.u32 s2;
	s10 =	sadd.s32 $0x1, s8  }
.LBB2_6:
0x14: {  	[hbm:s17] =	stream.linear.scatter [tilespmem:s14], [sflag:$0x3], $0x400, $0x38;
	[tilespmem:$0x10A10] =	vst v63  }
.LBB2_7:
0x15: {  	s13 =	sadd.s32 $0x108, s11  }
0x16: {  	s15 =	smov.u32 s2;
	p2 =	slt.s32 s13, s3  }
0x17: {  	s15 =	smov.u32 @p2 s13;
	p2 =	sne.s32 s12, s10  }
.Ltmp1:
0x18: {  	p1 =	slt.u32 s12, $0x2;
	(pc) =	sbr.rel @!p2 .LBB2_8-.Ltmp1, $4  }
0x19: {  	s14 =	simm.s32 @!p1 $0x3  }
0x1a: {  	s16 =	sadd.s32 $0x1, s12;
	_ =	swait.ge @!p1 [sflag:s14], $0x8400  }
0x1b: {  	p0 =	por !p0, !p0;
	s13 =	smov.u32 s11;
	[sflag:s14] =	ssyncset.done @!p1 $0x0  }
0x1c: {  	s12 =	smov.u32 s16;
	s11 =	smov.u32 s15;
	[sflag:s14] =	ssyncadd.s32 @!p1 $0xFFFF7C00  }
.LBB2_1:
0x1d: {  	p1 =	sge.u32 s12, s8  }
0x1e: {  	s14 =	sxor.u32 @!p1 $0xFFFFFFFF, s12  }
0x1f: {  	s14 =	sand.u32 @!p1 $0x1, s14  }
0x20: {  	s14 =	smul.u32 @!p1 $0x420, s14  }
0x21: {  	s31 =	sadd.s32 $0xFFFFFFFF, s12;
	s15 =	sshrl.u32 @!p1 s11, $0x3  }
0x22: {  	s16 =	sand.u32 @!p1 $0x7, s11;
	s15 =	sadd.s32 @!p1 s5, s15;
	s14 =	sshrl.u32 @!p1 s14, $0x2  }
0x23: {  	[tilespmem:s14], [sflag:$0x2] =	stream.linear.gather @!p1 [hbm4b:s15+s16], $0x108, $0x38;
	[tilespmem:$0x10A10] =	vst v63  }
0x24: {  	p1 =	sge.u32 s31, s8  }
.Ltmp2:
0x25: {  	_ = 	snop;
	(pc) =	sbr.rel @p1 .LBB2_7-.Ltmp2, $1  }
0x26: {  	_ =	sdelay $0x3  }
0x27: {  	s14 =	simm.s32 $0x1  }
0x28: {  	s14 =	simm.s32 @!p0 $0x0  }
0x29: {  	s15 =	smul.u32 $0x420, s14  }
0x2a: {  	_ =	swait.ge [sflag:s7], $0x108  }
0x2b: {  	[sflag:s7] =	ssyncset.done $0x0;
	s16 =	sshrl.u32 s15, $0x2  }
0x2c: {  	[sflag:s7] =	ssyncadd.s32 $0xFFFFFEF8;
	s15 =	sadd.s32 $0x0, s16  }
0x2d: {  	v0 =	vld.msk [tilespmem:s15+$0x0 ss:$0x1], $0xffff;
	_ =	sdelay $0x4  }
0x2e: {  	vm2 =	vgt.s32 v0, $0x0  }
0x2f: {  	v0 =	vnsel vm2, $0x0, v0  }
0x30: {  	v0 =	vmin.u32 v0, $0x19C7  }
0x31: {  	v0 =	vshll.u32 v0, $0x4  }
0x32: {  	s14 =	smul.u32 $0x21000, s14  }
0x33: {  	s31 =	sand.u32 $0x1, s12  }
0x34: {  	s17 =	smul.u32 $0x420, s31;
	s14 =	sshrl.u32 s14, $0x2  }
0x35: {  	s19 =	smul.u32 $0x21000, s31;
	s14 =	sor.u32 $0x210, s14  }
0x36: {  	[tilespmem:s14], [sflag:$0x1] =	stream.indirect_vreg.gather [hbm:s4], $0x80, v0, vm0, $0x38;
	[tilespmem:$0x10A10] =	vst v63  }
0x37: {  	s18 =	sshrl.u32 s17, $0x2;
	s20 =	sadd.s32 $0x10, s16;
	s15 =	sadd.s32 $0x400, s14  }
0x38: {  	[tilespmem:s15], [sflag:$0x1] =	stream.indirect_vreg.gather [hbm:s4], $0x80, v0, vm1, $0x38;
	[tilespmem:$0x10A10] =	vst v63  }
0x39: {  	s17 =	sshrl.u32 s19, $0x2;
	s19 =	smov.u32 s14;
	v0 =	vld.msk [tilespmem:s20+$0x0 ss:$0x1], $0xffff;
	s20 =	simm.s32 $0x80  }
.LBB2_3:
0x3a: {  	p1 =	sne.s32 s20, $0x3C0;
	_ =	sdelay $0x4  }
0x3b: {  	vm2 =	vgt.s32 v0, $0x0  }
0x3c: {  	v0 =	vnsel vm2, $0x0, v0  }
0x3d: {  	v0 =	vmin.u32 v0, $0x19C7  }
0x3e: {  	v0 =	vshll.u32 v0, $0x4;
	_ =	sdelay $0x3  }
.Ltmp3:
0x3f: {  	s21 =	sshra.s32 s20, $0x2;
	s19 =	sadd.s32 $0x800, s19;
	(pc) =	sbr.rel @p1 .LBB2_3-.Ltmp3, $4  }
0x40: {  	[tilespmem:s19], [sflag:$0x1] =	stream.indirect_vreg.gather [hbm:s4], $0x80, v0, vm0, $0x38;
	[tilespmem:$0x10A10] =	vst v63  }
0x41: {  	s21 =	sadd.s32 s21, s16;
	s22 =	sadd.s32 $0x400, s19  }
0x42: {  	[tilespmem:s22], [sflag:$0x1] =	stream.indirect_vreg.gather [hbm:s4], $0x80, v0, vm1, $0x38;
	[tilespmem:$0x10A10] =	vst v63  }
0x43: {  	s20 =	sadd.s32 $0x40, s20;
	v0 =	vld.msk [tilespmem:s21+$0x0 ss:$0x1], $0xffff  }
0x44: {  	_ =	sdelay $0x3  }
0x45: {  	vm2 =	vgt.s32 v0, $0x0  }
0x46: {  	v0 =	vnsel vm2, $0x0, v0  }
0x47: {  	v0 =	vmin.u32 v0, $0x19C7  }
0x48: {  	v0 =	vshll.u32 v0, $0x4;
	_ =	sdelay $0x3  }
0x49: {  	s16 =	sadd.s32 $0x800, s19  }
0x4a: {  	[tilespmem:s16], [sflag:$0x1] =	stream.indirect_vreg.gather [hbm:s4], $0x80, v0, vm0, $0x38;
	[tilespmem:$0x10A10] =	vst v63  }
0x4b: {  	s16 =	sadd.s32 $0x400, s16  }
0x4c: {  	[tilespmem:s16], [sflag:$0x1] =	stream.indirect_vreg.gather [hbm:s4], $0x80, v0, vm1, $0x38;
	[tilespmem:$0x10A10] =	vst v63  }
0x4d: {  	v0 =	vld.msk [tilespmem:s18+$0x100 ss:$0x1], $0xff;
	_ =	sdelay $0x4  }
0x4e: {  	vm2 =	vgt.s32 v0, $0x0  }
0x4f: {  	v0 =	vnsel vm2, $0x0, v0  }
0x50: {  	v0 =	vmin.u32 v0, $0x19C7  }
0x51: {  	v0 =	vshll.u32 v0, $0x4;
	_ =	sdelay $0x3  }
0x52: {  	s31 =	sadd.s32 $0x8210, s17  }
0x53: {  	[tilespmem:s31], [sflag:$0x1] =	stream.indirect_vreg.gather [hbm:s4], $0x80, v0, vm0, $0x38;
	[tilespmem:$0x10A10] =	vst v63  }
0x54: {  	s13 =	sshll.u32 s13, $0x4;
	_ =	swait.ge [sflag:s6], $0x8400  }
0x55: {  	s13 =	sadd.s32 s13, s9;
	[sflag:s6] =	ssyncset.done $0x0  }
0x56: {  	s17 =	sadd.s32 $0x0, s13;
	s16 =	simm.s32 $0x80;
	[sflag:s6] =	ssyncadd.s32 $0xFFFF7C00  }
.LBB2_5:
0x57: {  	[hbm:s17] =	stream.linear.scatter [tilespmem:s14], [sflag:$0x3], $0x400, $0x38;
	[tilespmem:$0x10A10] =	vst v63  }
0x58: {  	s17 =	smov.u32 s16;
	s14 =	smov.u32 s15;
	p1 =	sne.s32 s16, $0x1000  }
.Ltmp4:
0x59: {  	s16 =	sadd.s32 $0x80, s16;
	(pc) =	sbr.rel @p1 .LBB2_5-.Ltmp4, $2  }
0x5a: {  	_ =	sdelay $0x2  }
0x5b: {  	s15 =	sadd.s32 $0x400, s15;
	s17 =	sadd.s32 s17, s13  }
.Ltmp5:
0x5c: {  	_ = 	snop;
	(pc) =	sbr.rel .LBB2_6-.Ltmp5, $1  }
0x5d: {  	_ =	sdelay $0x3  }
.LBB2_8:
0x5e: {  	_ =	sfence.sel $0x180000  }
0x5f: {  	s2 =	simm.s32 $0x2;
	[bflag:$0x0] =	sbarrier.arrive $0xFFFF  }
0x60: {  	s30 =	simm.s32 $0x3;
	[sflag:s2] =	ssyncpa.u1 $0x1  }
0x61: {  	s31 =	simm.s32 $0x1;
	[sflag:s30] =	ssyncpa.u1 $0x1  }
0x62: {  	[sflag:s31] =	ssyncpa.u1 $0x1  }
0x63: {  	p0 =	sne.s32 s0, $0x0;
	_ =	strace $0x9000004D  }
0x64: {  	s0 =	sadd.s32 @!p0 $0x100000, s1;
	[bflag:$0x2] =	sbarrier.arrive $0xFFFF  }
0x65: {  	[sflag:s0] =	ssyncadd.tile.s32 @!p0 $0x1;
	_ =	shalt  }
.Lfunc_end2:
_tile_overlayer_lowered:
.L_overlay_start_2:
0x66: {  	(tag) =	ssettag $0x2  }
0x67: {  	s0 =	rddreg [dreg:$0x0];
	s2 =	stileid.u32  }
0x68: {  	s1 =	rddreg [dreg:$0x1];
	p0 =	sne.s32 s2, $0x0  }
0x69: {  	s3 =	rddreg [dreg:$0x2];
	[bflag:$0x3] =	sbarrier.arrive $0xFFFF;
	s2 =	simm.s32 @!p0 $0x1C01  }
0x6a: {  	[timem:s3], [sflag:s2] =	dma.local @!p0 [hbm:s0], s1  }
0x6b: {  	s0 =	simm.s32 @!p0 $0x1  }
0x6c: {  	_ =	swait.ge @!p0 [sflag:s0], s1  }
0x6d: {  	s1 =	ssub.s32 @!p0 $0x0, s1;
	[sflag:s0] =	ssyncset.done @!p0 $0x0  }
0x6e: {  	[sflag:s0] =	ssyncadd.s32 @!p0 s1  }
0x6f: {  	[bflag:$0x3] =	sbarrier.arrive $0xFFFF  }
0x70: {  	_ =	shalt  }

// kernel: kernel.14.cloned.1.call-start
scs
__scs_entry_jumppad:
0x0: {  	(pc) =	sbr.rel $0x88, $3  }
0x1: {  	(tag) =	ssettag $0x0;
	lr =	simm.s32 $0x1  }
0x2: {  	[smem:$0x3F6D] =	sst lr;
	_ =	strace $0xD0000000  }
0x3: {  	_ = 	snop  }
0x4: {  	_ = 	snop  }
0x5: {  	_ = 	snop  }
0x6: {  	_ = 	snop  }
0x7: {  	_ = 	snop  }
__scs_overlays_trampoline_lowered:
0x8: {  	[smem:$0x3F7C] =	sst s0  }
0x9: {  	[smem:$0x3F7D] =	sst s1  }
0xa: {  	[smem:$0x3F7E] =	sst s2  }
0xb: {  	[smem:$0x3F7F] =	sst s3  }
0xc: {  	[smem:$0x3F80] =	sst s4  }
0xd: {  	[smem:$0x3F81] =	sst s5  }
0xe: {  	[smem:$0x3F82] =	sst s6  }
0xf: {  	[smem:$0x3F83] =	sst s7  }
0x10: {  	[smem:$0x3F84] =	sst s8  }
0x11: {  	[smem:$0x3F85] =	sst s9;
	s0 =	simm.s32 @!p0 $0x0  }
0x12: {  	s1 =	sld [smem:$0x3F6B];
	s0 =	simm.s32 @p0 $0x1  }
0x13: {  	[smem:$0x3F86] =	sst s0;
	s0 =	simm.s32 @!p1 $0x0  }
0x14: {  	s2 =	sld [smem:$0x3F6A];
	s0 =	simm.s32 @p1 $0x1  }
0x15: {  	[smem:$0x3F87] =	sst s0;
	s0 =	simm.s32 @!p2 $0x0  }
0x16: {  	s3 =	sld [smem:$0x3FDB];
	s0 =	simm.s32 @p2 $0x1  }
0x17: {  	s4 =	simm.s32 $0x1BF5;
	[smem:$0x3F89] =	sst s0  }
0x18: {  	s0 =	sld [smem:$0x3F6C];
	_ =	swait.ge [sflag:s4], $0x0  }
0x19: {  	s7 =	sld [smem:$0x3F6D]  }
0x1a: {  	s8 =	sadd.s32 $0xFFFFE003, lr  }
0x1b: {  	s9 =	sadd.s32 $0xFFFFFEF7, lr;
	s5 =	simm.s32 $0xFFFFFFFF;
	p2 =	slt.u32 s8, $0xFFFFF086  }
0x1c: {  	p1 =	slt.u32 s9, $0xF7A;
	s5 =	simm.s32 @!p2 $0x0  }
0x1d: {  	s5 =	simm.s32 @p1 $0x1;
	p0 =	seq.s32 s7, s2  }
0x1e: {  	s7 =	smul.u32 @!p0 $0xF7A, s2;
	p2 =	seq.s32 @!p0 s5, $0x0  }
0x1f: {  	s9 =	smul.u32 $0xF7A, s1;
	s8 =	simm.s32 @!p0 $0x1BF5;
	p2 =	por !p2, p0  }
0x20: {  	[sflag:s8] =	ssyncset.s32 @!p0 $0xFFFFF086;
	s6 =	sadd.s32 @!p0 s3, s7;
	s7 =	simm.s32 @!p0 $0x108  }
0x21: {  	s3 =	sadd.s32 s3, s9;
	s6 =	sadd.s32 @!p0 $0x88, s6;
	s7 =	simm.s32 @p2 $0x1082  }
0x22: {  	[simem:s7], [sflag:s8] =	dma.local @!p0 [hbm:s6], $0xF7A  }
0x23: {  	s9 =	sor.u32 $0xD0000000, s2;
	s6 =	simm.s32 $0x108;
	_ =	swait.ge @!p0 [sflag:s8], $0x0  }
0x24: {  	s3 =	sadd.s32 $0x88, s3;
	s6 =	simm.s32 @!p1 $0x1082;
	[sflag:s4] =	ssyncset.s32 $0xFFFFF086  }
0x25: {  	[simem:s6], [sflag:s4] =	dma.local [hbm:s3], $0xF7A  }
0x26: {  	[smem:$0x3F6D] =	sst s1;
	(tag) =	ssettag s2;
	_ =	strace s9  }
0x27: {  	s1 =	sld [smem:$0x3F7D]  }
0x28: {  	s2 =	sld [smem:$0x3F7E]  }
0x29: {  	s4 =	sld [smem:$0x3F80]  }
0x2a: {  	p0 =	seq.s32 s5, $0x0;
	s5 =	sld [smem:$0x3F81]  }
0x2b: {  	s6 =	sld [smem:$0x3F82]  }
0x2c: {  	s7 =	sld [smem:$0x3F83]  }
0x2d: {  	s3 =	simm.s32 $0x108;
	s8 =	sld [smem:$0x3F84]  }
0x2e: {  	s3 =	simm.s32 @!p0 $0x1082;
	s9 =	sld [smem:$0x3F85]  }
0x2f: {  	lr =	sadd.s32 s0, s3;
	s0 =	sld [smem:$0x3F7C]  }
0x30: {  	s3 =	sld [smem:$0x3F7F]  }
0x31: {  	[smem:$0x3F88] =	sst s10  }
0x32: {  	s10 =	sld [smem:$0x3F86];
	_ =	sdelay $0x3  }
0x33: {  	p0 =	seq.s32 s10, $0x1;
	s10 =	sld [smem:$0x3F88];
	_ =	sdelay $0x3  }
0x34: {  	[smem:$0x3F88] =	sst s10  }
0x35: {  	s10 =	sld [smem:$0x3F87];
	_ =	sdelay $0x3  }
0x36: {  	p1 =	seq.s32 s10, $0x1;
	s10 =	sld [smem:$0x3F88];
	_ =	sdelay $0x3  }
0x37: {  	[smem:$0x3F88] =	sst s10  }
0x38: {  	s10 =	sld [smem:$0x3F89]  }
0x39: {  	_ = 	snop;
	(pc) =	sbr.ind lr, $3  }
0x3a: {  	_ = 	snop  }
0x3b: {  	_ = 	snop  }
0x3c: {  	p2 =	seq.s32 s10, $0x1;
	s10 =	sld [smem:$0x3F88]  }
0x3d: {  	_ =	shalt  }
0x3e: {  	_ =	shalt  }
0x3f: {  	_ =	shalt  }
0x40: {  	_ =	shalt  }
0x41: {  	_ =	shalt  }
0x42: {  	_ =	shalt  }
0x43: {  	_ =	shalt  }
0x44: {  	_ =	shalt  }
0x45: {  	_ =	shalt  }
0x46: {  	_ =	shalt  }
0x47: {  	_ =	shalt  }
0x48: {  	_ =	shalt  }
0x49: {  	_ =	shalt  }
0x4a: {  	_ =	shalt  }
0x4b: {  	_ =	shalt  }
0x4c: {  	_ =	shalt  }
0x4d: {  	_ =	shalt  }
0x4e: {  	_ =	shalt  }
0x4f: {  	_ =	shalt  }
0x50: {  	_ =	shalt  }
0x51: {  	_ =	shalt  }
0x52: {  	_ =	shalt  }
0x53: {  	_ =	shalt  }
0x54: {  	_ =	shalt  }
0x55: {  	_ =	shalt  }
0x56: {  	_ =	shalt  }
0x57: {  	_ =	shalt  }
0x58: {  	_ =	shalt  }
0x59: {  	_ =	shalt  }
0x5a: {  	_ =	shalt  }
0x5b: {  	_ =	shalt  }
0x5c: {  	_ =	shalt  }
0x5d: {  	_ =	shalt  }
0x5e: {  	_ =	shalt  }
0x5f: {  	_ =	shalt  }
0x60: {  	_ =	shalt  }
0x61: {  	_ =	shalt  }
0x62: {  	_ =	shalt  }
0x63: {  	_ =	shalt  }
0x64: {  	_ =	shalt  }
0x65: {  	_ =	shalt  }
0x66: {  	_ =	shalt  }
0x67: {  	_ =	shalt  }
0x68: {  	_ =	shalt  }
0x69: {  	_ =	shalt  }
0x6a: {  	_ =	shalt  }
0x6b: {  	_ =	shalt  }
0x6c: {  	_ =	shalt  }
0x6d: {  	_ =	shalt  }
0x6e: {  	_ =	shalt  }
0x6f: {  	_ =	shalt  }
0x70: {  	_ =	shalt  }
0x71: {  	_ =	shalt  }
0x72: {  	_ =	shalt  }
0x73: {  	_ =	shalt  }
0x74: {  	_ =	shalt  }
0x75: {  	_ =	shalt  }
0x76: {  	_ =	shalt  }
0x77: {  	_ =	shalt  }
0x78: {  	_ =	shalt  }
0x79: {  	_ =	shalt  }
0x7a: {  	_ =	shalt  }
0x7b: {  	_ =	shalt  }
0x7c: {  	_ =	shalt  }
0x7d: {  	_ =	shalt  }
0x7e: {  	_ =	shalt  }
0x7f: {  	_ =	shalt  }
0x80: {  	_ =	shalt  }
0x81: {  	_ =	shalt  }
0x82: {  	_ =	shalt  }
0x83: {  	_ =	shalt  }
0x84: {  	_ =	shalt  }
0x85: {  	_ =	shalt  }
0x86: {  	_ =	shalt  }
0x87: {  	_ =	shalt  }
.Lfunc_end0:
.L_simem_size_0:
called_computation.1_lowered:
.L_overlay_start_0:
0x88: {  	s2 =	sld [smem:$0x3FD9]  }
0x89: {  	s3 =	sld [smem:$0x3FFE];
	_ =	sdelay $0x1  }
0x8a: {  	s1 =	srdreg.scid  }
0x8b: {  	s0 =	sand.u32 $0x1, s1  }
0x8c: {  	s16 =	sshll.u32 s0, $0xA;
	s2 =	sadd.s32 s3, s2  }
0x8d: {  	s2 =	sadd.s32 s2, s16  }
0x8e: {  	[smem:$0x3F94] =	sst s2  }
0x8f: {  	_ = 	snop  }
0x90: {  	(tm) =	ssettm $0x1  }
0x91: {  	s17 =	sld [smem:$0x3FFB];
	_ =	sdelay $0x3  }
0x92: {  	_ =	strace s17  }
0x93: {  	s2 =	sld [smem:$0x3FFC];
	_ =	sdelay $0x3  }
0x94: {  	_ =	strace s2  }
0x95: {  	s2 =	sld [smem:$0x3FFD];
	_ =	sdelay $0x3  }
0x96: {  	_ =	strace s2  }
0x97: {  	_ =	strace $0x8FFFFFFF  }
0x98: {  	s18 =	sld [smem:$0x3FDB];
	_ =	sdelay $0x1  }
0x99: {  	s19 =	simm.s32 $_scs_section_size  }
0x9a: {  	s4 =	simm.s32 $_size__tile_overlayer_lowered;
	s5 =	simm.s32 $_tile_overlayer_lowered  }
0x9b: {  	s22 =	simm.s32 $0x1BFF;
	s21 =	sshll.u32 s5, $0x1;
	s2 =	sadd.s32 s19, s18  }
0x9c: {  	s6 =	simm.s32 $0x0;
	s20 =	sshll.u32 s4, $0x1;
	s4 =	sadd.s32 s21, s2  }
0x9d: {  	[timem:s6], [sflag:s22] =	dma.local [hbm:s4], s20  }
0x9e: {  	_ =	swait.ge [sflag:s22], s20  }
0x9f: {  	s3 =	ssub.s32 $0x0, s20;
	[sflag:s22] =	ssyncset.done $0x0  }
0xa0: {  	[sflag:s22] =	ssyncadd.s32 s3;
	_ =	sdelay $0x1  }
0xa1: {  	s23 =	simm.s32 $0x1B8B  }
0xa2: {  	_ =	swait.ge [sflag:s23], $0x1  }
0xa3: {  	[sflag:s23] =	ssyncset.done $0x0  }
0xa4: {  	s25 =	simm.s32 $0x1B8E;
	s24 =	sld [smem:$0x3FFE];
	[sflag:s23] =	ssyncadd.s32 $0xFFFFFFFF  }
0xa5: {  	s26 =	simm.s32 $execute0_lowered;
	[smem:$0x3FD2] =	sst s25  }
0xa6: {  	s4 =	sshll.u32 s26, $0x1;
	_ =	strace $0x80000046;
	[dreg:$0x1] =	wrdreg $0xFFFFFFFF  }
0xa7: {  	s28 =	simm.s32 $_size_execute0_lowered;
	s2 =	sadd.s32 s2, s4;
	[dreg:$0x0] =	wrdreg $0x0  }
0xa8: {  	s4 =	sshll.u32 s28, $0x1;
	[dreg:$0x2] =	wrdreg s2  }
0xa9: {  	[dreg:$0x3] =	wrdreg s4  }
0xaa: {  	[dreg:$0x4] =	wrdreg $0xC0  }
0xab: {  	_ =	task [dreg:s6], $0x5FFFF  }
0xac: {  	[dreg:$0x1] =	wrdreg $0xFFFFFFFF  }
0xad: {  	[dreg:$0x0] =	wrdreg $0x60  }
0xae: {  	[dreg:$0x2] =	wrdreg s24  }
0xaf: {  	[dreg:$0x3] =	wrdreg $0x9  }
0xb0: {  	_ =	task.clear_ibuf [dreg:s6], $0x4FFFF;
	_ =	strace $0x90000046  }
0xb1: {  	s29 =	simm.s32 $0x9;
	_ =	strace $0x80000048  }
0xb2: {  	_ =	swait.ge [sflag:s29], $0x1  }
0xb3: {  	[sflag:s29] =	ssyncadd.s32 $0xFFFFFFFF  }
0xb4: {  	_ =	strace $0x90000048  }
0xb5: {  	_ =	sfence  }
0xb6: {  	s30 =	sld [smem:$0x0];
	_ =	sdelay $0x2  }
0xb7: {  	s31 =	sshll.u32 s1, $0xD;
	s1 =	sshrl.u32 s1, $0x2  }
0xb8: {  	s3 =	sand.u32 $0x4000, s31;
	s1 =	sadd.s32 s1, s30  }
0xb9: {  	s0 =	sor.u32 s3, s0;
	s1 =	sshll.u32 s1, $0x11  }
0xba: {  	s0 =	sor.u32 s1, s0  }
0xbb: {  	s0 =	sadd.s32 $0x8F2B, s0  }
0xbc: {  	[sflag:s0] =	ssyncadd.remote.s32 $0x1  }
0xbd: {  	_ =	sfence.sel $0xFFFF  }
0xbe: {  	[dreg:$0x0] =	wrdreg $0xFFFFFFFF;
	(pc) =	sbr.abs _section_cstart, $3  }
0xbf: {  	[dreg:$0x1] =	wrdreg $0xFFFFFFFF  }
0xc0: {  	_ =	task.clear_ibuf [dreg:s6], $0x2FFFF;
	_ =	strace $0x9FFFFFFF  }
0xc1: {  	(tm) =	ssettm $0x7FFFFFFF  }
tec
execute0_lowered:
.L_overlay_start_1:
0x0: {  	(tag) =	ssettag $0x1  }
0x1: {  	s1 =	srdreg.scid;
	s0 =	stileid.u32  }
0x2: {  	s5 =	rddreg [dreg:$0x0];
	s2 =	simm.s32 $0x0;
	s14 =	simm.s32 $0x0  }
0x3: {  	s4 =	sand.u32 $0x1, s1;
	s1 =	rddreg [dreg:$0x1];
	s8 =	smul.u32 $0xD0000, s0  }
0x4: {  	s26 =	sshll.u32 s0, $0x1;
	[smem:$0x7FF] =	sst s2;
	s11 =	smul.u32 $0x1A00, s0  }
0x5: {  	s9 =	sadd.s32 $0x7A00, s5;
	s12 =	sadd.s32 $0x24E00, s5;
	s13 =	smul.u32 $0xD00, s4  }
0x6: {  	s3 =	sor.u32 s4, s26;
	s10 =	ssub.s32 $0x2, s4;
	s29 =	smul.u32 $0x68000, s4  }
0x7: {  	_ =	strace $0x80000047;
	s6 =	smul.u32 $0xD00, s3;
	s28 =	sshrl.u32 s10, $0x1  }
0x8: {  	s7 =	smul.u32 $0x68000, s3;
	s3 =	sadd.s32 $0xAE00, s5;
	s5 =	ssub.s32 s10, s28  }
0x9: {  	s30 =	sadd.s32 s13, s11;
	s8 =	sadd.s32 s29, s8;
	s10 =	simm.s32 $0x80  }
0xa: {  	s11 =	simm.s32 $0x100;
	s13 =	simm.s32 $0x4100;
	s6 =	sshrl.u32 s6, $0x3  }
0xb: {  	s5 =	smax.u32 s5, $0x1;
	s7 =	sshrl.u32 s7, $0x3;
	s8 =	sshrl.u32 s8, $0x3  }
0xc: {  	s4 =	sadd.s32 s9, s6;
	s6 =	sor.u32 $0x80, s30;
	s7 =	sadd.s32 s12, s7  }
0xd: {  	s31 =	sshrl.u32 s6, $0x3;
	s6 =	sadd.s32 $0xC800, s7;
	s7 =	sadd.s32 s8, s12  }
0xe: {  	s12 =	simm.s32 $0x2;
	s8 =	sadd.s32 s31, s9;
	s9 =	simm.s32 $0x3  }
.LBB2_1:
0xf: {  	[tilespmem:s2], [sflag:$0x3] =	stream.linear.gather [hbm4b:s4+s2], $0x80, $0x38;
	[tilespmem:$0x8100] =	vst v63  }
0x10: {  	_ =	swait.ge [sflag:s9], $0x80  }
0x11: {  	s15 =	simm.s32 $0x1;
	[sflag:s9] =	ssyncset.done $0x0  }
0x12: {  	s15 =	sand.u32 $0x1, s15;
	[sflag:s9] =	ssyncadd.s32 $0xFFFFFF80  }
0x13: {  	[tilespmem:s11], [sflag:$0x1] =	stream.indirect.gather [hbm4b:s3+s10], $0x80, s2, s10, $0xb8;
	[tilespmem:$0x8100] =	vst v63  }
0x14: {  	s18 =	simm.s32 $0x0;
	s16 =	sshll.u32 s15, $0x7  }
0x15: {  	[tilespmem:s16], [sflag:$0x3] =	stream.linear.gather [hbm4b:s8+s2], $0x80, $0x38;
	[tilespmem:$0x8100] =	vst v63  }
0x16: {  	s18 =	sand.u32 $0x1, s18;
	_ =	swait.ge [sflag:s9], $0x80  }
0x17: {  	s17 =	sadd.s32 $0x1, s15;
	s15 =	sshll.u32 s15, $0xE;
	[sflag:s9] =	ssyncset.done $0x0  }
0x18: {  	s19 =	sadd.s32 $0x1, s18;
	s15 =	sor.u32 $0x100, s15;
	[sflag:s9] =	ssyncadd.s32 $0xFFFFFF80  }
0x19: {  	[tilespmem:s15], [sflag:s17] =	stream.indirect.gather [hbm4b:s3+s10], $0x80, s16, s10, $0xb8;
	[tilespmem:$0x8100] =	vst v63  }
0x1a: {  	s31 =	sshll.u32 s18, $0xE;
	_ =	swait.ge [sflag:s19], $0x4000  }
0x1b: {  	s15 =	sor.u32 $0x100, s31;
	s17 =	simm.s32 $0x2;
	[sflag:s19] =	ssyncset.done $0x0  }
0x1c: {  	s16 =	sadd.s32 $0x10, s8;
	s18 =	sand.u32 $0x1, s17;
	[sflag:s19] =	ssyncadd.s32 $0xFFFFC000  }
0x1d: {  	[hbm4b:s7+s2] =	stream.linear.scatter [tilespmem:s15], [sflag:$0x3], $0x4000, $0x38;
	[tilespmem:$0x8100] =	vst v63  }
0x1e: {  	s19 =	simm.s32 $0x3;
	s15 =	sadd.s32 $0x800, s7;
	_ =	swait.ge [sflag:s9], $0x4000  }
.LBB2_2:
0x1f: {  	s20 =	sshll.u32 s18, $0x7  }
0x20: {  	[sflag:s9] =	ssyncset.done $0x0;
	s21 =	smov.u32 s19;
	s22 =	sadd.s32 $0x1, s19  }
0x21: {  	p0 =	sne.s32 s19, $0x19;
	s19 =	sadd.s32 $0x1, s18;
	[sflag:s9] =	ssyncadd.s32 $0xFFFFC000  }
0x22: {  	[tilespmem:s20], [sflag:$0x3] =	stream.linear.gather [hbm4b:s16+s2], $0x80, $0x38;
	[tilespmem:$0x8100] =	vst v63  }
0x23: {  	s17 =	sadd.s32 $0xFFFFFFFF, s17;
	s18 =	sshll.u32 s18, $0xE;
	_ =	swait.ge [sflag:s9], $0x80  }
0x24: {  	s17 =	sand.u32 $0x1, s17;
	s18 =	sor.u32 $0x100, s18;
	[sflag:s9] =	ssyncset.done $0x0  }
0x25: {  	s23 =	sadd.s32 $0x1, s17;
	s24 =	sshll.u32 s17, $0xE;
	[sflag:s9] =	ssyncadd.s32 $0xFFFFFF80  }
0x26: {  	[tilespmem:s18], [sflag:s19] =	stream.indirect.gather [hbm4b:s3+s10], $0x80, s20, s10, $0xb8;
	[tilespmem:$0x8100] =	vst v63  }
.Ltmp0:
0x27: {  	s17 =	smov.u32 s21;
	_ =	swait.ge [sflag:s23], $0x4000;
	(pc) =	sbr.rel @p0 .LBB2_2-.Ltmp0, $4  }
0x28: {  	s18 =	sor.u32 $0x100, s24;
	[sflag:s23] =	ssyncset.done $0x0  }
0x29: {  	s16 =	sadd.s32 $0x10, s16;
	s19 =	smov.u32 s22;
	[sflag:s23] =	ssyncadd.s32 $0xFFFFC000  }
0x2a: {  	[hbm4b:s15+s2] =	stream.linear.scatter [tilespmem:s18], [sflag:$0x3], $0x4000, $0x38;
	[tilespmem:$0x8100] =	vst v63  }
0x2b: {  	s18 =	sand.u32 $0x1, s17;
	s15 =	sadd.s32 $0x800, s15;
	_ =	swait.ge [sflag:s9], $0x4000  }
0x2c: {  	[sflag:s9] =	ssyncset.done $0x0  }
0x2d: {  	s19 =	sshll.u32 s18, $0x7;
	[sflag:s9] =	ssyncadd.s32 $0xFFFFC000  }
0x2e: {  	[tilespmem:s19], [sflag:$0x3] =	stream.linear.gather [hbm4b:s16+s2], $0x80, $0x38;
	[tilespmem:$0x8100] =	vst v63  }
0x2f: {  	s29 =	sadd.s32 $0x1, s18;
	s17 =	sadd.s32 $0xFFFFFFFF, s17;
	_ =	swait.ge [sflag:s9], $0x80  }
0x30: {  	s30 =	sshll.u32 s18, $0xE;
	s17 =	sand.u32 $0x1, s17;
	[sflag:s9] =	ssyncset.done $0x0  }
0x31: {  	s18 =	sor.u32 $0x100, s30;
	s20 =	sadd.s32 $0x1, s17;
	[sflag:s9] =	ssyncadd.s32 $0xFFFFFF80  }
0x32: {  	[tilespmem:s18], [sflag:s29] =	stream.indirect.gather [hbm4b:s3+s10], $0x80, s19, s10, $0xb8;
	[tilespmem:$0x8100] =	vst v63  }
0x33: {  	_ =	swait.ge [sflag:s20], $0x4000  }
0x34: {  	s31 =	sshll.u32 s17, $0xE;
	[sflag:s20] =	ssyncset.done $0x0  }
0x35: {  	s16 =	sor.u32 $0x100, s31;
	[sflag:s20] =	ssyncadd.s32 $0xFFFFC000  }
0x36: {  	[hbm4b:s15+s2] =	stream.linear.scatter [tilespmem:s16], [sflag:$0x3], $0x4000, $0x38;
	[tilespmem:$0x8100] =	vst v63  }
0x37: {  	_ =	swait.ge [sflag:s9], $0x4000  }
0x38: {  	[sflag:s9] =	ssyncset.done $0x0  }
0x39: {  	[sflag:s9] =	ssyncadd.s32 $0xFFFFC000  }
0x3a: {  	s14 =	sadd.s32 $0x1, s14;
	_ =	swait.ge [sflag:s12], $0x4000  }
0x3b: {  	p0 =	sne.s32 s14, s5;
	[sflag:s12] =	ssyncset.done $0x0  }
.Ltmp1:
0x3c: {  	[sflag:s12] =	ssyncadd.s32 $0xFFFFC000;
	(pc) =	sbr.rel @p0 .LBB2_1-.Ltmp1, $4  }
0x3d: {  	[hbm4b:s6+s2] =	stream.linear.scatter [tilespmem:s13], [sflag:$0x3], $0x4000, $0x38;
	[tilespmem:$0x8100] =	vst v63  }
0x3e: {  	_ =	swait.ge [sflag:s9], $0x4000  }
0x3f: {  	[sflag:s9] =	ssyncset.done $0x0  }
0x40: {  	[sflag:s9] =	ssyncadd.s32 $0xFFFFC000  }
0x41: {  	_ =	sfence.sel $0x180000  }
0x42: {  	[bflag:$0x0] =	sbarrier.arrive $0xFFFF  }
0x43: {  	p0 =	sne.s32 s0, $0x0;
	_ =	strace $0x90000047  }
0x44: {  	s0 =	sadd.s32 @!p0 $0x100000, s1;
	[bflag:$0x2] =	sbarrier.arrive $0xFFFF  }
0x45: {  	[sflag:s0] =	ssyncadd.tile.s32 @!p0 $0x1;
	_ =	shalt  }
.Lfunc_end2:
_tile_overlayer_lowered:
.L_overlay_start_2:
0x46: {  	(tag) =	ssettag $0x2  }
0x47: {  	s0 =	rddreg [dreg:$0x0];
	s2 =	stileid.u32  }
0x48: {  	s1 =	rddreg [dreg:$0x1];
	p0 =	sne.s32 s2, $0x0  }
0x49: {  	s3 =	rddreg [dreg:$0x2];
	[bflag:$0x3] =	sbarrier.arrive $0xFFFF;
	s2 =	simm.s32 @!p0 $0x1C03  }
0x4a: {  	[timem:s3], [sflag:s2] =	dma.local @!p0 [hbm:s0], s1  }
0x4b: {  	s0 =	simm.s32 @!p0 $0x3  }
0x4c: {  	_ =	swait.ge @!p0 [sflag:s0], s1  }
0x4d: {  	s1 =	ssub.s32 @!p0 $0x0, s1;
	[sflag:s0] =	ssyncset.done @!p0 $0x0  }
0x4e: {  	[sflag:s0] =	ssyncadd.s32 @!p0 s1  }
0x4f: {  	[bflag:$0x3] =	sbarrier.arrive $0xFFFF  }
0x50: {  	_ =	shalt  }

// kernel: kernel.17.cloned.1.call-start
scs
__scs_entry_jumppad:
0x0: {  	(pc) =	sbr.rel $0x88, $3  }
0x1: {  	(tag) =	ssettag $0x0;
	lr =	simm.s32 $0x1  }
0x2: {  	[smem:$0x3F6D] =	sst lr;
	_ =	strace $0xD0000000  }
0x3: {  	_ = 	snop  }
0x4: {  	_ = 	snop  }
0x5: {  	_ = 	snop  }
0x6: {  	_ = 	snop  }
0x7: {  	_ = 	snop  }
__scs_overlays_trampoline_lowered:
0x8: {  	[smem:$0x3F7C] =	sst s0  }
0x9: {  	[smem:$0x3F7D] =	sst s1  }
0xa: {  	[smem:$0x3F7E] =	sst s2  }
0xb: {  	[smem:$0x3F7F] =	sst s3  }
0xc: {  	[smem:$0x3F80] =	sst s4  }
0xd: {  	[smem:$0x3F81] =	sst s5  }
0xe: {  	[smem:$0x3F82] =	sst s6  }
0xf: {  	[smem:$0x3F83] =	sst s7  }
0x10: {  	[smem:$0x3F84] =	sst s8  }
0x11: {  	[smem:$0x3F85] =	sst s9;
	s0 =	simm.s32 @!p0 $0x0  }
0x12: {  	s1 =	sld [smem:$0x3F6B];
	s0 =	simm.s32 @p0 $0x1  }
0x13: {  	[smem:$0x3F86] =	sst s0;
	s0 =	simm.s32 @!p1 $0x0  }
0x14: {  	s2 =	sld [smem:$0x3F6A];
	s0 =	simm.s32 @p1 $0x1  }
0x15: {  	[smem:$0x3F87] =	sst s0;
	s0 =	simm.s32 @!p2 $0x0  }
0x16: {  	s3 =	sld [smem:$0x3FDB];
	s0 =	simm.s32 @p2 $0x1  }
0x17: {  	s4 =	simm.s32 $0x1BF5;
	[smem:$0x3F89] =	sst s0  }
0x18: {  	s0 =	sld [smem:$0x3F6C];
	_ =	swait.ge [sflag:s4], $0x0  }
0x19: {  	s7 =	sld [smem:$0x3F6D]  }
0x1a: {  	s8 =	sadd.s32 $0xFFFFE003, lr  }
0x1b: {  	s9 =	sadd.s32 $0xFFFFFEF7, lr;
	s5 =	simm.s32 $0xFFFFFFFF;
	p2 =	slt.u32 s8, $0xFFFFF086  }
0x1c: {  	p1 =	slt.u32 s9, $0xF7A;
	s5 =	simm.s32 @!p2 $0x0  }
0x1d: {  	s5 =	simm.s32 @p1 $0x1;
	p0 =	seq.s32 s7, s2  }
0x1e: {  	s7 =	smul.u32 @!p0 $0xF7A, s2;
	p2 =	seq.s32 @!p0 s5, $0x0  }
0x1f: {  	s9 =	smul.u32 $0xF7A, s1;
	s8 =	simm.s32 @!p0 $0x1BF5;
	p2 =	por !p2, p0  }
0x20: {  	[sflag:s8] =	ssyncset.s32 @!p0 $0xFFFFF086;
	s6 =	sadd.s32 @!p0 s3, s7;
	s7 =	simm.s32 @!p0 $0x108  }
0x21: {  	s3 =	sadd.s32 s3, s9;
	s6 =	sadd.s32 @!p0 $0x88, s6;
	s7 =	simm.s32 @p2 $0x1082  }
0x22: {  	[simem:s7], [sflag:s8] =	dma.local @!p0 [hbm:s6], $0xF7A  }
0x23: {  	s9 =	sor.u32 $0xD0000000, s2;
	s6 =	simm.s32 $0x108;
	_ =	swait.ge @!p0 [sflag:s8], $0x0  }
0x24: {  	s3 =	sadd.s32 $0x88, s3;
	s6 =	simm.s32 @!p1 $0x1082;
	[sflag:s4] =	ssyncset.s32 $0xFFFFF086  }
0x25: {  	[simem:s6], [sflag:s4] =	dma.local [hbm:s3], $0xF7A  }
0x26: {  	[smem:$0x3F6D] =	sst s1;
	(tag) =	ssettag s2;
	_ =	strace s9  }
0x27: {  	s1 =	sld [smem:$0x3F7D]  }
0x28: {  	s2 =	sld [smem:$0x3F7E]  }
0x29: {  	s4 =	sld [smem:$0x3F80]  }
0x2a: {  	p0 =	seq.s32 s5, $0x0;
	s5 =	sld [smem:$0x3F81]  }
0x2b: {  	s6 =	sld [smem:$0x3F82]  }
0x2c: {  	s7 =	sld [smem:$0x3F83]  }
0x2d: {  	s3 =	simm.s32 $0x108;
	s8 =	sld [smem:$0x3F84]  }
0x2e: {  	s3 =	simm.s32 @!p0 $0x1082;
	s9 =	sld [smem:$0x3F85]  }
0x2f: {  	lr =	sadd.s32 s0, s3;
	s0 =	sld [smem:$0x3F7C]  }
0x30: {  	s3 =	sld [smem:$0x3F7F]  }
0x31: {  	[smem:$0x3F88] =	sst s10  }
0x32: {  	s10 =	sld [smem:$0x3F86];
	_ =	sdelay $0x3  }
0x33: {  	p0 =	seq.s32 s10, $0x1;
	s10 =	sld [smem:$0x3F88];
	_ =	sdelay $0x3  }
0x34: {  	[smem:$0x3F88] =	sst s10  }
0x35: {  	s10 =	sld [smem:$0x3F87];
	_ =	sdelay $0x3  }
0x36: {  	p1 =	seq.s32 s10, $0x1;
	s10 =	sld [smem:$0x3F88];
	_ =	sdelay $0x3  }
0x37: {  	[smem:$0x3F88] =	sst s10  }
0x38: {  	s10 =	sld [smem:$0x3F89]  }
0x39: {  	_ = 	snop;
	(pc) =	sbr.ind lr, $3  }
0x3a: {  	_ = 	snop  }
0x3b: {  	_ = 	snop  }
0x3c: {  	p2 =	seq.s32 s10, $0x1;
	s10 =	sld [smem:$0x3F88]  }
0x3d: {  	_ =	shalt  }
0x3e: {  	_ =	shalt  }
0x3f: {  	_ =	shalt  }
0x40: {  	_ =	shalt  }
0x41: {  	_ =	shalt  }
0x42: {  	_ =	shalt  }
0x43: {  	_ =	shalt  }
0x44: {  	_ =	shalt  }
0x45: {  	_ =	shalt  }
0x46: {  	_ =	shalt  }
0x47: {  	_ =	shalt  }
0x48: {  	_ =	shalt  }
0x49: {  	_ =	shalt  }
0x4a: {  	_ =	shalt  }
0x4b: {  	_ =	shalt  }
0x4c: {  	_ =	shalt  }
0x4d: {  	_ =	shalt  }
0x4e: {  	_ =	shalt  }
0x4f: {  	_ =	shalt  }
0x50: {  	_ =	shalt  }
0x51: {  	_ =	shalt  }
0x52: {  	_ =	shalt  }
0x53: {  	_ =	shalt  }
0x54: {  	_ =	shalt  }
0x55: {  	_ =	shalt  }
0x56: {  	_ =	shalt  }
0x57: {  	_ =	shalt  }
0x58: {  	_ =	shalt  }
0x59: {  	_ =	shalt  }
0x5a: {  	_ =	shalt  }
0x5b: {  	_ =	shalt  }
0x5c: {  	_ =	shalt  }
0x5d: {  	_ =	shalt  }
0x5e: {  	_ =	shalt  }
0x5f: {  	_ =	shalt  }
0x60: {  	_ =	shalt  }
0x61: {  	_ =	shalt  }
0x62: {  	_ =	shalt  }
0x63: {  	_ =	shalt  }
0x64: {  	_ =	shalt  }
0x65: {  	_ =	shalt  }
0x66: {  	_ =	shalt  }
0x67: {  	_ =	shalt  }
0x68: {  	_ =	shalt  }
0x69: {  	_ =	shalt  }
0x6a: {  	_ =	shalt  }
0x6b: {  	_ =	shalt  }
0x6c: {  	_ =	shalt  }
0x6d: {  	_ =	shalt  }
0x6e: {  	_ =	shalt  }
0x6f: {  	_ =	shalt  }
0x70: {  	_ =	shalt  }
0x71: {  	_ =	shalt  }
0x72: {  	_ =	shalt  }
0x73: {  	_ =	shalt  }
0x74: {  	_ =	shalt  }
0x75: {  	_ =	shalt  }
0x76: {  	_ =	shalt  }
0x77: {  	_ =	shalt  }
0x78: {  	_ =	shalt  }
0x79: {  	_ =	shalt  }
0x7a: {  	_ =	shalt  }
0x7b: {  	_ =	shalt  }
0x7c: {  	_ =	shalt  }
0x7d: {  	_ =	shalt  }
0x7e: {  	_ =	shalt  }
0x7f: {  	_ =	shalt  }
0x80: {  	_ =	shalt  }
0x81: {  	_ =	shalt  }
0x82: {  	_ =	shalt  }
0x83: {  	_ =	shalt  }
0x84: {  	_ =	shalt  }
0x85: {  	_ =	shalt  }
0x86: {  	_ =	shalt  }
0x87: {  	_ =	shalt  }
.Lfunc_end0:
.L_simem_size_0:
called_computation.2_lowered:
.L_overlay_start_0:
0x88: {  	s2 =	sld [smem:$0x3FD9]  }
0x89: {  	s3 =	sld [smem:$0x3FFE];
	_ =	sdelay $0x1  }
0x8a: {  	s1 =	srdreg.scid  }
0x8b: {  	s0 =	sand.u32 $0x1, s1  }
0x8c: {  	s16 =	sshll.u32 s0, $0xA;
	s2 =	sadd.s32 s3, s2  }
0x8d: {  	s2 =	sadd.s32 s2, s16  }
0x8e: {  	[smem:$0x3F94] =	sst s2  }
0x8f: {  	_ = 	snop  }
0x90: {  	(tm) =	ssettm $0x1  }
0x91: {  	s17 =	sld [smem:$0x3FFB];
	_ =	sdelay $0x3  }
0x92: {  	_ =	strace s17  }
0x93: {  	s2 =	sld [smem:$0x3FFC];
	_ =	sdelay $0x3  }
0x94: {  	_ =	strace s2  }
0x95: {  	s2 =	sld [smem:$0x3FFD];
	_ =	sdelay $0x3  }
0x96: {  	_ =	strace s2  }
0x97: {  	_ =	strace $0x8FFFFFFF  }
0x98: {  	s18 =	sld [smem:$0x3FDB];
	_ =	sdelay $0x1  }
0x99: {  	s19 =	simm.s32 $_scs_section_size  }
0x9a: {  	s4 =	simm.s32 $_size__tile_overlayer_lowered;
	s5 =	simm.s32 $_tile_overlayer_lowered  }
0x9b: {  	s22 =	simm.s32 $0x1BFF;
	s21 =	sshll.u32 s5, $0x1;
	s2 =	sadd.s32 s19, s18  }
0x9c: {  	s6 =	simm.s32 $0x0;
	s20 =	sshll.u32 s4, $0x1;
	s4 =	sadd.s32 s21, s2  }
0x9d: {  	[timem:s6], [sflag:s22] =	dma.local [hbm:s4], s20  }
0x9e: {  	_ =	swait.ge [sflag:s22], s20  }
0x9f: {  	s3 =	ssub.s32 $0x0, s20;
	[sflag:s22] =	ssyncset.done $0x0  }
0xa0: {  	[sflag:s22] =	ssyncadd.s32 s3;
	_ =	sdelay $0x1  }
0xa1: {  	s23 =	simm.s32 $0x1B8B  }
0xa2: {  	_ =	swait.ge [sflag:s23], $0x1  }
0xa3: {  	[sflag:s23] =	ssyncset.done $0x0  }
0xa4: {  	s25 =	simm.s32 $0x1B8E;
	s24 =	sld [smem:$0x3FFE];
	[sflag:s23] =	ssyncadd.s32 $0xFFFFFFFF  }
0xa5: {  	s26 =	simm.s32 $execute0_lowered;
	[smem:$0x3FD2] =	sst s25  }
0xa6: {  	s4 =	sshll.u32 s26, $0x1;
	_ =	strace $0x80000049;
	[dreg:$0x1] =	wrdreg $0xFFFFFFFF  }
0xa7: {  	s28 =	simm.s32 $_size_execute0_lowered;
	s2 =	sadd.s32 s2, s4;
	[dreg:$0x0] =	wrdreg $0x0  }
0xa8: {  	s4 =	sshll.u32 s28, $0x1;
	[dreg:$0x2] =	wrdreg s2  }
0xa9: {  	[dreg:$0x3] =	wrdreg s4  }
0xaa: {  	[dreg:$0x4] =	wrdreg $0xC0  }
0xab: {  	_ =	task [dreg:s6], $0x5FFFF  }
0xac: {  	[dreg:$0x1] =	wrdreg $0xFFFFFFFF  }
0xad: {  	[dreg:$0x0] =	wrdreg $0x60  }
0xae: {  	[dreg:$0x2] =	wrdreg s24  }
0xaf: {  	[dreg:$0x3] =	wrdreg $0xA  }
0xb0: {  	_ =	task.clear_ibuf [dreg:s6], $0x4FFFF;
	_ =	strace $0x90000049  }
0xb1: {  	s29 =	simm.s32 $0xA;
	_ =	strace $0x8000004B  }
0xb2: {  	_ =	swait.ge [sflag:s29], $0x1  }
0xb3: {  	[sflag:s29] =	ssyncadd.s32 $0xFFFFFFFF  }
0xb4: {  	_ =	strace $0x9000004B  }
0xb5: {  	_ =	sfence  }
0xb6: {  	s30 =	sld [smem:$0x0];
	_ =	sdelay $0x2  }
0xb7: {  	s31 =	sshll.u32 s1, $0xD;
	s1 =	sshrl.u32 s1, $0x2  }
0xb8: {  	s3 =	sand.u32 $0x4000, s31;
	s1 =	sadd.s32 s1, s30  }
0xb9: {  	s0 =	sor.u32 s3, s0;
	s1 =	sshll.u32 s1, $0x11  }
0xba: {  	s0 =	sor.u32 s1, s0  }
0xbb: {  	s0 =	sadd.s32 $0x8F2B, s0  }
0xbc: {  	[sflag:s0] =	ssyncadd.remote.s32 $0x1  }
0xbd: {  	_ =	sfence.sel $0xFFFF  }
0xbe: {  	[dreg:$0x0] =	wrdreg $0xFFFFFFFF;
	(pc) =	sbr.abs _section_cstart, $3  }
0xbf: {  	[dreg:$0x1] =	wrdreg $0xFFFFFFFF  }
0xc0: {  	_ =	task.clear_ibuf [dreg:s6], $0x2FFFF;
	_ =	strace $0x9FFFFFFF  }
0xc1: {  	(tm) =	ssettm $0x7FFFFFFF  }
tec
execute0_lowered:
.L_overlay_start_1:
0x0: {  	(tag) =	ssettag $0x1  }
0x1: {  	s1 =	srdreg.scid;
	s0 =	stileid.u32  }
0x2: {  	s5 =	rddreg [dreg:$0x0];
	s2 =	simm.s32 $0x0;
	s14 =	simm.s32 $0x0  }
0x3: {  	s4 =	sand.u32 $0x1, s1;
	s1 =	rddreg [dreg:$0x1];
	s8 =	smul.u32 $0xD0000, s0  }
0x4: {  	s26 =	sshll.u32 s0, $0x1;
	[smem:$0x7FF] =	sst s2;
	s11 =	smul.u32 $0x1A00, s0  }
0x5: {  	s9 =	sadd.s32 $0x7A00, s5;
	s12 =	sadd.s32 $0x24E00, s5;
	s13 =	smul.u32 $0xD00, s4  }
0x6: {  	s3 =	sor.u32 s4, s26;
	s10 =	ssub.s32 $0x2, s4;
	s29 =	smul.u32 $0x68000, s4  }
0x7: {  	_ =	strace $0x8000004A;
	s6 =	smul.u32 $0xD00, s3;
	s28 =	sshrl.u32 s10, $0x1  }
0x8: {  	s7 =	smul.u32 $0x68000, s3;
	s3 =	sadd.s32 $0xAE00, s5;
	s5 =	ssub.s32 s10, s28  }
0x9: {  	s30 =	sadd.s32 s13, s11;
	s8 =	sadd.s32 s29, s8;
	s10 =	simm.s32 $0x80  }
0xa: {  	s11 =	simm.s32 $0x100;
	s13 =	simm.s32 $0x4100;
	s6 =	sshrl.u32 s6, $0x3  }
0xb: {  	s5 =	smax.u32 s5, $0x1;
	s7 =	sshrl.u32 s7, $0x3;
	s8 =	sshrl.u32 s8, $0x3  }
0xc: {  	s4 =	sadd.s32 s9, s6;
	s6 =	sor.u32 $0x80, s30;
	s7 =	sadd.s32 s12, s7  }
0xd: {  	s31 =	sshrl.u32 s6, $0x3;
	s6 =	sadd.s32 $0xC800, s7;
	s7 =	sadd.s32 s8, s12  }
0xe: {  	s12 =	simm.s32 $0x2;
	s8 =	sadd.s32 s31, s9;
	s9 =	simm.s32 $0x3  }
.LBB2_1:
0xf: {  	[tilespmem:s2], [sflag:$0x3] =	stream.linear.gather [hbm4b:s4+s2], $0x80, $0x38;
	[tilespmem:$0x8100] =	vst v63  }
0x10: {  	_ =	swait.ge [sflag:s9], $0x80  }
0x11: {  	s15 =	simm.s32 $0x1;
	[sflag:s9] =	ssyncset.done $0x0  }
0x12: {  	s15 =	sand.u32 $0x1, s15;
	[sflag:s9] =	ssyncadd.s32 $0xFFFFFF80  }
0x13: {  	[tilespmem:s11], [sflag:$0x1] =	stream.indirect.gather [hbm4b:s3+s10], $0x80, s2, s10, $0xb8;
	[tilespmem:$0x8100] =	vst v63  }
0x14: {  	s18 =	simm.s32 $0x0;
	s16 =	sshll.u32 s15, $0x7  }
0x15: {  	[tilespmem:s16], [sflag:$0x3] =	stream.linear.gather [hbm4b:s8+s2], $0x80, $0x38;
	[tilespmem:$0x8100] =	vst v63  }
0x16: {  	s18 =	sand.u32 $0x1, s18;
	_ =	swait.ge [sflag:s9], $0x80  }
0x17: {  	s17 =	sadd.s32 $0x1, s15;
	s15 =	sshll.u32 s15, $0xE;
	[sflag:s9] =	ssyncset.done $0x0  }
0x18: {  	s19 =	sadd.s32 $0x1, s18;
	s15 =	sor.u32 $0x100, s15;
	[sflag:s9] =	ssyncadd.s32 $0xFFFFFF80  }
0x19: {  	[tilespmem:s15], [sflag:s17] =	stream.indirect.gather [hbm4b:s3+s10], $0x80, s16, s10, $0xb8;
	[tilespmem:$0x8100] =	vst v63  }
0x1a: {  	s31 =	sshll.u32 s18, $0xE;
	_ =	swait.ge [sflag:s19], $0x4000  }
0x1b: {  	s15 =	sor.u32 $0x100, s31;
	s17 =	simm.s32 $0x2;
	[sflag:s19] =	ssyncset.done $0x0  }
0x1c: {  	s16 =	sadd.s32 $0x10, s8;
	s18 =	sand.u32 $0x1, s17;
	[sflag:s19] =	ssyncadd.s32 $0xFFFFC000  }
0x1d: {  	[hbm4b:s7+s2] =	stream.linear.scatter [tilespmem:s15], [sflag:$0x3], $0x4000, $0x38;
	[tilespmem:$0x8100] =	vst v63  }
0x1e: {  	s19 =	simm.s32 $0x3;
	s15 =	sadd.s32 $0x800, s7;
	_ =	swait.ge [sflag:s9], $0x4000  }
.LBB2_2:
0x1f: {  	s20 =	sshll.u32 s18, $0x7  }
0x20: {  	[sflag:s9] =	ssyncset.done $0x0;
	s21 =	smov.u32 s19;
	s22 =	sadd.s32 $0x1, s19  }
0x21: {  	p0 =	sne.s32 s19, $0x19;
	s19 =	sadd.s32 $0x1, s18;
	[sflag:s9] =	ssyncadd.s32 $0xFFFFC000  }
0x22: {  	[tilespmem:s20], [sflag:$0x3] =	stream.linear.gather [hbm4b:s16+s2], $0x80, $0x38;
	[tilespmem:$0x8100] =	vst v63  }
0x23: {  	s17 =	sadd.s32 $0xFFFFFFFF, s17;
	s18 =	sshll.u32 s18, $0xE;
	_ =	swait.ge [sflag:s9], $0x80  }
0x24: {  	s17 =	sand.u32 $0x1, s17;
	s18 =	sor.u32 $0x100, s18;
	[sflag:s9] =	ssyncset.done $0x0  }
0x25: {  	s23 =	sadd.s32 $0x1, s17;
	s24 =	sshll.u32 s17, $0xE;
	[sflag:s9] =	ssyncadd.s32 $0xFFFFFF80  }
0x26: {  	[tilespmem:s18], [sflag:s19] =	stream.indirect.gather [hbm4b:s3+s10], $0x80, s20, s10, $0xb8;
	[tilespmem:$0x8100] =	vst v63  }
.Ltmp0:
0x27: {  	s17 =	smov.u32 s21;
	_ =	swait.ge [sflag:s23], $0x4000;
	(pc) =	sbr.rel @p0 .LBB2_2-.Ltmp0, $4  }
0x28: {  	s18 =	sor.u32 $0x100, s24;
	[sflag:s23] =	ssyncset.done $0x0  }
0x29: {  	s16 =	sadd.s32 $0x10, s16;
	s19 =	smov.u32 s22;
	[sflag:s23] =	ssyncadd.s32 $0xFFFFC000  }
0x2a: {  	[hbm4b:s15+s2] =	stream.linear.scatter [tilespmem:s18], [sflag:$0x3], $0x4000, $0x38;
	[tilespmem:$0x8100] =	vst v63  }
0x2b: {  	s18 =	sand.u32 $0x1, s17;
	s15 =	sadd.s32 $0x800, s15;
	_ =	swait.ge [sflag:s9], $0x4000  }
0x2c: {  	[sflag:s9] =	ssyncset.done $0x0  }
0x2d: {  	s19 =	sshll.u32 s18, $0x7;
	[sflag:s9] =	ssyncadd.s32 $0xFFFFC000  }
0x2e: {  	[tilespmem:s19], [sflag:$0x3] =	stream.linear.gather [hbm4b:s16+s2], $0x80, $0x38;
	[tilespmem:$0x8100] =	vst v63  }
0x2f: {  	s29 =	sadd.s32 $0x1, s18;
	s17 =	sadd.s32 $0xFFFFFFFF, s17;
	_ =	swait.ge [sflag:s9], $0x80  }
0x30: {  	s30 =	sshll.u32 s18, $0xE;
	s17 =	sand.u32 $0x1, s17;
	[sflag:s9] =	ssyncset.done $0x0  }
0x31: {  	s18 =	sor.u32 $0x100, s30;
	s20 =	sadd.s32 $0x1, s17;
	[sflag:s9] =	ssyncadd.s32 $0xFFFFFF80  }
0x32: {  	[tilespmem:s18], [sflag:s29] =	stream.indirect.gather [hbm4b:s3+s10], $0x80, s19, s10, $0xb8;
	[tilespmem:$0x8100] =	vst v63  }
0x33: {  	_ =	swait.ge [sflag:s20], $0x4000  }
0x34: {  	s31 =	sshll.u32 s17, $0xE;
	[sflag:s20] =	ssyncset.done $0x0  }
0x35: {  	s16 =	sor.u32 $0x100, s31;
	[sflag:s20] =	ssyncadd.s32 $0xFFFFC000  }
0x36: {  	[hbm4b:s15+s2] =	stream.linear.scatter [tilespmem:s16], [sflag:$0x3], $0x4000, $0x38;
	[tilespmem:$0x8100] =	vst v63  }
0x37: {  	_ =	swait.ge [sflag:s9], $0x4000  }
0x38: {  	[sflag:s9] =	ssyncset.done $0x0  }
0x39: {  	[sflag:s9] =	ssyncadd.s32 $0xFFFFC000  }
0x3a: {  	s14 =	sadd.s32 $0x1, s14;
	_ =	swait.ge [sflag:s12], $0x4000  }
0x3b: {  	p0 =	sne.s32 s14, s5;
	[sflag:s12] =	ssyncset.done $0x0  }
.Ltmp1:
0x3c: {  	[sflag:s12] =	ssyncadd.s32 $0xFFFFC000;
	(pc) =	sbr.rel @p0 .LBB2_1-.Ltmp1, $4  }
0x3d: {  	[hbm4b:s6+s2] =	stream.linear.scatter [tilespmem:s13], [sflag:$0x3], $0x4000, $0x38;
	[tilespmem:$0x8100] =	vst v63  }
0x3e: {  	_ =	swait.ge [sflag:s9], $0x4000  }
0x3f: {  	[sflag:s9] =	ssyncset.done $0x0  }
0x40: {  	[sflag:s9] =	ssyncadd.s32 $0xFFFFC000  }
0x41: {  	_ =	sfence.sel $0x180000  }
0x42: {  	[bflag:$0x0] =	sbarrier.arrive $0xFFFF  }
0x43: {  	p0 =	sne.s32 s0, $0x0;
	_ =	strace $0x9000004A  }
0x44: {  	s0 =	sadd.s32 @!p0 $0x100000, s1;
	[bflag:$0x2] =	sbarrier.arrive $0xFFFF  }
0x45: {  	[sflag:s0] =	ssyncadd.tile.s32 @!p0 $0x1;
	_ =	shalt  }
.Lfunc_end2:
_tile_overlayer_lowered:
.L_overlay_start_2:
0x46: {  	(tag) =	ssettag $0x2  }
0x47: {  	s0 =	rddreg [dreg:$0x0];
	s2 =	stileid.u32  }
0x48: {  	s1 =	rddreg [dreg:$0x1];
	p0 =	sne.s32 s2, $0x0  }
0x49: {  	s3 =	rddreg [dreg:$0x2];
	[bflag:$0x3] =	sbarrier.arrive $0xFFFF;
	s2 =	simm.s32 @!p0 $0x1C03  }
0x4a: {  	[timem:s3], [sflag:s2] =	dma.local @!p0 [hbm:s0], s1  }
0x4b: {  	s0 =	simm.s32 @!p0 $0x3  }
0x4c: {  	_ =	swait.ge @!p0 [sflag:s0], s1  }
0x4d: {  	s1 =	ssub.s32 @!p0 $0x0, s1;
	[sflag:s0] =	ssyncset.done @!p0 $0x0  }
0x4e: {  	[sflag:s0] =	ssyncadd.s32 @!p0 s1  }
0x4f: {  	[bflag:$0x3] =	sbarrier.arrive $0xFFFF  }
0x50: {  	_ =	shalt  }

// kernel: kernel.20.cloned.1.call-start
scs
__scs_entry_jumppad:
0x0: {  	(pc) =	sbr.rel $0x88, $3  }
0x1: {  	(tag) =	ssettag $0x0;
	lr =	simm.s32 $0x1  }
0x2: {  	[smem:$0x3F6D] =	sst lr;
	_ =	strace $0xD0000000  }
0x3: {  	_ = 	snop  }
0x4: {  	_ = 	snop  }
0x5: {  	_ = 	snop  }
0x6: {  	_ = 	snop  }
0x7: {  	_ = 	snop  }
__scs_overlays_trampoline_lowered:
0x8: {  	[smem:$0x3F7C] =	sst s0  }
0x9: {  	[smem:$0x3F7D] =	sst s1  }
0xa: {  	[smem:$0x3F7E] =	sst s2  }
0xb: {  	[smem:$0x3F7F] =	sst s3  }
0xc: {  	[smem:$0x3F80] =	sst s4  }
0xd: {  	[smem:$0x3F81] =	sst s5  }
0xe: {  	[smem:$0x3F82] =	sst s6  }
0xf: {  	[smem:$0x3F83] =	sst s7  }
0x10: {  	[smem:$0x3F84] =	sst s8  }
0x11: {  	[smem:$0x3F85] =	sst s9;
	s0 =	simm.s32 @!p0 $0x0  }
0x12: {  	s1 =	sld [smem:$0x3F6B];
	s0 =	simm.s32 @p0 $0x1  }
0x13: {  	[smem:$0x3F86] =	sst s0;
	s0 =	simm.s32 @!p1 $0x0  }
0x14: {  	s2 =	sld [smem:$0x3F6A];
	s0 =	simm.s32 @p1 $0x1  }
0x15: {  	[smem:$0x3F87] =	sst s0;
	s0 =	simm.s32 @!p2 $0x0  }
0x16: {  	s3 =	sld [smem:$0x3FDB];
	s0 =	simm.s32 @p2 $0x1  }
0x17: {  	s4 =	simm.s32 $0x1BF5;
	[smem:$0x3F89] =	sst s0  }
0x18: {  	s0 =	sld [smem:$0x3F6C];
	_ =	swait.ge [sflag:s4], $0x0  }
0x19: {  	s7 =	sld [smem:$0x3F6D]  }
0x1a: {  	s8 =	sadd.s32 $0xFFFFE003, lr  }
0x1b: {  	s9 =	sadd.s32 $0xFFFFFEF7, lr;
	s5 =	simm.s32 $0xFFFFFFFF;
	p2 =	slt.u32 s8, $0xFFFFF086  }
0x1c: {  	p1 =	slt.u32 s9, $0xF7A;
	s5 =	simm.s32 @!p2 $0x0  }
0x1d: {  	s5 =	simm.s32 @p1 $0x1;
	p0 =	seq.s32 s7, s2  }
0x1e: {  	s7 =	smul.u32 @!p0 $0xF7A, s2;
	p2 =	seq.s32 @!p0 s5, $0x0  }
0x1f: {  	s9 =	smul.u32 $0xF7A, s1;
	s8 =	simm.s32 @!p0 $0x1BF5;
	p2 =	por !p2, p0  }
0x20: {  	[sflag:s8] =	ssyncset.s32 @!p0 $0xFFFFF086;
	s6 =	sadd.s32 @!p0 s3, s7;
	s7 =	simm.s32 @!p0 $0x108  }
0x21: {  	s3 =	sadd.s32 s3, s9;
	s6 =	sadd.s32 @!p0 $0x88, s6;
	s7 =	simm.s32 @p2 $0x1082  }
0x22: {  	[simem:s7], [sflag:s8] =	dma.local @!p0 [hbm:s6], $0xF7A  }
0x23: {  	s9 =	sor.u32 $0xD0000000, s2;
	s6 =	simm.s32 $0x108;
	_ =	swait.ge @!p0 [sflag:s8], $0x0  }
0x24: {  	s3 =	sadd.s32 $0x88, s3;
	s6 =	simm.s32 @!p1 $0x1082;
	[sflag:s4] =	ssyncset.s32 $0xFFFFF086  }
0x25: {  	[simem:s6], [sflag:s4] =	dma.local [hbm:s3], $0xF7A  }
0x26: {  	[smem:$0x3F6D] =	sst s1;
	(tag) =	ssettag s2;
	_ =	strace s9  }
0x27: {  	s1 =	sld [smem:$0x3F7D]  }
0x28: {  	s2 =	sld [smem:$0x3F7E]  }
0x29: {  	s4 =	sld [smem:$0x3F80]  }
0x2a: {  	p0 =	seq.s32 s5, $0x0;
	s5 =	sld [smem:$0x3F81]  }
0x2b: {  	s6 =	sld [smem:$0x3F82]  }
0x2c: {  	s7 =	sld [smem:$0x3F83]  }
0x2d: {  	s3 =	simm.s32 $0x108;
	s8 =	sld [smem:$0x3F84]  }
0x2e: {  	s3 =	simm.s32 @!p0 $0x1082;
	s9 =	sld [smem:$0x3F85]  }
0x2f: {  	lr =	sadd.s32 s0, s3;
	s0 =	sld [smem:$0x3F7C]  }
0x30: {  	s3 =	sld [smem:$0x3F7F]  }
0x31: {  	[smem:$0x3F88] =	sst s10  }
0x32: {  	s10 =	sld [smem:$0x3F86];
	_ =	sdelay $0x3  }
0x33: {  	p0 =	seq.s32 s10, $0x1;
	s10 =	sld [smem:$0x3F88];
	_ =	sdelay $0x3  }
0x34: {  	[smem:$0x3F88] =	sst s10  }
0x35: {  	s10 =	sld [smem:$0x3F87];
	_ =	sdelay $0x3  }
0x36: {  	p1 =	seq.s32 s10, $0x1;
	s10 =	sld [smem:$0x3F88];
	_ =	sdelay $0x3  }
0x37: {  	[smem:$0x3F88] =	sst s10  }
0x38: {  	s10 =	sld [smem:$0x3F89]  }
0x39: {  	_ = 	snop;
	(pc) =	sbr.ind lr, $3  }
0x3a: {  	_ = 	snop  }
0x3b: {  	_ = 	snop  }
0x3c: {  	p2 =	seq.s32 s10, $0x1;
	s10 =	sld [smem:$0x3F88]  }
0x3d: {  	_ =	shalt  }
0x3e: {  	_ =	shalt  }
0x3f: {  	_ =	shalt  }
0x40: {  	_ =	shalt  }
0x41: {  	_ =	shalt  }
0x42: {  	_ =	shalt  }
0x43: {  	_ =	shalt  }
0x44: {  	_ =	shalt  }
0x45: {  	_ =	shalt  }
0x46: {  	_ =	shalt  }
0x47: {  	_ =	shalt  }
0x48: {  	_ =	shalt  }
0x49: {  	_ =	shalt  }
0x4a: {  	_ =	shalt  }
0x4b: {  	_ =	shalt  }
0x4c: {  	_ =	shalt  }
0x4d: {  	_ =	shalt  }
0x4e: {  	_ =	shalt  }
0x4f: {  	_ =	shalt  }
0x50: {  	_ =	shalt  }
0x51: {  	_ =	shalt  }
0x52: {  	_ =	shalt  }
0x53: {  	_ =	shalt  }
0x54: {  	_ =	shalt  }
0x55: {  	_ =	shalt  }
0x56: {  	_ =	shalt  }
0x57: {  	_ =	shalt  }
0x58: {  	_ =	shalt  }
0x59: {  	_ =	shalt  }
0x5a: {  	_ =	shalt  }
0x5b: {  	_ =	shalt  }
0x5c: {  	_ =	shalt  }
0x5d: {  	_ =	shalt  }
0x5e: {  	_ =	shalt  }
0x5f: {  	_ =	shalt  }
0x60: {  	_ =	shalt  }
0x61: {  	_ =	shalt  }
0x62: {  	_ =	shalt  }
0x63: {  	_ =	shalt  }
0x64: {  	_ =	shalt  }
0x65: {  	_ =	shalt  }
0x66: {  	_ =	shalt  }
0x67: {  	_ =	shalt  }
0x68: {  	_ =	shalt  }
0x69: {  	_ =	shalt  }
0x6a: {  	_ =	shalt  }
0x6b: {  	_ =	shalt  }
0x6c: {  	_ =	shalt  }
0x6d: {  	_ =	shalt  }
0x6e: {  	_ =	shalt  }
0x6f: {  	_ =	shalt  }
0x70: {  	_ =	shalt  }
0x71: {  	_ =	shalt  }
0x72: {  	_ =	shalt  }
0x73: {  	_ =	shalt  }
0x74: {  	_ =	shalt  }
0x75: {  	_ =	shalt  }
0x76: {  	_ =	shalt  }
0x77: {  	_ =	shalt  }
0x78: {  	_ =	shalt  }
0x79: {  	_ =	shalt  }
0x7a: {  	_ =	shalt  }
0x7b: {  	_ =	shalt  }
0x7c: {  	_ =	shalt  }
0x7d: {  	_ =	shalt  }
0x7e: {  	_ =	shalt  }
0x7f: {  	_ =	shalt  }
0x80: {  	_ =	shalt  }
0x81: {  	_ =	shalt  }
0x82: {  	_ =	shalt  }
0x83: {  	_ =	shalt  }
0x84: {  	_ =	shalt  }
0x85: {  	_ =	shalt  }
0x86: {  	_ =	shalt  }
0x87: {  	_ =	shalt  }
.Lfunc_end0:
.L_simem_size_0:
called_computation.3_lowered:
.L_overlay_start_0:
0x88: {  	s2 =	sld [smem:$0x3FD9]  }
0x89: {  	s3 =	sld [smem:$0x3FFE];
	_ =	sdelay $0x1  }
0x8a: {  	s1 =	srdreg.scid  }
0x8b: {  	s0 =	sand.u32 $0x1, s1  }
0x8c: {  	s17 =	sshll.u32 s0, $0xA;
	s2 =	sadd.s32 s3, s2  }
0x8d: {  	s2 =	sadd.s32 s2, s17  }
0x8e: {  	[smem:$0x3F94] =	sst s2  }
0x8f: {  	_ = 	snop  }
0x90: {  	(tm) =	ssettm $0x1  }
0x91: {  	s18 =	sld [smem:$0x3FFB];
	_ =	sdelay $0x3  }
0x92: {  	_ =	strace s18  }
0x93: {  	s2 =	sld [smem:$0x3FFC];
	_ =	sdelay $0x3  }
0x94: {  	_ =	strace s2  }
0x95: {  	s2 =	sld [smem:$0x3FFD];
	_ =	sdelay $0x3  }
0x96: {  	_ =	strace s2  }
0x97: {  	_ =	strace $0x8FFFFFFF  }
0x98: {  	s19 =	sld [smem:$0x3FDB];
	_ =	sdelay $0x1  }
0x99: {  	s20 =	simm.s32 $_scs_section_size  }
0x9a: {  	s4 =	simm.s32 $_size__tile_overlayer_lowered;
	s5 =	simm.s32 $_tile_overlayer_lowered  }
0x9b: {  	s6 =	simm.s32 $0x1BFF;
	s21 =	sshll.u32 s5, $0x1;
	s3 =	sadd.s32 s20, s19  }
0x9c: {  	s22 =	simm.s32 $0x0;
	s4 =	sshll.u32 s4, $0x1;
	s5 =	sadd.s32 s21, s3  }
0x9d: {  	[timem:s22], [sflag:s6] =	dma.local [hbm:s5], s4  }
0x9e: {  	_ =	swait.ge [sflag:s6], s4  }
0x9f: {  	s4 =	ssub.s32 $0x0, s4;
	[sflag:s6] =	ssyncset.done $0x0  }
0xa0: {  	[sflag:s6] =	ssyncadd.s32 s4;
	_ =	sdelay $0x1  }
0xa1: {  	s23 =	simm.s32 $0x1B8B  }
0xa2: {  	_ =	swait.ge [sflag:s23], $0x1  }
0xa3: {  	[sflag:s23] =	ssyncset.done $0x0  }
0xa4: {  	[sflag:s23] =	ssyncadd.s32 $0xFFFFFFFF  }
0xa5: {  	s4 =	sld [smem:$0x0]  }
0xa6: {  	s5 =	sand.u32 $0xFFFFFFFE, s1  }
0xa7: {  	p0 =	sne.s32 s1, s5  }
0xa8: {  	s5 =	sshll.u32 @p0 s5, $0xE  }
0xa9: {  	s5 =	sadd.s32 @p0 $0x11B8D, s5;
	s6 =	sshll.u32 @p0 s4, $0x11  }
0xaa: {  	s5 =	sor.u32 @p0 s6, s5  }
0xab: {  	[sflag:s5] =	ssyncadd.remote.s32 @p0 $0x1;
	_ =	sdelay $0x1  }
0xac: {  	s5 =	simm.s32 @p0 $0x1B8D  }
0xad: {  	_ =	swait.eq @p0 [sflag:s5], $0x1  }
0xae: {  	[sflag:s5] =	ssyncadd.s32 @p0 $0xFFFFFFFF  }
0xaf: {  	s6 =	sshll.u32 @!p0 s1, $0xE  }
0xb0: {  	s6 =	sor.u32 @!p0 $0x4000, s6;
	s5 =	simm.s32 @!p0 $0x1B8D  }
0xb1: {  	s4 =	sshll.u32 @!p0 s4, $0x11;
	s6 =	sadd.s32 @!p0 $0x11B8D, s6;
	_ =	swait.eq @!p0 [sflag:s5], $0x1  }
0xb2: {  	s4 =	sor.u32 @!p0 s4, s6;
	[sflag:s5] =	ssyncadd.s32 @!p0 $0xFFFFFFFF  }
0xb3: {  	s25 =	simm.s32 $0x1B8E;
	s24 =	sld [smem:$0x3FFE];
	[sflag:s4] =	ssyncadd.remote.s32 @!p0 $0x1  }
0xb4: {  	s26 =	simm.s32 $execute0_lowered;
	[smem:$0x3FD2] =	sst s25  }
0xb5: {  	s5 =	sshll.u32 s26, $0x1;
	_ =	strace $0x8000004F;
	[dreg:$0x1] =	wrdreg $0xFFFFFFFF  }
0xb6: {  	s28 =	simm.s32 $_size_execute0_lowered;
	s3 =	sadd.s32 s3, s5;
	[dreg:$0x0] =	wrdreg $0x0  }
0xb7: {  	s5 =	sshll.u32 s28, $0x1;
	[dreg:$0x2] =	wrdreg s3  }
0xb8: {  	[dreg:$0x3] =	wrdreg s5  }
0xb9: {  	[dreg:$0x4] =	wrdreg $0xC0  }
0xba: {  	_ =	task [dreg:s22], $0x5FFFF  }
0xbb: {  	[dreg:$0x1] =	wrdreg $0xFFFFFFFF  }
0xbc: {  	[dreg:$0x0] =	wrdreg $0x60  }
0xbd: {  	[dreg:$0x2] =	wrdreg s24  }
0xbe: {  	[dreg:$0x3] =	wrdreg $0xA  }
0xbf: {  	_ =	task.clear_ibuf [dreg:s22], $0x4FFFF;
	_ =	strace $0x9000004F  }
0xc0: {  	s29 =	simm.s32 $0xA;
	_ =	strace $0x80000051  }
0xc1: {  	_ =	swait.ge [sflag:s29], $0x1  }
0xc2: {  	[sflag:s29] =	ssyncadd.s32 $0xFFFFFFFF  }
0xc3: {  	_ =	strace $0x90000051  }
0xc4: {  	_ =	sfence  }
0xc5: {  	s30 =	sld [smem:$0x0];
	_ =	sdelay $0x2  }
0xc6: {  	s31 =	sshll.u32 s1, $0xD;
	s1 =	sshrl.u32 s1, $0x2  }
0xc7: {  	s4 =	sand.u32 $0x4000, s31;
	s1 =	sadd.s32 s1, s30  }
0xc8: {  	s0 =	sor.u32 s4, s0;
	s1 =	sshll.u32 s1, $0x11  }
0xc9: {  	s0 =	sor.u32 s1, s0  }
0xca: {  	s0 =	sadd.s32 $0x8F2B, s0  }
0xcb: {  	[sflag:s0] =	ssyncadd.remote.s32 $0x1  }
0xcc: {  	_ =	sfence.sel $0xFFFF  }
0xcd: {  	[dreg:$0x0] =	wrdreg $0xFFFFFFFF;
	(pc) =	sbr.abs _section_cstart, $3  }
0xce: {  	[dreg:$0x1] =	wrdreg $0xFFFFFFFF  }
0xcf: {  	_ =	task.clear_ibuf [dreg:s22], $0x2FFFF;
	_ =	strace $0x9FFFFFFF  }
0xd0: {  	(tm) =	ssettm $0x7FFFFFFF  }
0xd1: {  	_ =	shalt  }
tec
execute0_lowered:
.L_overlay_start_1:
0x0: {  	(tag) =	ssettag $0x1  }
0x1: {  	s1 =	srdreg.scid;
	s0 =	stileid.u32  }
0x2: {  	s5 =	rddreg [dreg:$0x0];
	s2 =	simm.s32 $0x0;
	s14 =	simm.s32 $0x0  }
0x3: {  	s4 =	sand.u32 $0x1, s1;
	s1 =	rddreg [dreg:$0x1];
	s8 =	smul.u32 $0xD0000, s0  }
0x4: {  	s26 =	sshll.u32 s0, $0x1;
	[smem:$0x7FF] =	sst s2;
	s11 =	smul.u32 $0x1A00, s0  }
0x5: {  	s9 =	sadd.s32 $0x7A00, s5;
	s12 =	sadd.s32 $0x24E00, s5;
	s13 =	smul.u32 $0xD00, s4  }
0x6: {  	s3 =	sor.u32 s4, s26;
	s10 =	ssub.s32 $0x2, s4;
	s29 =	smul.u32 $0x68000, s4  }
0x7: {  	_ =	strace $0x80000050;
	s6 =	smul.u32 $0xD00, s3;
	s28 =	sshrl.u32 s10, $0x1  }
0x8: {  	s7 =	smul.u32 $0x68000, s3;
	s3 =	sadd.s32 $0xAE00, s5;
	s5 =	ssub.s32 s10, s28  }
0x9: {  	s30 =	sadd.s32 s13, s11;
	s8 =	sadd.s32 s29, s8;
	s10 =	simm.s32 $0x80  }
0xa: {  	s11 =	simm.s32 $0x100;
	s13 =	simm.s32 $0x4100;
	s6 =	sshrl.u32 s6, $0x3  }
0xb: {  	s5 =	smax.u32 s5, $0x1;
	s7 =	sshrl.u32 s7, $0x3;
	s8 =	sshrl.u32 s8, $0x3  }
0xc: {  	s4 =	sadd.s32 s9, s6;
	s6 =	sor.u32 $0x80, s30;
	s7 =	sadd.s32 s12, s7  }
0xd: {  	s31 =	sshrl.u32 s6, $0x3;
	s6 =	sadd.s32 $0xC800, s7;
	s7 =	sadd.s32 s8, s12  }
0xe: {  	s12 =	simm.s32 $0x2;
	s8 =	sadd.s32 s31, s9;
	s9 =	simm.s32 $0x3  }
.LBB2_1:
0xf: {  	[tilespmem:s2], [sflag:$0x3] =	stream.linear.gather [hbm4b:s4+s2], $0x80, $0x38;
	[tilespmem:$0x8100] =	vst v63  }
0x10: {  	_ =	swait.ge [sflag:s9], $0x80  }
0x11: {  	s15 =	simm.s32 $0x1;
	[sflag:s9] =	ssyncset.done $0x0  }
0x12: {  	s15 =	sand.u32 $0x1, s15;
	[sflag:s9] =	ssyncadd.s32 $0xFFFFFF80  }
0x13: {  	[tilespmem:s11], [sflag:$0x1] =	stream.indirect.gather [hbm4b:s3+s10], $0x80, s2, s10, $0xb8;
	[tilespmem:$0x8100] =	vst v63  }
0x14: {  	s18 =	simm.s32 $0x0;
	s16 =	sshll.u32 s15, $0x7  }
0x15: {  	[tilespmem:s16], [sflag:$0x3] =	stream.linear.gather [hbm4b:s8+s2], $0x80, $0x38;
	[tilespmem:$0x8100] =	vst v63  }
0x16: {  	s18 =	sand.u32 $0x1, s18;
	_ =	swait.ge [sflag:s9], $0x80  }
0x17: {  	s17 =	sadd.s32 $0x1, s15;
	s15 =	sshll.u32 s15, $0xE;
	[sflag:s9] =	ssyncset.done $0x0  }
0x18: {  	s19 =	sadd.s32 $0x1, s18;
	s15 =	sor.u32 $0x100, s15;
	[sflag:s9] =	ssyncadd.s32 $0xFFFFFF80  }
0x19: {  	[tilespmem:s15], [sflag:s17] =	stream.indirect.gather [hbm4b:s3+s10], $0x80, s16, s10, $0xb8;
	[tilespmem:$0x8100] =	vst v63  }
0x1a: {  	s31 =	sshll.u32 s18, $0xE;
	_ =	swait.ge [sflag:s19], $0x4000  }
0x1b: {  	s15 =	sor.u32 $0x100, s31;
	s17 =	simm.s32 $0x2;
	[sflag:s19] =	ssyncset.done $0x0  }
0x1c: {  	s16 =	sadd.s32 $0x10, s8;
	s18 =	sand.u32 $0x1, s17;
	[sflag:s19] =	ssyncadd.s32 $0xFFFFC000  }
0x1d: {  	[hbm4b:s7+s2] =	stream.linear.scatter [tilespmem:s15], [sflag:$0x3], $0x4000, $0x38;
	[tilespmem:$0x8100] =	vst v63  }
0x1e: {  	s19 =	simm.s32 $0x3;
	s15 =	sadd.s32 $0x800, s7;
	_ =	swait.ge [sflag:s9], $0x4000  }
.LBB2_2:
0x1f: {  	s20 =	sshll.u32 s18, $0x7  }
0x20: {  	[sflag:s9] =	ssyncset.done $0x0;
	s21 =	smov.u32 s19;
	s22 =	sadd.s32 $0x1, s19  }
0x21: {  	p0 =	sne.s32 s19, $0x19;
	s19 =	sadd.s32 $0x1, s18;
	[sflag:s9] =	ssyncadd.s32 $0xFFFFC000  }
0x22: {  	[tilespmem:s20], [sflag:$0x3] =	stream.linear.gather [hbm4b:s16+s2], $0x80, $0x38;
	[tilespmem:$0x8100] =	vst v63  }
0x23: {  	s17 =	sadd.s32 $0xFFFFFFFF, s17;
	s18 =	sshll.u32 s18, $0xE;
	_ =	swait.ge [sflag:s9], $0x80  }
0x24: {  	s17 =	sand.u32 $0x1, s17;
	s18 =	sor.u32 $0x100, s18;
	[sflag:s9] =	ssyncset.done $0x0  }
0x25: {  	s23 =	sadd.s32 $0x1, s17;
	s24 =	sshll.u32 s17, $0xE;
	[sflag:s9] =	ssyncadd.s32 $0xFFFFFF80  }
0x26: {  	[tilespmem:s18], [sflag:s19] =	stream.indirect.gather [hbm4b:s3+s10], $0x80, s20, s10, $0xb8;
	[tilespmem:$0x8100] =	vst v63  }
.Ltmp0:
0x27: {  	s17 =	smov.u32 s21;
	_ =	swait.ge [sflag:s23], $0x4000;
	(pc) =	sbr.rel @p0 .LBB2_2-.Ltmp0, $4  }
0x28: {  	s18 =	sor.u32 $0x100, s24;
	[sflag:s23] =	ssyncset.done $0x0  }
0x29: {  	s16 =	sadd.s32 $0x10, s16;
	s19 =	smov.u32 s22;
	[sflag:s23] =	ssyncadd.s32 $0xFFFFC000  }
0x2a: {  	[hbm4b:s15+s2] =	stream.linear.scatter [tilespmem:s18], [sflag:$0x3], $0x4000, $0x38;
	[tilespmem:$0x8100] =	vst v63  }
0x2b: {  	s18 =	sand.u32 $0x1, s17;
	s15 =	sadd.s32 $0x800, s15;
	_ =	swait.ge [sflag:s9], $0x4000  }
0x2c: {  	[sflag:s9] =	ssyncset.done $0x0  }
0x2d: {  	s19 =	sshll.u32 s18, $0x7;
	[sflag:s9] =	ssyncadd.s32 $0xFFFFC000  }
0x2e: {  	[tilespmem:s19], [sflag:$0x3] =	stream.linear.gather [hbm4b:s16+s2], $0x80, $0x38;
	[tilespmem:$0x8100] =	vst v63  }
0x2f: {  	s29 =	sadd.s32 $0x1, s18;
	s17 =	sadd.s32 $0xFFFFFFFF, s17;
	_ =	swait.ge [sflag:s9], $0x80  }
0x30: {  	s30 =	sshll.u32 s18, $0xE;
	s17 =	sand.u32 $0x1, s17;
	[sflag:s9] =	ssyncset.done $0x0  }
0x31: {  	s18 =	sor.u32 $0x100, s30;
	s20 =	sadd.s32 $0x1, s17;
	[sflag:s9] =	ssyncadd.s32 $0xFFFFFF80  }
0x32: {  	[tilespmem:s18], [sflag:s29] =	stream.indirect.gather [hbm4b:s3+s10], $0x80, s19, s10, $0xb8;
	[tilespmem:$0x8100] =	vst v63  }
0x33: {  	_ =	swait.ge [sflag:s20], $0x4000  }
0x34: {  	s31 =	sshll.u32 s17, $0xE;
	[sflag:s20] =	ssyncset.done $0x0  }
0x35: {  	s16 =	sor.u32 $0x100, s31;
	[sflag:s20] =	ssyncadd.s32 $0xFFFFC000  }
0x36: {  	[hbm4b:s15+s2] =	stream.linear.scatter [tilespmem:s16], [sflag:$0x3], $0x4000, $0x38;
	[tilespmem:$0x8100] =	vst v63  }
0x37: {  	_ =	swait.ge [sflag:s9], $0x4000  }
0x38: {  	[sflag:s9] =	ssyncset.done $0x0  }
0x39: {  	[sflag:s9] =	ssyncadd.s32 $0xFFFFC000  }
0x3a: {  	s14 =	sadd.s32 $0x1, s14;
	_ =	swait.ge [sflag:s12], $0x4000  }
0x3b: {  	p0 =	sne.s32 s14, s5;
	[sflag:s12] =	ssyncset.done $0x0  }
.Ltmp1:
0x3c: {  	[sflag:s12] =	ssyncadd.s32 $0xFFFFC000;
	(pc) =	sbr.rel @p0 .LBB2_1-.Ltmp1, $4  }
0x3d: {  	[hbm4b:s6+s2] =	stream.linear.scatter [tilespmem:s13], [sflag:$0x3], $0x4000, $0x38;
	[tilespmem:$0x8100] =	vst v63  }
0x3e: {  	_ =	swait.ge [sflag:s9], $0x4000  }
0x3f: {  	[sflag:s9] =	ssyncset.done $0x0  }
0x40: {  	[sflag:s9] =	ssyncadd.s32 $0xFFFFC000  }
0x41: {  	_ =	sfence.sel $0x180000  }
0x42: {  	[bflag:$0x0] =	sbarrier.arrive $0xFFFF  }
0x43: {  	p0 =	sne.s32 s0, $0x0;
	_ =	strace $0x90000050  }
0x44: {  	s0 =	sadd.s32 @!p0 $0x100000, s1;
	[bflag:$0x2] =	sbarrier.arrive $0xFFFF  }
0x45: {  	[sflag:s0] =	ssyncadd.tile.s32 @!p0 $0x1;
	_ =	shalt  }
.Lfunc_end2:
_tile_overlayer_lowered:
.L_overlay_start_2:
0x46: {  	(tag) =	ssettag $0x2  }
0x47: {  	s0 =	rddreg [dreg:$0x0];
	s2 =	stileid.u32  }
0x48: {  	s1 =	rddreg [dreg:$0x1];
	p0 =	sne.s32 s2, $0x0  }
0x49: {  	s3 =	rddreg [dreg:$0x2];
	[bflag:$0x3] =	sbarrier.arrive $0xFFFF;
	s2 =	simm.s32 @!p0 $0x1C03  }
0x4a: {  	[timem:s3], [sflag:s2] =	dma.local @!p0 [hbm:s0], s1  }
0x4b: {  	s0 =	simm.s32 @!p0 $0x3  }
0x4c: {  	_ =	swait.ge @!p0 [sflag:s0], s1  }
0x4d: {  	s1 =	ssub.s32 @!p0 $0x0, s1;
	[sflag:s0] =	ssyncset.done @!p0 $0x0  }
0x4e: {  	[sflag:s0] =	ssyncadd.s32 @!p0 s1  }
0x4f: {  	[bflag:$0x3] =	sbarrier.arrive $0xFFFF  }
0x50: {  	_ =	shalt  }

</sc_bundles>
